<compile_context>
chip_gen: v7x
topology: tpu7x:2x2x1
jax: 0.10.2.dev20260603
libtpu: 0.0.44.dev20260713+nightly
codegen_flags: <defaults>
</compile_context>

<pallas_src>
import functools

import jax
import jax.numpy as jnp
from jax import lax
from jax.experimental import pallas as pl
from jax.experimental.pallas import tpu as pltpu
from jax.experimental.pallas import tpu_sc as plsc

_NUM_VOCAB = 1000000
_EMBED_DIM = 64
_BATCH = 4096
_HIST = 200

_INFO = plsc.get_sparse_core_info()
_NC, _NS = _INFO.num_cores, _INFO.num_subcores
_NW = _NC * _NS
_BPW = _BATCH // _NW
_CH = (128, 72)
_H0 = (0, 128)


_NSTEPS = 2 * _BPW

_TBLK = 128
_NFULL = _NUM_VOCAB // _TBLK
_TAIL = _NUM_VOCAB - _NFULL * _TBLK


def _iota16():
    return lax.iota(jnp.int32, 16)


def _trans_body(tT_hbm, tail_hbm, out_hbm, inb0, inb1, outb0, outb1, tinb,
                tin0, tin1, tout0, tout1):
    wid = lax.axis_index("s") * _NC + lax.axis_index("c")
    inb = (inb0, inb1)
    outb = (outb0, outb1)
    tin = (tin0, tin1)
    tout = (tout0, tout1)
    nblk = 244 + jnp.where(wid < jnp.int32(_NFULL - 244 * _NW), 1, 0)

    def col0_of(i):
        return _TBLK * (wid + _NW * i)

    def load(i, p):
        pltpu.async_copy(tT_hbm.at[:, pl.ds(col0_of(i), _TBLK)], inb[p],
                         tin[p])

    def transpose_block(src, dst, width):
        iot = _iota16()

        def col8(j8, carry):
            vecs = []
            for u in range(8):
                j = j8 * 8 + u
                cols = lax.bitwise_and(j + iot, jnp.int32(width - 1))
                for k in range(_EMBED_DIM // 16):
                    rows = iot + 16 * k
                    vecs.append((cols, rows,
                                 plsc.load_gather(src, [rows, cols])))
            for cols, rows, vec in vecs:
                plsc.store_scatter(dst, [cols, rows], vec)
            return carry
        lax.fori_loop(0, width // 8, col8, 0)

    load(0, 0)

    @pl.when(nblk > 1)
    def _():
        load(1, 1)

    def blk_step(i, carry):
        for p in range(2):
            ii = i * 2 + p

            @pl.when(ii < nblk)
            def _():
                pltpu.make_async_copy(tT_hbm.at[:, pl.ds(0, _TBLK)], inb[p],
                                      tin[p]).wait()
                @pl.when(ii >= 2)
                def _():
                    pltpu.make_async_copy(outb[p],
                                          out_hbm.at[pl.ds(0, _TBLK)],
                                          tout[p]).wait()
                transpose_block(inb[p], outb[p], _TBLK)

                @pl.when(ii + 2 < nblk)
                def _():
                    load(ii + 2, p)
                pltpu.async_copy(outb[p], out_hbm.at[pl.ds(col0_of(ii), _TBLK)],
                                 tout[p])
        return carry

    lax.fori_loop(0, 123, blk_step, 0)

    @pl.when(nblk > 0)
    def _():
        pltpu.make_async_copy(outb[0], out_hbm.at[pl.ds(0, _TBLK)],
                              tout[0]).wait()

    @pl.when(nblk > 1)
    def _():
        pltpu.make_async_copy(outb[1], out_hbm.at[pl.ds(0, _TBLK)],
                              tout[1]).wait()

    @pl.when(wid == 0)
    def _():
        pltpu.sync_copy(tail_hbm, tinb)
        transpose_block(tinb, outb0, _TAIL)
        pltpu.sync_copy(outb0.at[pl.ds(0, _TAIL)],
                        out_hbm.at[pl.ds(_NFULL * _TBLK, _TAIL)])


def _body(x_hbm, table_hbm, out_hbm, idx_v,
          rows00, rows01, rows10, rows11,
          gs00, gs01, gs10, gs11, os00, os01, os10, os11):
    wid = lax.axis_index("s") * _NC + lax.axis_index("c")
    b0 = wid * _BPW
    pltpu.sync_copy(x_hbm.at[pl.ds(b0, _BPW)], idx_v)

    rows = ((rows00, rows01), (rows10, rows11))
    gs = ((gs00, gs01), (gs10, gs11))
    os = ((os00, os01), (os10, os11))

    def gather(s, p, b):
        pltpu.async_copy(table_hbm.at[idx_v.at[s // 2, pl.ds(_H0[b], _CH[b])]],
                         rows[p][b], gs[p][b])

    def wb_dst(r, b):
        return out_hbm.at[b0 + r, pl.ds(_H0[b], _CH[b]), pl.ds(0, _EMBED_DIM)]

    def quad_step(s4, carry):
        for k in range(4):
            b = k & 1
            p = (k >> 1) & 1
            s = s4 * 4 + k
            pltpu.make_async_copy(table_hbm.at[idx_v.at[0, pl.ds(0, _CH[b])]],
                                  rows[p][b], gs[p][b]).wait()
            pltpu.async_copy(rows[p][b], wb_dst(s // 2, b), os[p][b])

            @pl.when(s + 4 < _NSTEPS)
            def _():
                pltpu.make_async_copy(rows[p][b], wb_dst(0, b),
                                      os[p][b]).wait()
                gather(s + 4, p, b)
        return carry

    for k in range(4):
        gather(k, (k >> 1) & 1, k & 1)
    lax.fori_loop(0, _NSTEPS // 4, quad_step, 0)

    for p in range(2):
        for b in range(2):
            pltpu.make_async_copy(rows[p][b], wb_dst(0, b), os[p][b]).wait()


@jax.jit
def kernel(x, table):
    x2 = x * 2
    trans = functools.partial(
        pl.kernel,
        out_type=jax.ShapeDtypeStruct((_NUM_VOCAB, 2 * _EMBED_DIM),
                                      jnp.float32),
        mesh=plsc.VectorSubcoreMesh(core_axis_name="c", subcore_axis_name="s"),
        scratch_types=[
            pltpu.VMEM((_EMBED_DIM, _TBLK), jnp.float32),
            pltpu.VMEM((_EMBED_DIM, _TBLK), jnp.float32),
            pltpu.VMEM((_TBLK, 2 * _EMBED_DIM), jnp.float32),
            pltpu.VMEM((_TBLK, 2 * _EMBED_DIM), jnp.float32),
            pltpu.VMEM((_EMBED_DIM, _TAIL), jnp.float32),
        ] + [pltpu.SemaphoreType.DMA] * 4,
        compiler_params=pltpu.CompilerParams(use_tc_tiling_on_sc=True,
                                             needs_layout_passes=False),
    )(_trans_body)
    t128 = trans(table.T, table.T[:, _NFULL * _TBLK:])
    t2 = t128.reshape(2 * _NUM_VOCAB, _EMBED_DIM)
    run = functools.partial(
        pl.kernel,
        out_type=jax.ShapeDtypeStruct((_BATCH, _HIST, 2 * _EMBED_DIM),
                                      jnp.float32),
        mesh=plsc.VectorSubcoreMesh(core_axis_name="c", subcore_axis_name="s"),
        scratch_types=[
            pltpu.VMEM((_BPW, _HIST), jnp.int32),
            pltpu.VMEM((_CH[0], _EMBED_DIM), jnp.float32),
            pltpu.VMEM((_CH[1], _EMBED_DIM), jnp.float32),
            pltpu.VMEM((_CH[0], _EMBED_DIM), jnp.float32),
            pltpu.VMEM((_CH[1], _EMBED_DIM), jnp.float32),
        ] + [pltpu.SemaphoreType.DMA] * 8,
        compiler_params=pltpu.CompilerParams(use_tc_tiling_on_sc=False),
    )(_body)
    out_pad = run(x2, t2)
    return out_pad[:, :, :_EMBED_DIM]

# --- scband reference (transcript-rebuilt; emitter-appended) ---
"""Pipeline reference for scband-embedding-77687368450546 (READ-ONLY COPY).

The authoritative reference and input builder live on the scoring server;
editing this copy changes nothing except your own understanding.
"""

import jax, jax.numpy as jnp
import numpy as np

NUM_VOCAB = 1000000
EMBED_DIM = 64
PADDING_IDX = 0
BATCH = 4096
HIST = 200


def setup_inputs(seed: int = 0) -> dict:
    key = jax.random.key(seed)
    k_idx, k_tab = jax.random.split(key)
    x = jax.random.randint(k_idx, (BATCH, HIST), 0, NUM_VOCAB, dtype=jnp.int64 if jax.config.jax_enable_x64 else jnp.int32)
    x = x.astype(jnp.int32)
    table = jax.random.normal(k_tab, (NUM_VOCAB, EMBED_DIM), dtype=jnp.float32)
    # nn.Embedding with padding_idx=0 zeros the padding row
    table = table.at[PADDING_IDX].set(0.0)
    return {"x": x, "table": table}


def reference(x, table):
    # lut(x): gather rows. Dropout is identity in eval mode.
    out = jnp.take(table, x, axis=0)
    return out

if __name__ == "__main__":
    import jax
    _d = setup_inputs()
    print(jax.jit(kernel)(*tuple(_d.values())))

</pallas_src>

<mosaic_0001>
#map = affine_map<(d0, d1) -> (0, 0)>
module attributes {stable_mosaic.version = 14 : i64} {
  func.func @_trans_body(%arg0: i32, %arg1: i32, %arg2: memref<64x1000000xf32, #tpu.memory_space<hbm>>, %arg3: memref<64x64xf32, #tpu.memory_space<hbm>>, %arg4: memref<1000000x128xf32, #tpu.memory_space<hbm>>, %arg5: memref<64x128xf32, #tpu.memory_space<vmem>>, %arg6: memref<64x128xf32, #tpu.memory_space<vmem>>, %arg7: memref<128x128xf32, #tpu.memory_space<vmem>>, %arg8: memref<128x128xf32, #tpu.memory_space<vmem>>, %arg9: memref<64x64xf32, #tpu.memory_space<vmem>>, %arg10: memref<!tpu.dma_semaphore, #tpu.memory_space<semaphore_mem>>, %arg11: memref<!tpu.dma_semaphore, #tpu.memory_space<semaphore_mem>>, %arg12: memref<!tpu.dma_semaphore, #tpu.memory_space<semaphore_mem>>, %arg13: memref<!tpu.dma_semaphore, #tpu.memory_space<semaphore_mem>>) attributes {dimension_semantics = [#tpu.dimension_semantics<core_parallel>, #tpu.dimension_semantics<subcore_parallel>], iteration_bounds = array<i64: 2, 16>, scalar_prefetch = 0 : i64, scratch_operands = 9 : i64, tpu.core_type = #tpu.core_type<sc_vector_subcore>, window_params = [{transform_indices = #map}, {transform_indices = #map}, {transform_indices = #map}]} {
    %mul3A = arith.constant 2 : i32
    %mul3A_0 = arith.muli %arg1, %mul3A : i32
    %add3A = arith.addi %mul3A_0, %arg0 : i32
    %lt3A = arith.constant 4 : i32
    %lt3A_1 = arith.cmpi slt, %add3A, %lt3A : i32
    %jit3A = arith.constant 1 : i32
    %jit3A_2 = arith.constant 0 : i32
    %select_n3A = arith.select %lt3A_1, %jit3A, %jit3A_2 : i32
    %add3A_3 = arith.constant 244 : i32
    %add3A_4 = arith.addi %add3A_3, %select_n3A : i32
    %add3A_5 = arith.constant 0 : i32
    %add3A_6 = arith.addi %add3A, %add3A_5 : i32
    %mul3A_7 = arith.constant 128 : i32
    %mul3A_8 = arith.muli %mul3A_7, %add3A_6 : i32
    %dma_start3A = arith.constant 0 : i32
    %dma_start3A_9 = tpu.memref_slice %arg2[%dma_start3A, %mul3A_8] : memref<64x1000000xf32, #tpu.memory_space<hbm>> -> memref<64x128xf32, #tpu.memory_space<hbm>>
    %dma_start3A_10 = arith.constant 0 : i32
    %dma_start3A_11 = tpu.memref_slice %arg2[%dma_start3A_10, %mul3A_8] : memref<64x1000000xf32, #tpu.memory_space<hbm>> -> memref<64x128xf32, #tpu.memory_space<hbm>>
    tpu.enqueue_dma source(%dma_start3A_11 : memref<64x128xf32, #tpu.memory_space<hbm>>) target(%arg5 : memref<64x128xf32, #tpu.memory_space<vmem>>) target_semaphore(%arg10 : memref<!tpu.dma_semaphore, #tpu.memory_space<semaphore_mem>>)
    %gt3A = arith.constant 1 : i32
    %gt3A_12 = arith.cmpi sgt, %add3A_4, %gt3A : i32
    %convert_element_type3A = arith.extui %gt3A_12 : i1 to i32
    %cond3A = arith.constant 0 : i32
    %cond3A_13 = arith.cmpi ne, %convert_element_type3A, %cond3A : i32
    scf.if %cond3A_13 {
      %add3A_33 = arith.constant 32 : i32
      %add3A_34 = arith.addi %add3A, %add3A_33 : i32
      %mul3A_35 = arith.constant 128 : i32
      %mul3A_36 = arith.muli %mul3A_35, %add3A_34 : i32
      %dma_start3A_37 = arith.constant 0 : i32
      %dma_start3A_38 = tpu.memref_slice %arg2[%dma_start3A_37, %mul3A_36] : memref<64x1000000xf32, #tpu.memory_space<hbm>> -> memref<64x128xf32, #tpu.memory_space<hbm>>
      %dma_start3A_39 = arith.constant 0 : i32
      %dma_start3A_40 = tpu.memref_slice %arg2[%dma_start3A_39, %mul3A_36] : memref<64x1000000xf32, #tpu.memory_space<hbm>> -> memref<64x128xf32, #tpu.memory_space<hbm>>
      tpu.enqueue_dma source(%dma_start3A_40 : memref<64x128xf32, #tpu.memory_space<hbm>>) target(%arg6 : memref<64x128xf32, #tpu.memory_space<vmem>>) target_semaphore(%arg11 : memref<!tpu.dma_semaphore, #tpu.memory_space<semaphore_mem>>)
    } else {
    }
    %scan3A = arith.constant 0 : i32
    %scan3A_14 = arith.constant 0 : i32
    %scan3A_15 = arith.constant 123 : i32
    %scan3A_16 = arith.addi %scan3A_14, %scan3A_15 : i32
    %scan3A_17 = arith.constant 1 : i32
    scf.for %scan3A_33 = %scan3A_14 to %scan3A_16 step %scan3A_17  : i32 {
      %mul3A_34 = arith.constant 2 : i32
      %mul3A_35 = arith.muli %scan3A_33, %mul3A_34 : i32
      %add3A_36 = arith.constant 0 : i32
      %add3A_37 = arith.addi %mul3A_35, %add3A_36 : i32
      %lt3A_38 = arith.cmpi slt, %add3A_37, %add3A_4 : i32
      %convert_element_type3A_39 = arith.extui %lt3A_38 : i1 to i32
      %cond3A_40 = arith.constant 0 : i32
      %cond3A_41 = arith.cmpi ne, %convert_element_type3A_39, %cond3A_40 : i32
      scf.if %cond3A_41 {
        %dma_wait3A = arith.constant 0 : i32
        %dma_wait3A_50 = arith.constant 0 : i32
        %dma_wait3A_51 = tpu.memref_slice %arg2[%dma_wait3A, %dma_wait3A_50] : memref<64x1000000xf32, #tpu.memory_space<hbm>> -> memref<64x128xf32, #tpu.memory_space<hbm>>
        %dma_wait3A_52 = arith.constant 0 : i32
        %dma_wait3A_53 = arith.constant 0 : i32
        %dma_wait3A_54 = tpu.memref_slice %arg2[%dma_wait3A_52, %dma_wait3A_53] : memref<64x1000000xf32, #tpu.memory_space<hbm>> -> memref<64x128xf32, #tpu.memory_space<hbm>>
        tpu.wait_dma2 semaphore(%arg10 : memref<!tpu.dma_semaphore, #tpu.memory_space<semaphore_mem>>) src(%dma_wait3A_54 : memref<64x128xf32, #tpu.memory_space<hbm>>) dst(%arg5 : memref<64x128xf32, #tpu.memory_space<vmem>>)
        %ge3A = arith.constant 2 : i32
        %ge3A_55 = arith.cmpi sge, %add3A_37, %ge3A : i32
        %convert_element_type3A_56 = arith.extui %ge3A_55 : i1 to i32
        %cond3A_57 = arith.constant 0 : i32
        %cond3A_58 = arith.cmpi ne, %convert_element_type3A_56, %cond3A_57 : i32
        scf.if %cond3A_58 {
          %dma_wait3A_80 = arith.constant 0 : i32
          %dma_wait3A_81 = arith.constant 0 : i32
          %dma_wait3A_82 = tpu.memref_slice %arg4[%dma_wait3A_80, %dma_wait3A_81] : memref<1000000x128xf32, #tpu.memory_space<hbm>> -> memref<128x128xf32, #tpu.memory_space<hbm>>
          %dma_wait3A_83 = arith.constant 0 : i32
          %dma_wait3A_84 = arith.constant 0 : i32
          %dma_wait3A_85 = tpu.memref_slice %arg4[%dma_wait3A_83, %dma_wait3A_84] : memref<1000000x128xf32, #tpu.memory_space<hbm>> -> memref<128x128xf32, #tpu.memory_space<hbm>>
          tpu.wait_dma2 semaphore(%arg12 : memref<!tpu.dma_semaphore, #tpu.memory_space<semaphore_mem>>) src(%arg7 : memref<128x128xf32, #tpu.memory_space<vmem>>) dst(%dma_wait3A_85 : memref<128x128xf32, #tpu.memory_space<hbm>>)
        } else {
        }
        %iota3A = tpu.iota {dimensions = array<i32: 0>} : vector<16xi32>
        %scan3A_59 = arith.constant 0 : i32
        %scan3A_60 = arith.constant 0 : i32
        %scan3A_61 = arith.constant 16 : i32
        %scan3A_62 = arith.addi %scan3A_60, %scan3A_61 : i32
        %scan3A_63 = arith.constant 1 : i32
        scf.for %scan3A_80 = %scan3A_60 to %scan3A_62 step %scan3A_63  : i32 {
          %mul3A_81 = arith.constant 8 : i32
          %mul3A_82 = arith.muli %scan3A_80, %mul3A_81 : i32
          %add3A_83 = arith.constant 0 : i32
          %add3A_84 = arith.addi %mul3A_82, %add3A_83 : i32
          %add3A_85 = vector.broadcast %add3A_84 : i32 to vector<16xi32>
          %add3A_86 = arith.addi %add3A_85, %iota3A : vector<16xi32>
          %and3A = arith.constant 127 : i32
          %and3A_87 = vector.broadcast %and3A : i32 to vector<16xi32>
          %and3A_88 = arith.andi %add3A_86, %and3A_87 : vector<16xi32>
          %add3A_89 = arith.constant 0 : i32
          %add3A_90 = vector.broadcast %add3A_89 : i32 to vector<16xi32>
          %add3A_91 = arith.addi %iota3A, %add3A_90 : vector<16xi32>
          %gather3A = tpu.vector_load_idx %arg5[%add3A_91, %and3A_88] : memref<64x128xf32, #tpu.memory_space<vmem>>[vector<16xi32>, vector<16xi32>], vector<16xf32>,
          %add3A_92 = arith.constant 16 : i32
          %add3A_93 = vector.broadcast %add3A_92 : i32 to vector<16xi32>
          %add3A_94 = arith.addi %iota3A, %add3A_93 : vector<16xi32>
          %gather3A_95 = tpu.vector_load_idx %arg5[%add3A_94, %and3A_88] : memref<64x128xf32, #tpu.memory_space<vmem>>[vector<16xi32>, vector<16xi32>], vector<16xf32>,
          %add3A_96 = arith.constant 32 : i32
          %add3A_97 = vector.broadcast %add3A_96 : i32 to vector<16xi32>
          %add3A_98 = arith.addi %iota3A, %add3A_97 : vector<16xi32>
          %gather3A_99 = tpu.vector_load_idx %arg5[%add3A_98, %and3A_88] : memref<64x128xf32, #tpu.memory_space<vmem>>[vector<16xi32>, vector<16xi32>], vector<16xf32>,
          %add3A_100 = arith.constant 48 : i32
          %add3A_101 = vector.broadcast %add3A_100 : i32 to vector<16xi32>
          %add3A_102 = arith.addi %iota3A, %add3A_101 : vector<16xi32>
          %gather3A_103 = tpu.vector_load_idx %arg5[%add3A_102, %and3A_88] : memref<64x128xf32, #tpu.memory_space<vmem>>[vector<16xi32>, vector<16xi32>], vector<16xf32>,
          %mul3A_104 = arith.constant 8 : i32
          %mul3A_105 = arith.muli %scan3A_80, %mul3A_104 : i32
          %add3A_106 = arith.constant 1 : i32
          %add3A_107 = arith.addi %mul3A_105, %add3A_106 : i32
          %add3A_108 = vector.broadcast %add3A_107 : i32 to vector<16xi32>
          %add3A_109 = arith.addi %add3A_108, %iota3A : vector<16xi32>
          %and3A_110 = arith.constant 127 : i32
          %and3A_111 = vector.broadcast %and3A_110 : i32 to vector<16xi32>
          %and3A_112 = arith.andi %add3A_109, %and3A_111 : vector<16xi32>
          %add3A_113 = arith.constant 0 : i32
          %add3A_114 = vector.broadcast %add3A_113 : i32 to vector<16xi32>
          %add3A_115 = arith.addi %iota3A, %add3A_114 : vector<16xi32>
          %gather3A_116 = tpu.vector_load_idx %arg5[%add3A_115, %and3A_112] : memref<64x128xf32, #tpu.memory_space<vmem>>[vector<16xi32>, vector<16xi32>], vector<16xf32>,
          %add3A_117 = arith.constant 16 : i32
          %add3A_118 = vector.broadcast %add3A_117 : i32 to vector<16xi32>
          %add3A_119 = arith.addi %iota3A, %add3A_118 : vector<16xi32>
          %gather3A_120 = tpu.vector_load_idx %arg5[%add3A_119, %and3A_112] : memref<64x128xf32, #tpu.memory_space<vmem>>[vector<16xi32>, vector<16xi32>], vector<16xf32>,
          %add3A_121 = arith.constant 32 : i32
          %add3A_122 = vector.broadcast %add3A_121 : i32 to vector<16xi32>
          %add3A_123 = arith.addi %iota3A, %add3A_122 : vector<16xi32>
          %gather3A_124 = tpu.vector_load_idx %arg5[%add3A_123, %and3A_112] : memref<64x128xf32, #tpu.memory_space<vmem>>[vector<16xi32>, vector<16xi32>], vector<16xf32>,
          %add3A_125 = arith.constant 48 : i32
          %add3A_126 = vector.broadcast %add3A_125 : i32 to vector<16xi32>
          %add3A_127 = arith.addi %iota3A, %add3A_126 : vector<16xi32>
          %gather3A_128 = tpu.vector_load_idx %arg5[%add3A_127, %and3A_112] : memref<64x128xf32, #tpu.memory_space<vmem>>[vector<16xi32>, vector<16xi32>], vector<16xf32>,
          %mul3A_129 = arith.constant 8 : i32
          %mul3A_130 = arith.muli %scan3A_80, %mul3A_129 : i32
          %add3A_131 = arith.constant 2 : i32
          %add3A_132 = arith.addi %mul3A_130, %add3A_131 : i32
          %add3A_133 = vector.broadcast %add3A_132 : i32 to vector<16xi32>
          %add3A_134 = arith.addi %add3A_133, %iota3A : vector<16xi32>
          %and3A_135 = arith.constant 127 : i32
          %and3A_136 = vector.broadcast %and3A_135 : i32 to vector<16xi32>
          %and3A_137 = arith.andi %add3A_134, %and3A_136 : vector<16xi32>
          %add3A_138 = arith.constant 0 : i32
          %add3A_139 = vector.broadcast %add3A_138 : i32 to vector<16xi32>
          %add3A_140 = arith.addi %iota3A, %add3A_139 : vector<16xi32>
          %gather3A_141 = tpu.vector_load_idx %arg5[%add3A_140, %and3A_137] : memref<64x128xf32, #tpu.memory_space<vmem>>[vector<16xi32>, vector<16xi32>], vector<16xf32>,
          %add3A_142 = arith.constant 16 : i32
          %add3A_143 = vector.broadcast %add3A_142 : i32 to vector<16xi32>
          %add3A_144 = arith.addi %iota3A, %add3A_143 : vector<16xi32>
          %gather3A_145 = tpu.vector_load_idx %arg5[%add3A_144, %and3A_137] : memref<64x128xf32, #tpu.memory_space<vmem>>[vector<16xi32>, vector<16xi32>], vector<16xf32>,
          %add3A_146 = arith.constant 32 : i32
          %add3A_147 = vector.broadcast %add3A_146 : i32 to vector<16xi32>
          %add3A_148 = arith.addi %iota3A, %add3A_147 : vector<16xi32>
          %gather3A_149 = tpu.vector_load_idx %arg5[%add3A_148, %and3A_137] : memref<64x128xf32, #tpu.memory_space<vmem>>[vector<16xi32>, vector<16xi32>], vector<16xf32>,
          %add3A_150 = arith.constant 48 : i32
          %add3A_151 = vector.broadcast %add3A_150 : i32 to vector<16xi32>
          %add3A_152 = arith.addi %iota3A, %add3A_151 : vector<16xi32>
          %gather3A_153 = tpu.vector_load_idx %arg5[%add3A_152, %and3A_137] : memref<64x128xf32, #tpu.memory_space<vmem>>[vector<16xi32>, vector<16xi32>], vector<16xf32>,
          %mul3A_154 = arith.constant 8 : i32
          %mul3A_155 = arith.muli %scan3A_80, %mul3A_154 : i32
          %add3A_156 = arith.constant 3 : i32
          %add3A_157 = arith.addi %mul3A_155, %add3A_156 : i32
          %add3A_158 = vector.broadcast %add3A_157 : i32 to vector<16xi32>
          %add3A_159 = arith.addi %add3A_158, %iota3A : vector<16xi32>
          %and3A_160 = arith.constant 127 : i32
          %and3A_161 = vector.broadcast %and3A_160 : i32 to vector<16xi32>
          %and3A_162 = arith.andi %add3A_159, %and3A_161 : vector<16xi32>
          %add3A_163 = arith.constant 0 : i32
          %add3A_164 = vector.broadcast %add3A_163 : i32 to vector<16xi32>
          %add3A_165 = arith.addi %iota3A, %add3A_164 : vector<16xi32>
          %gather3A_166 = tpu.vector_load_idx %arg5[%add3A_165, %and3A_162] : memref<64x128xf32, #tpu.memory_space<vmem>>[vector<16xi32>, vector<16xi32>], vector<16xf32>,
          %add3A_167 = arith.constant 16 : i32
          %add3A_168 = vector.broadcast %add3A_167 : i32 to vector<16xi32>
          %add3A_169 = arith.addi %iota3A, %add3A_168 : vector<16xi32>
          %gather3A_170 = tpu.vector_load_idx %arg5[%add3A_169, %and3A_162] : memref<64x128xf32, #tpu.memory_space<vmem>>[vector<16xi32>, vector<16xi32>], vector<16xf32>,
          %add3A_171 = arith.constant 32 : i32
          %add3A_172 = vector.broadcast %add3A_171 : i32 to vector<16xi32>
          %add3A_173 = arith.addi %iota3A, %add3A_172 : vector<16xi32>
          %gather3A_174 = tpu.vector_load_idx %arg5[%add3A_173, %and3A_162] : memref<64x128xf32, #tpu.memory_space<vmem>>[vector<16xi32>, vector<16xi32>], vector<16xf32>,
          %add3A_175 = arith.constant 48 : i32
          %add3A_176 = vector.broadcast %add3A_175 : i32 to vector<16xi32>
          %add3A_177 = arith.addi %iota3A, %add3A_176 : vector<16xi32>
          %gather3A_178 = tpu.vector_load_idx %arg5[%add3A_177, %and3A_162] : memref<64x128xf32, #tpu.memory_space<vmem>>[vector<16xi32>, vector<16xi32>], vector<16xf32>,
          %mul3A_179 = arith.constant 8 : i32
          %mul3A_180 = arith.muli %scan3A_80, %mul3A_179 : i32
          %add3A_181 = arith.constant 4 : i32
          %add3A_182 = arith.addi %mul3A_180, %add3A_181 : i32
          %add3A_183 = vector.broadcast %add3A_182 : i32 to vector<16xi32>
          %add3A_184 = arith.addi %add3A_183, %iota3A : vector<16xi32>
          %and3A_185 = arith.constant 127 : i32
          %and3A_186 = vector.broadcast %and3A_185 : i32 to vector<16xi32>
          %and3A_187 = arith.andi %add3A_184, %and3A_186 : vector<16xi32>
          %add3A_188 = arith.constant 0 : i32
          %add3A_189 = vector.broadcast %add3A_188 : i32 to vector<16xi32>
          %add3A_190 = arith.addi %iota3A, %add3A_189 : vector<16xi32>
          %gather3A_191 = tpu.vector_load_idx %arg5[%add3A_190, %and3A_187] : memref<64x128xf32, #tpu.memory_space<vmem>>[vector<16xi32>, vector<16xi32>], vector<16xf32>,
          %add3A_192 = arith.constant 16 : i32
          %add3A_193 = vector.broadcast %add3A_192 : i32 to vector<16xi32>
          %add3A_194 = arith.addi %iota3A, %add3A_193 : vector<16xi32>
          %gather3A_195 = tpu.vector_load_idx %arg5[%add3A_194, %and3A_187] : memref<64x128xf32, #tpu.memory_space<vmem>>[vector<16xi32>, vector<16xi32>], vector<16xf32>,
          %add3A_196 = arith.constant 32 : i32
          %add3A_197 = vector.broadcast %add3A_196 : i32 to vector<16xi32>
          %add3A_198 = arith.addi %iota3A, %add3A_197 : vector<16xi32>
          %gather3A_199 = tpu.vector_load_idx %arg5[%add3A_198, %and3A_187] : memref<64x128xf32, #tpu.memory_space<vmem>>[vector<16xi32>, vector<16xi32>], vector<16xf32>,
          %add3A_200 = arith.constant 48 : i32
          %add3A_201 = vector.broadcast %add3A_200 : i32 to vector<16xi32>
          %add3A_202 = arith.addi %iota3A, %add3A_201 : vector<16xi32>
          %gather3A_203 = tpu.vector_load_idx %arg5[%add3A_202, %and3A_187] : memref<64x128xf32, #tpu.memory_space<vmem>>[vector<16xi32>, vector<16xi32>], vector<16xf32>,
          %mul3A_204 = arith.constant 8 : i32
          %mul3A_205 = arith.muli %scan3A_80, %mul3A_204 : i32
          %add3A_206 = arith.constant 5 : i32
          %add3A_207 = arith.addi %mul3A_205, %add3A_206 : i32
          %add3A_208 = vector.broadcast %add3A_207 : i32 to vector<16xi32>
          %add3A_209 = arith.addi %add3A_208, %iota3A : vector<16xi32>
          %and3A_210 = arith.constant 127 : i32
          %and3A_211 = vector.broadcast %and3A_210 : i32 to vector<16xi32>
          %and3A_212 = arith.andi %add3A_209, %and3A_211 : vector<16xi32>
          %add3A_213 = arith.constant 0 : i32
          %add3A_214 = vector.broadcast %add3A_213 : i32 to vector<16xi32>
          %add3A_215 = arith.addi %iota3A, %add3A_214 : vector<16xi32>
          %gather3A_216 = tpu.vector_load_idx %arg5[%add3A_215, %and3A_212] : memref<64x128xf32, #tpu.memory_space<vmem>>[vector<16xi32>, vector<16xi32>], vector<16xf32>,
          %add3A_217 = arith.constant 16 : i32
          %add3A_218 = vector.broadcast %add3A_217 : i32 to vector<16xi32>
          %add3A_219 = arith.addi %iota3A, %add3A_218 : vector<16xi32>
          %gather3A_220 = tpu.vector_load_idx %arg5[%add3A_219, %and3A_212] : memref<64x128xf32, #tpu.memory_space<vmem>>[vector<16xi32>, vector<16xi32>], vector<16xf32>,
          %add3A_221 = arith.constant 32 : i32
          %add3A_222 = vector.broadcast %add3A_221 : i32 to vector<16xi32>
          %add3A_223 = arith.addi %iota3A, %add3A_222 : vector<16xi32>
          %gather3A_224 = tpu.vector_load_idx %arg5[%add3A_223, %and3A_212] : memref<64x128xf32, #tpu.memory_space<vmem>>[vector<16xi32>, vector<16xi32>], vector<16xf32>,
          %add3A_225 = arith.constant 48 : i32
          %add3A_226 = vector.broadcast %add3A_225 : i32 to vector<16xi32>
          %add3A_227 = arith.addi %iota3A, %add3A_226 : vector<16xi32>
          %gather3A_228 = tpu.vector_load_idx %arg5[%add3A_227, %and3A_212] : memref<64x128xf32, #tpu.memory_space<vmem>>[vector<16xi32>, vector<16xi32>], vector<16xf32>,
          %mul3A_229 = arith.constant 8 : i32
          %mul3A_230 = arith.muli %scan3A_80, %mul3A_229 : i32
          %add3A_231 = arith.constant 6 : i32
          %add3A_232 = arith.addi %mul3A_230, %add3A_231 : i32
          %add3A_233 = vector.broadcast %add3A_232 : i32 to vector<16xi32>
          %add3A_234 = arith.addi %add3A_233, %iota3A : vector<16xi32>
          %and3A_235 = arith.constant 127 : i32
          %and3A_236 = vector.broadcast %and3A_235 : i32 to vector<16xi32>
          %and3A_237 = arith.andi %add3A_234, %and3A_236 : vector<16xi32>
          %add3A_238 = arith.constant 0 : i32
          %add3A_239 = vector.broadcast %add3A_238 : i32 to vector<16xi32>
          %add3A_240 = arith.addi %iota3A, %add3A_239 : vector<16xi32>
          %gather3A_241 = tpu.vector_load_idx %arg5[%add3A_240, %and3A_237] : memref<64x128xf32, #tpu.memory_space<vmem>>[vector<16xi32>, vector<16xi32>], vector<16xf32>,
          %add3A_242 = arith.constant 16 : i32
          %add3A_243 = vector.broadcast %add3A_242 : i32 to vector<16xi32>
          %add3A_244 = arith.addi %iota3A, %add3A_243 : vector<16xi32>
          %gather3A_245 = tpu.vector_load_idx %arg5[%add3A_244, %and3A_237] : memref<64x128xf32, #tpu.memory_space<vmem>>[vector<16xi32>, vector<16xi32>], vector<16xf32>,
          %add3A_246 = arith.constant 32 : i32
          %add3A_247 = vector.broadcast %add3A_246 : i32 to vector<16xi32>
          %add3A_248 = arith.addi %iota3A, %add3A_247 : vector<16xi32>
          %gather3A_249 = tpu.vector_load_idx %arg5[%add3A_248, %and3A_237] : memref<64x128xf32, #tpu.memory_space<vmem>>[vector<16xi32>, vector<16xi32>], vector<16xf32>,
          %add3A_250 = arith.constant 48 : i32
          %add3A_251 = vector.broadcast %add3A_250 : i32 to vector<16xi32>
          %add3A_252 = arith.addi %iota3A, %add3A_251 : vector<16xi32>
          %gather3A_253 = tpu.vector_load_idx %arg5[%add3A_252, %and3A_237] : memref<64x128xf32, #tpu.memory_space<vmem>>[vector<16xi32>, vector<16xi32>], vector<16xf32>,
          %mul3A_254 = arith.constant 8 : i32
          %mul3A_255 = arith.muli %scan3A_80, %mul3A_254 : i32
          %add3A_256 = arith.constant 7 : i32
          %add3A_257 = arith.addi %mul3A_255, %add3A_256 : i32
          %add3A_258 = vector.broadcast %add3A_257 : i32 to vector<16xi32>
          %add3A_259 = arith.addi %add3A_258, %iota3A : vector<16xi32>
          %and3A_260 = arith.constant 127 : i32
          %and3A_261 = vector.broadcast %and3A_260 : i32 to vector<16xi32>
          %and3A_262 = arith.andi %add3A_259, %and3A_261 : vector<16xi32>
          %add3A_263 = arith.constant 0 : i32
          %add3A_264 = vector.broadcast %add3A_263 : i32 to vector<16xi32>
          %add3A_265 = arith.addi %iota3A, %add3A_264 : vector<16xi32>
          %gather3A_266 = tpu.vector_load_idx %arg5[%add3A_265, %and3A_262] : memref<64x128xf32, #tpu.memory_space<vmem>>[vector<16xi32>, vector<16xi32>], vector<16xf32>,
          %add3A_267 = arith.constant 16 : i32
          %add3A_268 = vector.broadcast %add3A_267 : i32 to vector<16xi32>
          %add3A_269 = arith.addi %iota3A, %add3A_268 : vector<16xi32>
          %gather3A_270 = tpu.vector_load_idx %arg5[%add3A_269, %and3A_262] : memref<64x128xf32, #tpu.memory_space<vmem>>[vector<16xi32>, vector<16xi32>], vector<16xf32>,
          %add3A_271 = arith.constant 32 : i32
          %add3A_272 = vector.broadcast %add3A_271 : i32 to vector<16xi32>
          %add3A_273 = arith.addi %iota3A, %add3A_272 : vector<16xi32>
          %gather3A_274 = tpu.vector_load_idx %arg5[%add3A_273, %and3A_262] : memref<64x128xf32, #tpu.memory_space<vmem>>[vector<16xi32>, vector<16xi32>], vector<16xf32>,
          %add3A_275 = arith.constant 48 : i32
          %add3A_276 = vector.broadcast %add3A_275 : i32 to vector<16xi32>
          %add3A_277 = arith.addi %iota3A, %add3A_276 : vector<16xi32>
          %gather3A_278 = tpu.vector_load_idx %arg5[%add3A_277, %and3A_262] : memref<64x128xf32, #tpu.memory_space<vmem>>[vector<16xi32>, vector<16xi32>], vector<16xf32>,
          tpu.vector_store_idx %arg7[%and3A_88, %add3A_91], %gather3A : memref<128x128xf32, #tpu.memory_space<vmem>>[vector<16xi32>, vector<16xi32>], vector<16xf32>,
          tpu.vector_store_idx %arg7[%and3A_88, %add3A_94], %gather3A_95 : memref<128x128xf32, #tpu.memory_space<vmem>>[vector<16xi32>, vector<16xi32>], vector<16xf32>,
          tpu.vector_store_idx %arg7[%and3A_88, %add3A_98], %gather3A_99 : memref<128x128xf32, #tpu.memory_space<vmem>>[vector<16xi32>, vector<16xi32>], vector<16xf32>,
          tpu.vector_store_idx %arg7[%and3A_88, %add3A_102], %gather3A_103 : memref<128x128xf32, #tpu.memory_space<vmem>>[vector<16xi32>, vector<16xi32>], vector<16xf32>,
          tpu.vector_store_idx %arg7[%and3A_112, %add3A_115], %gather3A_116 : memref<128x128xf32, #tpu.memory_space<vmem>>[vector<16xi32>, vector<16xi32>], vector<16xf32>,
          tpu.vector_store_idx %arg7[%and3A_112, %add3A_119], %gather3A_120 : memref<128x128xf32, #tpu.memory_space<vmem>>[vector<16xi32>, vector<16xi32>], vector<16xf32>,
          tpu.vector_store_idx %arg7[%and3A_112, %add3A_123], %gather3A_124 : memref<128x128xf32, #tpu.memory_space<vmem>>[vector<16xi32>, vector<16xi32>], vector<16xf32>,
          tpu.vector_store_idx %arg7[%and3A_112, %add3A_127], %gather3A_128 : memref<128x128xf32, #tpu.memory_space<vmem>>[vector<16xi32>, vector<16xi32>], vector<16xf32>,
          tpu.vector_store_idx %arg7[%and3A_137, %add3A_140], %gather3A_141 : memref<128x128xf32, #tpu.memory_space<vmem>>[vector<16xi32>, vector<16xi32>], vector<16xf32>,
          tpu.vector_store_idx %arg7[%and3A_137, %add3A_144], %gather3A_145 : memref<128x128xf32, #tpu.memory_space<vmem>>[vector<16xi32>, vector<16xi32>], vector<16xf32>,
          tpu.vector_store_idx %arg7[%and3A_137, %add3A_148], %gather3A_149 : memref<128x128xf32, #tpu.memory_space<vmem>>[vector<16xi32>, vector<16xi32>], vector<16xf32>,
          tpu.vector_store_idx %arg7[%and3A_137, %add3A_152], %gather3A_153 : memref<128x128xf32, #tpu.memory_space<vmem>>[vector<16xi32>, vector<16xi32>], vector<16xf32>,
          tpu.vector_store_idx %arg7[%and3A_162, %add3A_165], %gather3A_166 : memref<128x128xf32, #tpu.memory_space<vmem>>[vector<16xi32>, vector<16xi32>], vector<16xf32>,
          tpu.vector_store_idx %arg7[%and3A_162, %add3A_169], %gather3A_170 : memref<128x128xf32, #tpu.memory_space<vmem>>[vector<16xi32>, vector<16xi32>], vector<16xf32>,
          tpu.vector_store_idx %arg7[%and3A_162, %add3A_173], %gather3A_174 : memref<128x128xf32, #tpu.memory_space<vmem>>[vector<16xi32>, vector<16xi32>], vector<16xf32>,
          tpu.vector_store_idx %arg7[%and3A_162, %add3A_177], %gather3A_178 : memref<128x128xf32, #tpu.memory_space<vmem>>[vector<16xi32>, vector<16xi32>], vector<16xf32>,
          tpu.vector_store_idx %arg7[%and3A_187, %add3A_190], %gather3A_191 : memref<128x128xf32, #tpu.memory_space<vmem>>[vector<16xi32>, vector<16xi32>], vector<16xf32>,
          tpu.vector_store_idx %arg7[%and3A_187, %add3A_194], %gather3A_195 : memref<128x128xf32, #tpu.memory_space<vmem>>[vector<16xi32>, vector<16xi32>], vector<16xf32>,
          tpu.vector_store_idx %arg7[%and3A_187, %add3A_198], %gather3A_199 : memref<128x128xf32, #tpu.memory_space<vmem>>[vector<16xi32>, vector<16xi32>], vector<16xf32>,
          tpu.vector_store_idx %arg7[%and3A_187, %add3A_202], %gather3A_203 : memref<128x128xf32, #tpu.memory_space<vmem>>[vector<16xi32>, vector<16xi32>], vector<16xf32>,
          tpu.vector_store_idx %arg7[%and3A_212, %add3A_215], %gather3A_216 : memref<128x128xf32, #tpu.memory_space<vmem>>[vector<16xi32>, vector<16xi32>], vector<16xf32>,
          tpu.vector_store_idx %arg7[%and3A_212, %add3A_219], %gather3A_220 : memref<128x128xf32, #tpu.memory_space<vmem>>[vector<16xi32>, vector<16xi32>], vector<16xf32>,
          tpu.vector_store_idx %arg7[%and3A_212, %add3A_223], %gather3A_224 : memref<128x128xf32, #tpu.memory_space<vmem>>[vector<16xi32>, vector<16xi32>], vector<16xf32>,
          tpu.vector_store_idx %arg7[%and3A_212, %add3A_227], %gather3A_228 : memref<128x128xf32, #tpu.memory_space<vmem>>[vector<16xi32>, vector<16xi32>], vector<16xf32>,
          tpu.vector_store_idx %arg7[%and3A_237, %add3A_240], %gather3A_241 : memref<128x128xf32, #tpu.memory_space<vmem>>[vector<16xi32>, vector<16xi32>], vector<16xf32>,
          tpu.vector_store_idx %arg7[%and3A_237, %add3A_244], %gather3A_245 : memref<128x128xf32, #tpu.memory_space<vmem>>[vector<16xi32>, vector<16xi32>], vector<16xf32>,
          tpu.vector_store_idx %arg7[%and3A_237, %add3A_248], %gather3A_249 : memref<128x128xf32, #tpu.memory_space<vmem>>[vector<16xi32>, vector<16xi32>], vector<16xf32>,
          tpu.vector_store_idx %arg7[%and3A_237, %add3A_252], %gather3A_253 : memref<128x128xf32, #tpu.memory_space<vmem>>[vector<16xi32>, vector<16xi32>], vector<16xf32>,
          tpu.vector_store_idx %arg7[%and3A_262, %add3A_265], %gather3A_266 : memref<128x128xf32, #tpu.memory_space<vmem>>[vector<16xi32>, vector<16xi32>], vector<16xf32>,
          tpu.vector_store_idx %arg7[%and3A_262, %add3A_269], %gather3A_270 : memref<128x128xf32, #tpu.memory_space<vmem>>[vector<16xi32>, vector<16xi32>], vector<16xf32>,
          tpu.vector_store_idx %arg7[%and3A_262, %add3A_273], %gather3A_274 : memref<128x128xf32, #tpu.memory_space<vmem>>[vector<16xi32>, vector<16xi32>], vector<16xf32>,
          tpu.vector_store_idx %arg7[%and3A_262, %add3A_277], %gather3A_278 : memref<128x128xf32, #tpu.memory_space<vmem>>[vector<16xi32>, vector<16xi32>], vector<16xf32>,
        }
        %scan3A_64 = arith.constant 16 : i32
        %add3A_65 = arith.constant 2 : i32
        %add3A_66 = arith.addi %add3A_37, %add3A_65 : i32
        %lt3A_67 = arith.cmpi slt, %add3A_66, %add3A_4 : i32
        %convert_element_type3A_68 = arith.extui %lt3A_67 : i1 to i32
        %cond3A_69 = arith.constant 0 : i32
        %cond3A_70 = arith.cmpi ne, %convert_element_type3A_68, %cond3A_69 : i32
        scf.if %cond3A_70 {
          %add3A_80 = arith.constant 2 : i32
          %add3A_81 = arith.addi %add3A_37, %add3A_80 : i32
          %mul3A_82 = arith.constant 32 : i32
          %mul3A_83 = arith.muli %mul3A_82, %add3A_81 : i32
          %add3A_84 = arith.addi %add3A, %mul3A_83 : i32
          %mul3A_85 = arith.constant 128 : i32
          %mul3A_86 = arith.muli %mul3A_85, %add3A_84 : i32
          %dma_start3A_87 = arith.constant 0 : i32
          %dma_start3A_88 = tpu.memref_slice %arg2[%dma_start3A_87, %mul3A_86] : memref<64x1000000xf32, #tpu.memory_space<hbm>> -> memref<64x128xf32, #tpu.memory_space<hbm>>
          %dma_start3A_89 = arith.constant 0 : i32
          %dma_start3A_90 = tpu.memref_slice %arg2[%dma_start3A_89, %mul3A_86] : memref<64x1000000xf32, #tpu.memory_space<hbm>> -> memref<64x128xf32, #tpu.memory_space<hbm>>
          tpu.enqueue_dma source(%dma_start3A_90 : memref<64x128xf32, #tpu.memory_space<hbm>>) target(%arg5 : memref<64x128xf32, #tpu.memory_space<vmem>>) target_semaphore(%arg10 : memref<!tpu.dma_semaphore, #tpu.memory_space<semaphore_mem>>)
        } else {
        }
        %mul3A_71 = arith.constant 32 : i32
        %mul3A_72 = arith.muli %mul3A_71, %add3A_37 : i32
        %add3A_73 = arith.addi %add3A, %mul3A_72 : i32
        %mul3A_74 = arith.constant 128 : i32
        %mul3A_75 = arith.muli %mul3A_74, %add3A_73 : i32
        %dma_start3A_76 = arith.constant 0 : i32
        %dma_start3A_77 = tpu.memref_slice %arg4[%mul3A_75, %dma_start3A_76] : memref<1000000x128xf32, #tpu.memory_space<hbm>> -> memref<128x128xf32, #tpu.memory_space<hbm>>
        %dma_start3A_78 = arith.constant 0 : i32
        %dma_start3A_79 = tpu.memref_slice %arg4[%mul3A_75, %dma_start3A_78] : memref<1000000x128xf32, #tpu.memory_space<hbm>> -> memref<128x128xf32, #tpu.memory_space<hbm>>
        tpu.enqueue_dma source(%arg7 : memref<128x128xf32, #tpu.memory_space<vmem>>) target(%dma_start3A_79 : memref<128x128xf32, #tpu.memory_space<hbm>>) target_semaphore(%arg12 : memref<!tpu.dma_semaphore, #tpu.memory_space<semaphore_mem>>)
      } else {
      }
      %mul3A_42 = arith.constant 2 : i32
      %mul3A_43 = arith.muli %scan3A_33, %mul3A_42 : i32
      %add3A_44 = arith.constant 1 : i32
      %add3A_45 = arith.addi %mul3A_43, %add3A_44 : i32
      %lt3A_46 = arith.cmpi slt, %add3A_45, %add3A_4 : i32
      %convert_element_type3A_47 = arith.extui %lt3A_46 : i1 to i32
      %cond3A_48 = arith.constant 0 : i32
      %cond3A_49 = arith.cmpi ne, %convert_element_type3A_47, %cond3A_48 : i32
      scf.if %cond3A_49 {
        %dma_wait3A = arith.constant 0 : i32
        %dma_wait3A_50 = arith.constant 0 : i32
        %dma_wait3A_51 = tpu.memref_slice %arg2[%dma_wait3A, %dma_wait3A_50] : memref<64x1000000xf32, #tpu.memory_space<hbm>> -> memref<64x128xf32, #tpu.memory_space<hbm>>
        %dma_wait3A_52 = arith.constant 0 : i32
        %dma_wait3A_53 = arith.constant 0 : i32
        %dma_wait3A_54 = tpu.memref_slice %arg2[%dma_wait3A_52, %dma_wait3A_53] : memref<64x1000000xf32, #tpu.memory_space<hbm>> -> memref<64x128xf32, #tpu.memory_space<hbm>>
        tpu.wait_dma2 semaphore(%arg11 : memref<!tpu.dma_semaphore, #tpu.memory_space<semaphore_mem>>) src(%dma_wait3A_54 : memref<64x128xf32, #tpu.memory_space<hbm>>) dst(%arg6 : memref<64x128xf32, #tpu.memory_space<vmem>>)
        %ge3A = arith.constant 2 : i32
        %ge3A_55 = arith.cmpi sge, %add3A_45, %ge3A : i32
        %convert_element_type3A_56 = arith.extui %ge3A_55 : i1 to i32
        %cond3A_57 = arith.constant 0 : i32
        %cond3A_58 = arith.cmpi ne, %convert_element_type3A_56, %cond3A_57 : i32
        scf.if %cond3A_58 {
          %dma_wait3A_80 = arith.constant 0 : i32
          %dma_wait3A_81 = arith.constant 0 : i32
          %dma_wait3A_82 = tpu.memref_slice %arg4[%dma_wait3A_80, %dma_wait3A_81] : memref<1000000x128xf32, #tpu.memory_space<hbm>> -> memref<128x128xf32, #tpu.memory_space<hbm>>
          %dma_wait3A_83 = arith.constant 0 : i32
          %dma_wait3A_84 = arith.constant 0 : i32
          %dma_wait3A_85 = tpu.memref_slice %arg4[%dma_wait3A_83, %dma_wait3A_84] : memref<1000000x128xf32, #tpu.memory_space<hbm>> -> memref<128x128xf32, #tpu.memory_space<hbm>>
          tpu.wait_dma2 semaphore(%arg13 : memref<!tpu.dma_semaphore, #tpu.memory_space<semaphore_mem>>) src(%arg8 : memref<128x128xf32, #tpu.memory_space<vmem>>) dst(%dma_wait3A_85 : memref<128x128xf32, #tpu.memory_space<hbm>>)
        } else {
        }
        %iota3A = tpu.iota {dimensions = array<i32: 0>} : vector<16xi32>
        %scan3A_59 = arith.constant 0 : i32
        %scan3A_60 = arith.constant 0 : i32
        %scan3A_61 = arith.constant 16 : i32
        %scan3A_62 = arith.addi %scan3A_60, %scan3A_61 : i32
        %scan3A_63 = arith.constant 1 : i32
        scf.for %scan3A_80 = %scan3A_60 to %scan3A_62 step %scan3A_63  : i32 {
          %mul3A_81 = arith.constant 8 : i32
          %mul3A_82 = arith.muli %scan3A_80, %mul3A_81 : i32
          %add3A_83 = arith.constant 0 : i32
          %add3A_84 = arith.addi %mul3A_82, %add3A_83 : i32
          %add3A_85 = vector.broadcast %add3A_84 : i32 to vector<16xi32>
          %add3A_86 = arith.addi %add3A_85, %iota3A : vector<16xi32>
          %and3A = arith.constant 127 : i32
          %and3A_87 = vector.broadcast %and3A : i32 to vector<16xi32>
          %and3A_88 = arith.andi %add3A_86, %and3A_87 : vector<16xi32>
          %add3A_89 = arith.constant 0 : i32
          %add3A_90 = vector.broadcast %add3A_89 : i32 to vector<16xi32>
          %add3A_91 = arith.addi %iota3A, %add3A_90 : vector<16xi32>
          %gather3A = tpu.vector_load_idx %arg6[%add3A_91, %and3A_88] : memref<64x128xf32, #tpu.memory_space<vmem>>[vector<16xi32>, vector<16xi32>], vector<16xf32>,
          %add3A_92 = arith.constant 16 : i32
          %add3A_93 = vector.broadcast %add3A_92 : i32 to vector<16xi32>
          %add3A_94 = arith.addi %iota3A, %add3A_93 : vector<16xi32>
          %gather3A_95 = tpu.vector_load_idx %arg6[%add3A_94, %and3A_88] : memref<64x128xf32, #tpu.memory_space<vmem>>[vector<16xi32>, vector<16xi32>], vector<16xf32>,
          %add3A_96 = arith.constant 32 : i32
          %add3A_97 = vector.broadcast %add3A_96 : i32 to vector<16xi32>
          %add3A_98 = arith.addi %iota3A, %add3A_97 : vector<16xi32>
          %gather3A_99 = tpu.vector_load_idx %arg6[%add3A_98, %and3A_88] : memref<64x128xf32, #tpu.memory_space<vmem>>[vector<16xi32>, vector<16xi32>], vector<16xf32>,
          %add3A_100 = arith.constant 48 : i32
          %add3A_101 = vector.broadcast %add3A_100 : i32 to vector<16xi32>
          %add3A_102 = arith.addi %iota3A, %add3A_101 : vector<16xi32>
          %gather3A_103 = tpu.vector_load_idx %arg6[%add3A_102, %and3A_88] : memref<64x128xf32, #tpu.memory_space<vmem>>[vector<16xi32>, vector<16xi32>], vector<16xf32>,
          %mul3A_104 = arith.constant 8 : i32
          %mul3A_105 = arith.muli %scan3A_80, %mul3A_104 : i32
          %add3A_106 = arith.constant 1 : i32
          %add3A_107 = arith.addi %mul3A_105, %add3A_106 : i32
          %add3A_108 = vector.broadcast %add3A_107 : i32 to vector<16xi32>
          %add3A_109 = arith.addi %add3A_108, %iota3A : vector<16xi32>
          %and3A_110 = arith.constant 127 : i32
          %and3A_111 = vector.broadcast %and3A_110 : i32 to vector<16xi32>
          %and3A_112 = arith.andi %add3A_109, %and3A_111 : vector<16xi32>
          %add3A_113 = arith.constant 0 : i32
          %add3A_114 = vector.broadcast %add3A_113 : i32 to vector<16xi32>
          %add3A_115 = arith.addi %iota3A, %add3A_114 : vector<16xi32>
          %gather3A_116 = tpu.vector_load_idx %arg6[%add3A_115, %and3A_112] : memref<64x128xf32, #tpu.memory_space<vmem>>[vector<16xi32>, vector<16xi32>], vector<16xf32>,
          %add3A_117 = arith.constant 16 : i32
          %add3A_118 = vector.broadcast %add3A_117 : i32 to vector<16xi32>
          %add3A_119 = arith.addi %iota3A, %add3A_118 : vector<16xi32>
          %gather3A_120 = tpu.vector_load_idx %arg6[%add3A_119, %and3A_112] : memref<64x128xf32, #tpu.memory_space<vmem>>[vector<16xi32>, vector<16xi32>], vector<16xf32>,
          %add3A_121 = arith.constant 32 : i32
          %add3A_122 = vector.broadcast %add3A_121 : i32 to vector<16xi32>
          %add3A_123 = arith.addi %iota3A, %add3A_122 : vector<16xi32>
          %gather3A_124 = tpu.vector_load_idx %arg6[%add3A_123, %and3A_112] : memref<64x128xf32, #tpu.memory_space<vmem>>[vector<16xi32>, vector<16xi32>], vector<16xf32>,
          %add3A_125 = arith.constant 48 : i32
          %add3A_126 = vector.broadcast %add3A_125 : i32 to vector<16xi32>
          %add3A_127 = arith.addi %iota3A, %add3A_126 : vector<16xi32>
          %gather3A_128 = tpu.vector_load_idx %arg6[%add3A_127, %and3A_112] : memref<64x128xf32, #tpu.memory_space<vmem>>[vector<16xi32>, vector<16xi32>], vector<16xf32>,
          %mul3A_129 = arith.constant 8 : i32
          %mul3A_130 = arith.muli %scan3A_80, %mul3A_129 : i32
          %add3A_131 = arith.constant 2 : i32
          %add3A_132 = arith.addi %mul3A_130, %add3A_131 : i32
          %add3A_133 = vector.broadcast %add3A_132 : i32 to vector<16xi32>
          %add3A_134 = arith.addi %add3A_133, %iota3A : vector<16xi32>
          %and3A_135 = arith.constant 127 : i32
          %and3A_136 = vector.broadcast %and3A_135 : i32 to vector<16xi32>
          %and3A_137 = arith.andi %add3A_134, %and3A_136 : vector<16xi32>
          %add3A_138 = arith.constant 0 : i32
          %add3A_139 = vector.broadcast %add3A_138 : i32 to vector<16xi32>
          %add3A_140 = arith.addi %iota3A, %add3A_139 : vector<16xi32>
          %gather3A_141 = tpu.vector_load_idx %arg6[%add3A_140, %and3A_137] : memref<64x128xf32, #tpu.memory_space<vmem>>[vector<16xi32>, vector<16xi32>], vector<16xf32>,
          %add3A_142 = arith.constant 16 : i32
          %add3A_143 = vector.broadcast %add3A_142 : i32 to vector<16xi32>
          %add3A_144 = arith.addi %iota3A, %add3A_143 : vector<16xi32>
          %gather3A_145 = tpu.vector_load_idx %arg6[%add3A_144, %and3A_137] : memref<64x128xf32, #tpu.memory_space<vmem>>[vector<16xi32>, vector<16xi32>], vector<16xf32>,
          %add3A_146 = arith.constant 32 : i32
          %add3A_147 = vector.broadcast %add3A_146 : i32 to vector<16xi32>
          %add3A_148 = arith.addi %iota3A, %add3A_147 : vector<16xi32>
          %gather3A_149 = tpu.vector_load_idx %arg6[%add3A_148, %and3A_137] : memref<64x128xf32, #tpu.memory_space<vmem>>[vector<16xi32>, vector<16xi32>], vector<16xf32>,
          %add3A_150 = arith.constant 48 : i32
          %add3A_151 = vector.broadcast %add3A_150 : i32 to vector<16xi32>
          %add3A_152 = arith.addi %iota3A, %add3A_151 : vector<16xi32>
          %gather3A_153 = tpu.vector_load_idx %arg6[%add3A_152, %and3A_137] : memref<64x128xf32, #tpu.memory_space<vmem>>[vector<16xi32>, vector<16xi32>], vector<16xf32>,
          %mul3A_154 = arith.constant 8 : i32
          %mul3A_155 = arith.muli %scan3A_80, %mul3A_154 : i32
          %add3A_156 = arith.constant 3 : i32
          %add3A_157 = arith.addi %mul3A_155, %add3A_156 : i32
          %add3A_158 = vector.broadcast %add3A_157 : i32 to vector<16xi32>
          %add3A_159 = arith.addi %add3A_158, %iota3A : vector<16xi32>
          %and3A_160 = arith.constant 127 : i32
          %and3A_161 = vector.broadcast %and3A_160 : i32 to vector<16xi32>
          %and3A_162 = arith.andi %add3A_159, %and3A_161 : vector<16xi32>
          %add3A_163 = arith.constant 0 : i32
          %add3A_164 = vector.broadcast %add3A_163 : i32 to vector<16xi32>
          %add3A_165 = arith.addi %iota3A, %add3A_164 : vector<16xi32>
          %gather3A_166 = tpu.vector_load_idx %arg6[%add3A_165, %and3A_162] : memref<64x128xf32, #tpu.memory_space<vmem>>[vector<16xi32>, vector<16xi32>], vector<16xf32>,
          %add3A_167 = arith.constant 16 : i32
          %add3A_168 = vector.broadcast %add3A_167 : i32 to vector<16xi32>
          %add3A_169 = arith.addi %iota3A, %add3A_168 : vector<16xi32>
          %gather3A_170 = tpu.vector_load_idx %arg6[%add3A_169, %and3A_162] : memref<64x128xf32, #tpu.memory_space<vmem>>[vector<16xi32>, vector<16xi32>], vector<16xf32>,
          %add3A_171 = arith.constant 32 : i32
          %add3A_172 = vector.broadcast %add3A_171 : i32 to vector<16xi32>
          %add3A_173 = arith.addi %iota3A, %add3A_172 : vector<16xi32>
          %gather3A_174 = tpu.vector_load_idx %arg6[%add3A_173, %and3A_162] : memref<64x128xf32, #tpu.memory_space<vmem>>[vector<16xi32>, vector<16xi32>], vector<16xf32>,
          %add3A_175 = arith.constant 48 : i32
          %add3A_176 = vector.broadcast %add3A_175 : i32 to vector<16xi32>
          %add3A_177 = arith.addi %iota3A, %add3A_176 : vector<16xi32>
          %gather3A_178 = tpu.vector_load_idx %arg6[%add3A_177, %and3A_162] : memref<64x128xf32, #tpu.memory_space<vmem>>[vector<16xi32>, vector<16xi32>], vector<16xf32>,
          %mul3A_179 = arith.constant 8 : i32
          %mul3A_180 = arith.muli %scan3A_80, %mul3A_179 : i32
          %add3A_181 = arith.constant 4 : i32
          %add3A_182 = arith.addi %mul3A_180, %add3A_181 : i32
          %add3A_183 = vector.broadcast %add3A_182 : i32 to vector<16xi32>
          %add3A_184 = arith.addi %add3A_183, %iota3A : vector<16xi32>
          %and3A_185 = arith.constant 127 : i32
          %and3A_186 = vector.broadcast %and3A_185 : i32 to vector<16xi32>
          %and3A_187 = arith.andi %add3A_184, %and3A_186 : vector<16xi32>
          %add3A_188 = arith.constant 0 : i32
          %add3A_189 = vector.broadcast %add3A_188 : i32 to vector<16xi32>
          %add3A_190 = arith.addi %iota3A, %add3A_189 : vector<16xi32>
          %gather3A_191 = tpu.vector_load_idx %arg6[%add3A_190, %and3A_187] : memref<64x128xf32, #tpu.memory_space<vmem>>[vector<16xi32>, vector<16xi32>], vector<16xf32>,
          %add3A_192 = arith.constant 16 : i32
          %add3A_193 = vector.broadcast %add3A_192 : i32 to vector<16xi32>
          %add3A_194 = arith.addi %iota3A, %add3A_193 : vector<16xi32>
          %gather3A_195 = tpu.vector_load_idx %arg6[%add3A_194, %and3A_187] : memref<64x128xf32, #tpu.memory_space<vmem>>[vector<16xi32>, vector<16xi32>], vector<16xf32>,
          %add3A_196 = arith.constant 32 : i32
          %add3A_197 = vector.broadcast %add3A_196 : i32 to vector<16xi32>
          %add3A_198 = arith.addi %iota3A, %add3A_197 : vector<16xi32>
          %gather3A_199 = tpu.vector_load_idx %arg6[%add3A_198, %and3A_187] : memref<64x128xf32, #tpu.memory_space<vmem>>[vector<16xi32>, vector<16xi32>], vector<16xf32>,
          %add3A_200 = arith.constant 48 : i32
          %add3A_201 = vector.broadcast %add3A_200 : i32 to vector<16xi32>
          %add3A_202 = arith.addi %iota3A, %add3A_201 : vector<16xi32>
          %gather3A_203 = tpu.vector_load_idx %arg6[%add3A_202, %and3A_187] : memref<64x128xf32, #tpu.memory_space<vmem>>[vector<16xi32>, vector<16xi32>], vector<16xf32>,
          %mul3A_204 = arith.constant 8 : i32
          %mul3A_205 = arith.muli %scan3A_80, %mul3A_204 : i32
          %add3A_206 = arith.constant 5 : i32
          %add3A_207 = arith.addi %mul3A_205, %add3A_206 : i32
          %add3A_208 = vector.broadcast %add3A_207 : i32 to vector<16xi32>
          %add3A_209 = arith.addi %add3A_208, %iota3A : vector<16xi32>
          %and3A_210 = arith.constant 127 : i32
          %and3A_211 = vector.broadcast %and3A_210 : i32 to vector<16xi32>
          %and3A_212 = arith.andi %add3A_209, %and3A_211 : vector<16xi32>
          %add3A_213 = arith.constant 0 : i32
          %add3A_214 = vector.broadcast %add3A_213 : i32 to vector<16xi32>
          %add3A_215 = arith.addi %iota3A, %add3A_214 : vector<16xi32>
          %gather3A_216 = tpu.vector_load_idx %arg6[%add3A_215, %and3A_212] : memref<64x128xf32, #tpu.memory_space<vmem>>[vector<16xi32>, vector<16xi32>], vector<16xf32>,
          %add3A_217 = arith.constant 16 : i32
          %add3A_218 = vector.broadcast %add3A_217 : i32 to vector<16xi32>
          %add3A_219 = arith.addi %iota3A, %add3A_218 : vector<16xi32>
          %gather3A_220 = tpu.vector_load_idx %arg6[%add3A_219, %and3A_212] : memref<64x128xf32, #tpu.memory_space<vmem>>[vector<16xi32>, vector<16xi32>], vector<16xf32>,
          %add3A_221 = arith.constant 32 : i32
          %add3A_222 = vector.broadcast %add3A_221 : i32 to vector<16xi32>
          %add3A_223 = arith.addi %iota3A, %add3A_222 : vector<16xi32>
          %gather3A_224 = tpu.vector_load_idx %arg6[%add3A_223, %and3A_212] : memref<64x128xf32, #tpu.memory_space<vmem>>[vector<16xi32>, vector<16xi32>], vector<16xf32>,
          %add3A_225 = arith.constant 48 : i32
          %add3A_226 = vector.broadcast %add3A_225 : i32 to vector<16xi32>
          %add3A_227 = arith.addi %iota3A, %add3A_226 : vector<16xi32>
          %gather3A_228 = tpu.vector_load_idx %arg6[%add3A_227, %and3A_212] : memref<64x128xf32, #tpu.memory_space<vmem>>[vector<16xi32>, vector<16xi32>], vector<16xf32>,
          %mul3A_229 = arith.constant 8 : i32
          %mul3A_230 = arith.muli %scan3A_80, %mul3A_229 : i32
          %add3A_231 = arith.constant 6 : i32
          %add3A_232 = arith.addi %mul3A_230, %add3A_231 : i32
          %add3A_233 = vector.broadcast %add3A_232 : i32 to vector<16xi32>
          %add3A_234 = arith.addi %add3A_233, %iota3A : vector<16xi32>
          %and3A_235 = arith.constant 127 : i32
          %and3A_236 = vector.broadcast %and3A_235 : i32 to vector<16xi32>
          %and3A_237 = arith.andi %add3A_234, %and3A_236 : vector<16xi32>
          %add3A_238 = arith.constant 0 : i32
          %add3A_239 = vector.broadcast %add3A_238 : i32 to vector<16xi32>
          %add3A_240 = arith.addi %iota3A, %add3A_239 : vector<16xi32>
          %gather3A_241 = tpu.vector_load_idx %arg6[%add3A_240, %and3A_237] : memref<64x128xf32, #tpu.memory_space<vmem>>[vector<16xi32>, vector<16xi32>], vector<16xf32>,
          %add3A_242 = arith.constant 16 : i32
          %add3A_243 = vector.broadcast %add3A_242 : i32 to vector<16xi32>
          %add3A_244 = arith.addi %iota3A, %add3A_243 : vector<16xi32>
          %gather3A_245 = tpu.vector_load_idx %arg6[%add3A_244, %and3A_237] : memref<64x128xf32, #tpu.memory_space<vmem>>[vector<16xi32>, vector<16xi32>], vector<16xf32>,
          %add3A_246 = arith.constant 32 : i32
          %add3A_247 = vector.broadcast %add3A_246 : i32 to vector<16xi32>
          %add3A_248 = arith.addi %iota3A, %add3A_247 : vector<16xi32>
          %gather3A_249 = tpu.vector_load_idx %arg6[%add3A_248, %and3A_237] : memref<64x128xf32, #tpu.memory_space<vmem>>[vector<16xi32>, vector<16xi32>], vector<16xf32>,
          %add3A_250 = arith.constant 48 : i32
          %add3A_251 = vector.broadcast %add3A_250 : i32 to vector<16xi32>
          %add3A_252 = arith.addi %iota3A, %add3A_251 : vector<16xi32>
          %gather3A_253 = tpu.vector_load_idx %arg6[%add3A_252, %and3A_237] : memref<64x128xf32, #tpu.memory_space<vmem>>[vector<16xi32>, vector<16xi32>], vector<16xf32>,
          %mul3A_254 = arith.constant 8 : i32
          %mul3A_255 = arith.muli %scan3A_80, %mul3A_254 : i32
          %add3A_256 = arith.constant 7 : i32
          %add3A_257 = arith.addi %mul3A_255, %add3A_256 : i32
          %add3A_258 = vector.broadcast %add3A_257 : i32 to vector<16xi32>
          %add3A_259 = arith.addi %add3A_258, %iota3A : vector<16xi32>
          %and3A_260 = arith.constant 127 : i32
          %and3A_261 = vector.broadcast %and3A_260 : i32 to vector<16xi32>
          %and3A_262 = arith.andi %add3A_259, %and3A_261 : vector<16xi32>
          %add3A_263 = arith.constant 0 : i32
          %add3A_264 = vector.broadcast %add3A_263 : i32 to vector<16xi32>
          %add3A_265 = arith.addi %iota3A, %add3A_264 : vector<16xi32>
          %gather3A_266 = tpu.vector_load_idx %arg6[%add3A_265, %and3A_262] : memref<64x128xf32, #tpu.memory_space<vmem>>[vector<16xi32>, vector<16xi32>], vector<16xf32>,
          %add3A_267 = arith.constant 16 : i32
          %add3A_268 = vector.broadcast %add3A_267 : i32 to vector<16xi32>
          %add3A_269 = arith.addi %iota3A, %add3A_268 : vector<16xi32>
          %gather3A_270 = tpu.vector_load_idx %arg6[%add3A_269, %and3A_262] : memref<64x128xf32, #tpu.memory_space<vmem>>[vector<16xi32>, vector<16xi32>], vector<16xf32>,
          %add3A_271 = arith.constant 32 : i32
          %add3A_272 = vector.broadcast %add3A_271 : i32 to vector<16xi32>
          %add3A_273 = arith.addi %iota3A, %add3A_272 : vector<16xi32>
          %gather3A_274 = tpu.vector_load_idx %arg6[%add3A_273, %and3A_262] : memref<64x128xf32, #tpu.memory_space<vmem>>[vector<16xi32>, vector<16xi32>], vector<16xf32>,
          %add3A_275 = arith.constant 48 : i32
          %add3A_276 = vector.broadcast %add3A_275 : i32 to vector<16xi32>
          %add3A_277 = arith.addi %iota3A, %add3A_276 : vector<16xi32>
          %gather3A_278 = tpu.vector_load_idx %arg6[%add3A_277, %and3A_262] : memref<64x128xf32, #tpu.memory_space<vmem>>[vector<16xi32>, vector<16xi32>], vector<16xf32>,
          tpu.vector_store_idx %arg8[%and3A_88, %add3A_91], %gather3A : memref<128x128xf32, #tpu.memory_space<vmem>>[vector<16xi32>, vector<16xi32>], vector<16xf32>,
          tpu.vector_store_idx %arg8[%and3A_88, %add3A_94], %gather3A_95 : memref<128x128xf32, #tpu.memory_space<vmem>>[vector<16xi32>, vector<16xi32>], vector<16xf32>,
          tpu.vector_store_idx %arg8[%and3A_88, %add3A_98], %gather3A_99 : memref<128x128xf32, #tpu.memory_space<vmem>>[vector<16xi32>, vector<16xi32>], vector<16xf32>,
          tpu.vector_store_idx %arg8[%and3A_88, %add3A_102], %gather3A_103 : memref<128x128xf32, #tpu.memory_space<vmem>>[vector<16xi32>, vector<16xi32>], vector<16xf32>,
          tpu.vector_store_idx %arg8[%and3A_112, %add3A_115], %gather3A_116 : memref<128x128xf32, #tpu.memory_space<vmem>>[vector<16xi32>, vector<16xi32>], vector<16xf32>,
          tpu.vector_store_idx %arg8[%and3A_112, %add3A_119], %gather3A_120 : memref<128x128xf32, #tpu.memory_space<vmem>>[vector<16xi32>, vector<16xi32>], vector<16xf32>,
          tpu.vector_store_idx %arg8[%and3A_112, %add3A_123], %gather3A_124 : memref<128x128xf32, #tpu.memory_space<vmem>>[vector<16xi32>, vector<16xi32>], vector<16xf32>,
          tpu.vector_store_idx %arg8[%and3A_112, %add3A_127], %gather3A_128 : memref<128x128xf32, #tpu.memory_space<vmem>>[vector<16xi32>, vector<16xi32>], vector<16xf32>,
          tpu.vector_store_idx %arg8[%and3A_137, %add3A_140], %gather3A_141 : memref<128x128xf32, #tpu.memory_space<vmem>>[vector<16xi32>, vector<16xi32>], vector<16xf32>,
          tpu.vector_store_idx %arg8[%and3A_137, %add3A_144], %gather3A_145 : memref<128x128xf32, #tpu.memory_space<vmem>>[vector<16xi32>, vector<16xi32>], vector<16xf32>,
          tpu.vector_store_idx %arg8[%and3A_137, %add3A_148], %gather3A_149 : memref<128x128xf32, #tpu.memory_space<vmem>>[vector<16xi32>, vector<16xi32>], vector<16xf32>,
          tpu.vector_store_idx %arg8[%and3A_137, %add3A_152], %gather3A_153 : memref<128x128xf32, #tpu.memory_space<vmem>>[vector<16xi32>, vector<16xi32>], vector<16xf32>,
          tpu.vector_store_idx %arg8[%and3A_162, %add3A_165], %gather3A_166 : memref<128x128xf32, #tpu.memory_space<vmem>>[vector<16xi32>, vector<16xi32>], vector<16xf32>,
          tpu.vector_store_idx %arg8[%and3A_162, %add3A_169], %gather3A_170 : memref<128x128xf32, #tpu.memory_space<vmem>>[vector<16xi32>, vector<16xi32>], vector<16xf32>,
          tpu.vector_store_idx %arg8[%and3A_162, %add3A_173], %gather3A_174 : memref<128x128xf32, #tpu.memory_space<vmem>>[vector<16xi32>, vector<16xi32>], vector<16xf32>,
          tpu.vector_store_idx %arg8[%and3A_162, %add3A_177], %gather3A_178 : memref<128x128xf32, #tpu.memory_space<vmem>>[vector<16xi32>, vector<16xi32>], vector<16xf32>,
          tpu.vector_store_idx %arg8[%and3A_187, %add3A_190], %gather3A_191 : memref<128x128xf32, #tpu.memory_space<vmem>>[vector<16xi32>, vector<16xi32>], vector<16xf32>,
          tpu.vector_store_idx %arg8[%and3A_187, %add3A_194], %gather3A_195 : memref<128x128xf32, #tpu.memory_space<vmem>>[vector<16xi32>, vector<16xi32>], vector<16xf32>,
          tpu.vector_store_idx %arg8[%and3A_187, %add3A_198], %gather3A_199 : memref<128x128xf32, #tpu.memory_space<vmem>>[vector<16xi32>, vector<16xi32>], vector<16xf32>,
          tpu.vector_store_idx %arg8[%and3A_187, %add3A_202], %gather3A_203 : memref<128x128xf32, #tpu.memory_space<vmem>>[vector<16xi32>, vector<16xi32>], vector<16xf32>,
          tpu.vector_store_idx %arg8[%and3A_212, %add3A_215], %gather3A_216 : memref<128x128xf32, #tpu.memory_space<vmem>>[vector<16xi32>, vector<16xi32>], vector<16xf32>,
          tpu.vector_store_idx %arg8[%and3A_212, %add3A_219], %gather3A_220 : memref<128x128xf32, #tpu.memory_space<vmem>>[vector<16xi32>, vector<16xi32>], vector<16xf32>,
          tpu.vector_store_idx %arg8[%and3A_212, %add3A_223], %gather3A_224 : memref<128x128xf32, #tpu.memory_space<vmem>>[vector<16xi32>, vector<16xi32>], vector<16xf32>,
          tpu.vector_store_idx %arg8[%and3A_212, %add3A_227], %gather3A_228 : memref<128x128xf32, #tpu.memory_space<vmem>>[vector<16xi32>, vector<16xi32>], vector<16xf32>,
          tpu.vector_store_idx %arg8[%and3A_237, %add3A_240], %gather3A_241 : memref<128x128xf32, #tpu.memory_space<vmem>>[vector<16xi32>, vector<16xi32>], vector<16xf32>,
          tpu.vector_store_idx %arg8[%and3A_237, %add3A_244], %gather3A_245 : memref<128x128xf32, #tpu.memory_space<vmem>>[vector<16xi32>, vector<16xi32>], vector<16xf32>,
          tpu.vector_store_idx %arg8[%and3A_237, %add3A_248], %gather3A_249 : memref<128x128xf32, #tpu.memory_space<vmem>>[vector<16xi32>, vector<16xi32>], vector<16xf32>,
          tpu.vector_store_idx %arg8[%and3A_237, %add3A_252], %gather3A_253 : memref<128x128xf32, #tpu.memory_space<vmem>>[vector<16xi32>, vector<16xi32>], vector<16xf32>,
          tpu.vector_store_idx %arg8[%and3A_262, %add3A_265], %gather3A_266 : memref<128x128xf32, #tpu.memory_space<vmem>>[vector<16xi32>, vector<16xi32>], vector<16xf32>,
          tpu.vector_store_idx %arg8[%and3A_262, %add3A_269], %gather3A_270 : memref<128x128xf32, #tpu.memory_space<vmem>>[vector<16xi32>, vector<16xi32>], vector<16xf32>,
          tpu.vector_store_idx %arg8[%and3A_262, %add3A_273], %gather3A_274 : memref<128x128xf32, #tpu.memory_space<vmem>>[vector<16xi32>, vector<16xi32>], vector<16xf32>,
          tpu.vector_store_idx %arg8[%and3A_262, %add3A_277], %gather3A_278 : memref<128x128xf32, #tpu.memory_space<vmem>>[vector<16xi32>, vector<16xi32>], vector<16xf32>,
        }
        %scan3A_64 = arith.constant 16 : i32
        %add3A_65 = arith.constant 2 : i32
        %add3A_66 = arith.addi %add3A_45, %add3A_65 : i32
        %lt3A_67 = arith.cmpi slt, %add3A_66, %add3A_4 : i32
        %convert_element_type3A_68 = arith.extui %lt3A_67 : i1 to i32
        %cond3A_69 = arith.constant 0 : i32
        %cond3A_70 = arith.cmpi ne, %convert_element_type3A_68, %cond3A_69 : i32
        scf.if %cond3A_70 {
          %add3A_80 = arith.constant 2 : i32
          %add3A_81 = arith.addi %add3A_45, %add3A_80 : i32
          %mul3A_82 = arith.constant 32 : i32
          %mul3A_83 = arith.muli %mul3A_82, %add3A_81 : i32
          %add3A_84 = arith.addi %add3A, %mul3A_83 : i32
          %mul3A_85 = arith.constant 128 : i32
          %mul3A_86 = arith.muli %mul3A_85, %add3A_84 : i32
          %dma_start3A_87 = arith.constant 0 : i32
          %dma_start3A_88 = tpu.memref_slice %arg2[%dma_start3A_87, %mul3A_86] : memref<64x1000000xf32, #tpu.memory_space<hbm>> -> memref<64x128xf32, #tpu.memory_space<hbm>>
          %dma_start3A_89 = arith.constant 0 : i32
          %dma_start3A_90 = tpu.memref_slice %arg2[%dma_start3A_89, %mul3A_86] : memref<64x1000000xf32, #tpu.memory_space<hbm>> -> memref<64x128xf32, #tpu.memory_space<hbm>>
          tpu.enqueue_dma source(%dma_start3A_90 : memref<64x128xf32, #tpu.memory_space<hbm>>) target(%arg6 : memref<64x128xf32, #tpu.memory_space<vmem>>) target_semaphore(%arg11 : memref<!tpu.dma_semaphore, #tpu.memory_space<semaphore_mem>>)
        } else {
        }
        %mul3A_71 = arith.constant 32 : i32
        %mul3A_72 = arith.muli %mul3A_71, %add3A_45 : i32
        %add3A_73 = arith.addi %add3A, %mul3A_72 : i32
        %mul3A_74 = arith.constant 128 : i32
        %mul3A_75 = arith.muli %mul3A_74, %add3A_73 : i32
        %dma_start3A_76 = arith.constant 0 : i32
        %dma_start3A_77 = tpu.memref_slice %arg4[%mul3A_75, %dma_start3A_76] : memref<1000000x128xf32, #tpu.memory_space<hbm>> -> memref<128x128xf32, #tpu.memory_space<hbm>>
        %dma_start3A_78 = arith.constant 0 : i32
        %dma_start3A_79 = tpu.memref_slice %arg4[%mul3A_75, %dma_start3A_78] : memref<1000000x128xf32, #tpu.memory_space<hbm>> -> memref<128x128xf32, #tpu.memory_space<hbm>>
        tpu.enqueue_dma source(%arg8 : memref<128x128xf32, #tpu.memory_space<vmem>>) target(%dma_start3A_79 : memref<128x128xf32, #tpu.memory_space<hbm>>) target_semaphore(%arg13 : memref<!tpu.dma_semaphore, #tpu.memory_space<semaphore_mem>>)
      } else {
      }
    }
    %scan3A_18 = arith.constant 123 : i32
    %gt3A_19 = arith.constant 0 : i32
    %gt3A_20 = arith.cmpi sgt, %add3A_4, %gt3A_19 : i32
    %convert_element_type3A_21 = arith.extui %gt3A_20 : i1 to i32
    %cond3A_22 = arith.constant 0 : i32
    %cond3A_23 = arith.cmpi ne, %convert_element_type3A_21, %cond3A_22 : i32
    scf.if %cond3A_23 {
      %dma_wait3A = arith.constant 0 : i32
      %dma_wait3A_33 = arith.constant 0 : i32
      %dma_wait3A_34 = tpu.memref_slice %arg4[%dma_wait3A, %dma_wait3A_33] : memref<1000000x128xf32, #tpu.memory_space<hbm>> -> memref<128x128xf32, #tpu.memory_space<hbm>>
      %dma_wait3A_35 = arith.constant 0 : i32
      %dma_wait3A_36 = arith.constant 0 : i32
      %dma_wait3A_37 = tpu.memref_slice %arg4[%dma_wait3A_35, %dma_wait3A_36] : memref<1000000x128xf32, #tpu.memory_space<hbm>> -> memref<128x128xf32, #tpu.memory_space<hbm>>
      tpu.wait_dma2 semaphore(%arg12 : memref<!tpu.dma_semaphore, #tpu.memory_space<semaphore_mem>>) src(%arg7 : memref<128x128xf32, #tpu.memory_space<vmem>>) dst(%dma_wait3A_37 : memref<128x128xf32, #tpu.memory_space<hbm>>)
    } else {
    }
    %gt3A_24 = arith.constant 1 : i32
    %gt3A_25 = arith.cmpi sgt, %add3A_4, %gt3A_24 : i32
    %convert_element_type3A_26 = arith.extui %gt3A_25 : i1 to i32
    %cond3A_27 = arith.constant 0 : i32
    %cond3A_28 = arith.cmpi ne, %convert_element_type3A_26, %cond3A_27 : i32
    scf.if %cond3A_28 {
      %dma_wait3A = arith.constant 0 : i32
      %dma_wait3A_33 = arith.constant 0 : i32
      %dma_wait3A_34 = tpu.memref_slice %arg4[%dma_wait3A, %dma_wait3A_33] : memref<1000000x128xf32, #tpu.memory_space<hbm>> -> memref<128x128xf32, #tpu.memory_space<hbm>>
      %dma_wait3A_35 = arith.constant 0 : i32
      %dma_wait3A_36 = arith.constant 0 : i32
      %dma_wait3A_37 = tpu.memref_slice %arg4[%dma_wait3A_35, %dma_wait3A_36] : memref<1000000x128xf32, #tpu.memory_space<hbm>> -> memref<128x128xf32, #tpu.memory_space<hbm>>
      tpu.wait_dma2 semaphore(%arg13 : memref<!tpu.dma_semaphore, #tpu.memory_space<semaphore_mem>>) src(%arg8 : memref<128x128xf32, #tpu.memory_space<vmem>>) dst(%dma_wait3A_37 : memref<128x128xf32, #tpu.memory_space<hbm>>)
    } else {
    }
    %eq3A = arith.constant 0 : i32
    %eq3A_29 = arith.cmpi eq, %add3A, %eq3A : i32
    %convert_element_type3A_30 = arith.extui %eq3A_29 : i1 to i32
    %cond3A_31 = arith.constant 0 : i32
    %cond3A_32 = arith.cmpi ne, %convert_element_type3A_30, %cond3A_31 : i32
    scf.if %cond3A_32 {
      "tpu.region"() ({
        %run_scoped3A = tpu.sem_alloc : memref<!tpu.dma_semaphore, #tpu.memory_space<semaphore_mem>>
        tpu.enqueue_dma source(%arg3 : memref<64x64xf32, #tpu.memory_space<hbm>>) target(%arg9 : memref<64x64xf32, #tpu.memory_space<vmem>>) target_semaphore(%run_scoped3A : memref<!tpu.dma_semaphore, #tpu.memory_space<semaphore_mem>>)
        tpu.wait_dma2 semaphore(%run_scoped3A : memref<!tpu.dma_semaphore, #tpu.memory_space<semaphore_mem>>) src(%arg3 : memref<64x64xf32, #tpu.memory_space<hbm>>) dst(%arg9 : memref<64x64xf32, #tpu.memory_space<vmem>>)
        tpu.yield
      }) : () -> ()
      %iota3A = tpu.iota {dimensions = array<i32: 0>} : vector<16xi32>
      %scan3A_33 = arith.constant 0 : i32
      %scan3A_34 = arith.constant 0 : i32
      %scan3A_35 = arith.constant 8 : i32
      %scan3A_36 = arith.addi %scan3A_34, %scan3A_35 : i32
      %scan3A_37 = arith.constant 1 : i32
      scf.for %scan3A_39 = %scan3A_34 to %scan3A_36 step %scan3A_37  : i32 {
        %mul3A_40 = arith.constant 8 : i32
        %mul3A_41 = arith.muli %scan3A_39, %mul3A_40 : i32
        %add3A_42 = arith.constant 0 : i32
        %add3A_43 = arith.addi %mul3A_41, %add3A_42 : i32
        %add3A_44 = vector.broadcast %add3A_43 : i32 to vector<16xi32>
        %add3A_45 = arith.addi %add3A_44, %iota3A : vector<16xi32>
        %and3A = arith.constant 63 : i32
        %and3A_46 = vector.broadcast %and3A : i32 to vector<16xi32>
        %and3A_47 = arith.andi %add3A_45, %and3A_46 : vector<16xi32>
        %add3A_48 = arith.constant 0 : i32
        %add3A_49 = vector.broadcast %add3A_48 : i32 to vector<16xi32>
        %add3A_50 = arith.addi %iota3A, %add3A_49 : vector<16xi32>
        %gather3A = tpu.vector_load_idx %arg9[%add3A_50, %and3A_47] : memref<64x64xf32, #tpu.memory_space<vmem>>[vector<16xi32>, vector<16xi32>], vector<16xf32>,
        %add3A_51 = arith.constant 16 : i32
        %add3A_52 = vector.broadcast %add3A_51 : i32 to vector<16xi32>
        %add3A_53 = arith.addi %iota3A, %add3A_52 : vector<16xi32>
        %gather3A_54 = tpu.vector_load_idx %arg9[%add3A_53, %and3A_47] : memref<64x64xf32, #tpu.memory_space<vmem>>[vector<16xi32>, vector<16xi32>], vector<16xf32>,
        %add3A_55 = arith.constant 32 : i32
        %add3A_56 = vector.broadcast %add3A_55 : i32 to vector<16xi32>
        %add3A_57 = arith.addi %iota3A, %add3A_56 : vector<16xi32>
        %gather3A_58 = tpu.vector_load_idx %arg9[%add3A_57, %and3A_47] : memref<64x64xf32, #tpu.memory_space<vmem>>[vector<16xi32>, vector<16xi32>], vector<16xf32>,
        %add3A_59 = arith.constant 48 : i32
        %add3A_60 = vector.broadcast %add3A_59 : i32 to vector<16xi32>
        %add3A_61 = arith.addi %iota3A, %add3A_60 : vector<16xi32>
        %gather3A_62 = tpu.vector_load_idx %arg9[%add3A_61, %and3A_47] : memref<64x64xf32, #tpu.memory_space<vmem>>[vector<16xi32>, vector<16xi32>], vector<16xf32>,
        %mul3A_63 = arith.constant 8 : i32
        %mul3A_64 = arith.muli %scan3A_39, %mul3A_63 : i32
        %add3A_65 = arith.constant 1 : i32
        %add3A_66 = arith.addi %mul3A_64, %add3A_65 : i32
        %add3A_67 = vector.broadcast %add3A_66 : i32 to vector<16xi32>
        %add3A_68 = arith.addi %add3A_67, %iota3A : vector<16xi32>
        %and3A_69 = arith.constant 63 : i32
        %and3A_70 = vector.broadcast %and3A_69 : i32 to vector<16xi32>
        %and3A_71 = arith.andi %add3A_68, %and3A_70 : vector<16xi32>
        %add3A_72 = arith.constant 0 : i32
        %add3A_73 = vector.broadcast %add3A_72 : i32 to vector<16xi32>
        %add3A_74 = arith.addi %iota3A, %add3A_73 : vector<16xi32>
        %gather3A_75 = tpu.vector_load_idx %arg9[%add3A_74, %and3A_71] : memref<64x64xf32, #tpu.memory_space<vmem>>[vector<16xi32>, vector<16xi32>], vector<16xf32>,
        %add3A_76 = arith.constant 16 : i32
        %add3A_77 = vector.broadcast %add3A_76 : i32 to vector<16xi32>
        %add3A_78 = arith.addi %iota3A, %add3A_77 : vector<16xi32>
        %gather3A_79 = tpu.vector_load_idx %arg9[%add3A_78, %and3A_71] : memref<64x64xf32, #tpu.memory_space<vmem>>[vector<16xi32>, vector<16xi32>], vector<16xf32>,
        %add3A_80 = arith.constant 32 : i32
        %add3A_81 = vector.broadcast %add3A_80 : i32 to vector<16xi32>
        %add3A_82 = arith.addi %iota3A, %add3A_81 : vector<16xi32>
        %gather3A_83 = tpu.vector_load_idx %arg9[%add3A_82, %and3A_71] : memref<64x64xf32, #tpu.memory_space<vmem>>[vector<16xi32>, vector<16xi32>], vector<16xf32>,
        %add3A_84 = arith.constant 48 : i32
        %add3A_85 = vector.broadcast %add3A_84 : i32 to vector<16xi32>
        %add3A_86 = arith.addi %iota3A, %add3A_85 : vector<16xi32>
        %gather3A_87 = tpu.vector_load_idx %arg9[%add3A_86, %and3A_71] : memref<64x64xf32, #tpu.memory_space<vmem>>[vector<16xi32>, vector<16xi32>], vector<16xf32>,
        %mul3A_88 = arith.constant 8 : i32
        %mul3A_89 = arith.muli %scan3A_39, %mul3A_88 : i32
        %add3A_90 = arith.constant 2 : i32
        %add3A_91 = arith.addi %mul3A_89, %add3A_90 : i32
        %add3A_92 = vector.broadcast %add3A_91 : i32 to vector<16xi32>
        %add3A_93 = arith.addi %add3A_92, %iota3A : vector<16xi32>
        %and3A_94 = arith.constant 63 : i32
        %and3A_95 = vector.broadcast %and3A_94 : i32 to vector<16xi32>
        %and3A_96 = arith.andi %add3A_93, %and3A_95 : vector<16xi32>
        %add3A_97 = arith.constant 0 : i32
        %add3A_98 = vector.broadcast %add3A_97 : i32 to vector<16xi32>
        %add3A_99 = arith.addi %iota3A, %add3A_98 : vector<16xi32>
        %gather3A_100 = tpu.vector_load_idx %arg9[%add3A_99, %and3A_96] : memref<64x64xf32, #tpu.memory_space<vmem>>[vector<16xi32>, vector<16xi32>], vector<16xf32>,
        %add3A_101 = arith.constant 16 : i32
        %add3A_102 = vector.broadcast %add3A_101 : i32 to vector<16xi32>
        %add3A_103 = arith.addi %iota3A, %add3A_102 : vector<16xi32>
        %gather3A_104 = tpu.vector_load_idx %arg9[%add3A_103, %and3A_96] : memref<64x64xf32, #tpu.memory_space<vmem>>[vector<16xi32>, vector<16xi32>], vector<16xf32>,
        %add3A_105 = arith.constant 32 : i32
        %add3A_106 = vector.broadcast %add3A_105 : i32 to vector<16xi32>
        %add3A_107 = arith.addi %iota3A, %add3A_106 : vector<16xi32>
        %gather3A_108 = tpu.vector_load_idx %arg9[%add3A_107, %and3A_96] : memref<64x64xf32, #tpu.memory_space<vmem>>[vector<16xi32>, vector<16xi32>], vector<16xf32>,
        %add3A_109 = arith.constant 48 : i32
        %add3A_110 = vector.broadcast %add3A_109 : i32 to vector<16xi32>
        %add3A_111 = arith.addi %iota3A, %add3A_110 : vector<16xi32>
        %gather3A_112 = tpu.vector_load_idx %arg9[%add3A_111, %and3A_96] : memref<64x64xf32, #tpu.memory_space<vmem>>[vector<16xi32>, vector<16xi32>], vector<16xf32>,
        %mul3A_113 = arith.constant 8 : i32
        %mul3A_114 = arith.muli %scan3A_39, %mul3A_113 : i32
        %add3A_115 = arith.constant 3 : i32
        %add3A_116 = arith.addi %mul3A_114, %add3A_115 : i32
        %add3A_117 = vector.broadcast %add3A_116 : i32 to vector<16xi32>
        %add3A_118 = arith.addi %add3A_117, %iota3A : vector<16xi32>
        %and3A_119 = arith.constant 63 : i32
        %and3A_120 = vector.broadcast %and3A_119 : i32 to vector<16xi32>
        %and3A_121 = arith.andi %add3A_118, %and3A_120 : vector<16xi32>
        %add3A_122 = arith.constant 0 : i32
        %add3A_123 = vector.broadcast %add3A_122 : i32 to vector<16xi32>
        %add3A_124 = arith.addi %iota3A, %add3A_123 : vector<16xi32>
        %gather3A_125 = tpu.vector_load_idx %arg9[%add3A_124, %and3A_121] : memref<64x64xf32, #tpu.memory_space<vmem>>[vector<16xi32>, vector<16xi32>], vector<16xf32>,
        %add3A_126 = arith.constant 16 : i32
        %add3A_127 = vector.broadcast %add3A_126 : i32 to vector<16xi32>
        %add3A_128 = arith.addi %iota3A, %add3A_127 : vector<16xi32>
        %gather3A_129 = tpu.vector_load_idx %arg9[%add3A_128, %and3A_121] : memref<64x64xf32, #tpu.memory_space<vmem>>[vector<16xi32>, vector<16xi32>], vector<16xf32>,
        %add3A_130 = arith.constant 32 : i32
        %add3A_131 = vector.broadcast %add3A_130 : i32 to vector<16xi32>
        %add3A_132 = arith.addi %iota3A, %add3A_131 : vector<16xi32>
        %gather3A_133 = tpu.vector_load_idx %arg9[%add3A_132, %and3A_121] : memref<64x64xf32, #tpu.memory_space<vmem>>[vector<16xi32>, vector<16xi32>], vector<16xf32>,
        %add3A_134 = arith.constant 48 : i32
        %add3A_135 = vector.broadcast %add3A_134 : i32 to vector<16xi32>
        %add3A_136 = arith.addi %iota3A, %add3A_135 : vector<16xi32>
        %gather3A_137 = tpu.vector_load_idx %arg9[%add3A_136, %and3A_121] : memref<64x64xf32, #tpu.memory_space<vmem>>[vector<16xi32>, vector<16xi32>], vector<16xf32>,
        %mul3A_138 = arith.constant 8 : i32
        %mul3A_139 = arith.muli %scan3A_39, %mul3A_138 : i32
        %add3A_140 = arith.constant 4 : i32
        %add3A_141 = arith.addi %mul3A_139, %add3A_140 : i32
        %add3A_142 = vector.broadcast %add3A_141 : i32 to vector<16xi32>
        %add3A_143 = arith.addi %add3A_142, %iota3A : vector<16xi32>
        %and3A_144 = arith.constant 63 : i32
        %and3A_145 = vector.broadcast %and3A_144 : i32 to vector<16xi32>
        %and3A_146 = arith.andi %add3A_143, %and3A_145 : vector<16xi32>
        %add3A_147 = arith.constant 0 : i32
        %add3A_148 = vector.broadcast %add3A_147 : i32 to vector<16xi32>
        %add3A_149 = arith.addi %iota3A, %add3A_148 : vector<16xi32>
        %gather3A_150 = tpu.vector_load_idx %arg9[%add3A_149, %and3A_146] : memref<64x64xf32, #tpu.memory_space<vmem>>[vector<16xi32>, vector<16xi32>], vector<16xf32>,
        %add3A_151 = arith.constant 16 : i32
        %add3A_152 = vector.broadcast %add3A_151 : i32 to vector<16xi32>
        %add3A_153 = arith.addi %iota3A, %add3A_152 : vector<16xi32>
        %gather3A_154 = tpu.vector_load_idx %arg9[%add3A_153, %and3A_146] : memref<64x64xf32, #tpu.memory_space<vmem>>[vector<16xi32>, vector<16xi32>], vector<16xf32>,
        %add3A_155 = arith.constant 32 : i32
        %add3A_156 = vector.broadcast %add3A_155 : i32 to vector<16xi32>
        %add3A_157 = arith.addi %iota3A, %add3A_156 : vector<16xi32>
        %gather3A_158 = tpu.vector_load_idx %arg9[%add3A_157, %and3A_146] : memref<64x64xf32, #tpu.memory_space<vmem>>[vector<16xi32>, vector<16xi32>], vector<16xf32>,
        %add3A_159 = arith.constant 48 : i32
        %add3A_160 = vector.broadcast %add3A_159 : i32 to vector<16xi32>
        %add3A_161 = arith.addi %iota3A, %add3A_160 : vector<16xi32>
        %gather3A_162 = tpu.vector_load_idx %arg9[%add3A_161, %and3A_146] : memref<64x64xf32, #tpu.memory_space<vmem>>[vector<16xi32>, vector<16xi32>], vector<16xf32>,
        %mul3A_163 = arith.constant 8 : i32
        %mul3A_164 = arith.muli %scan3A_39, %mul3A_163 : i32
        %add3A_165 = arith.constant 5 : i32
        %add3A_166 = arith.addi %mul3A_164, %add3A_165 : i32
        %add3A_167 = vector.broadcast %add3A_166 : i32 to vector<16xi32>
        %add3A_168 = arith.addi %add3A_167, %iota3A : vector<16xi32>
        %and3A_169 = arith.constant 63 : i32
        %and3A_170 = vector.broadcast %and3A_169 : i32 to vector<16xi32>
        %and3A_171 = arith.andi %add3A_168, %and3A_170 : vector<16xi32>
        %add3A_172 = arith.constant 0 : i32
        %add3A_173 = vector.broadcast %add3A_172 : i32 to vector<16xi32>
        %add3A_174 = arith.addi %iota3A, %add3A_173 : vector<16xi32>
        %gather3A_175 = tpu.vector_load_idx %arg9[%add3A_174, %and3A_171] : memref<64x64xf32, #tpu.memory_space<vmem>>[vector<16xi32>, vector<16xi32>], vector<16xf32>,
        %add3A_176 = arith.constant 16 : i32
        %add3A_177 = vector.broadcast %add3A_176 : i32 to vector<16xi32>
        %add3A_178 = arith.addi %iota3A, %add3A_177 : vector<16xi32>
        %gather3A_179 = tpu.vector_load_idx %arg9[%add3A_178, %and3A_171] : memref<64x64xf32, #tpu.memory_space<vmem>>[vector<16xi32>, vector<16xi32>], vector<16xf32>,
        %add3A_180 = arith.constant 32 : i32
        %add3A_181 = vector.broadcast %add3A_180 : i32 to vector<16xi32>
        %add3A_182 = arith.addi %iota3A, %add3A_181 : vector<16xi32>
        %gather3A_183 = tpu.vector_load_idx %arg9[%add3A_182, %and3A_171] : memref<64x64xf32, #tpu.memory_space<vmem>>[vector<16xi32>, vector<16xi32>], vector<16xf32>,
        %add3A_184 = arith.constant 48 : i32
        %add3A_185 = vector.broadcast %add3A_184 : i32 to vector<16xi32>
        %add3A_186 = arith.addi %iota3A, %add3A_185 : vector<16xi32>
        %gather3A_187 = tpu.vector_load_idx %arg9[%add3A_186, %and3A_171] : memref<64x64xf32, #tpu.memory_space<vmem>>[vector<16xi32>, vector<16xi32>], vector<16xf32>,
        %mul3A_188 = arith.constant 8 : i32
        %mul3A_189 = arith.muli %scan3A_39, %mul3A_188 : i32
        %add3A_190 = arith.constant 6 : i32
        %add3A_191 = arith.addi %mul3A_189, %add3A_190 : i32
        %add3A_192 = vector.broadcast %add3A_191 : i32 to vector<16xi32>
        %add3A_193 = arith.addi %add3A_192, %iota3A : vector<16xi32>
        %and3A_194 = arith.constant 63 : i32
        %and3A_195 = vector.broadcast %and3A_194 : i32 to vector<16xi32>
        %and3A_196 = arith.andi %add3A_193, %and3A_195 : vector<16xi32>
        %add3A_197 = arith.constant 0 : i32
        %add3A_198 = vector.broadcast %add3A_197 : i32 to vector<16xi32>
        %add3A_199 = arith.addi %iota3A, %add3A_198 : vector<16xi32>
        %gather3A_200 = tpu.vector_load_idx %arg9[%add3A_199, %and3A_196] : memref<64x64xf32, #tpu.memory_space<vmem>>[vector<16xi32>, vector<16xi32>], vector<16xf32>,
        %add3A_201 = arith.constant 16 : i32
        %add3A_202 = vector.broadcast %add3A_201 : i32 to vector<16xi32>
        %add3A_203 = arith.addi %iota3A, %add3A_202 : vector<16xi32>
        %gather3A_204 = tpu.vector_load_idx %arg9[%add3A_203, %and3A_196] : memref<64x64xf32, #tpu.memory_space<vmem>>[vector<16xi32>, vector<16xi32>], vector<16xf32>,
        %add3A_205 = arith.constant 32 : i32
        %add3A_206 = vector.broadcast %add3A_205 : i32 to vector<16xi32>
        %add3A_207 = arith.addi %iota3A, %add3A_206 : vector<16xi32>
        %gather3A_208 = tpu.vector_load_idx %arg9[%add3A_207, %and3A_196] : memref<64x64xf32, #tpu.memory_space<vmem>>[vector<16xi32>, vector<16xi32>], vector<16xf32>,
        %add3A_209 = arith.constant 48 : i32
        %add3A_210 = vector.broadcast %add3A_209 : i32 to vector<16xi32>
        %add3A_211 = arith.addi %iota3A, %add3A_210 : vector<16xi32>
        %gather3A_212 = tpu.vector_load_idx %arg9[%add3A_211, %and3A_196] : memref<64x64xf32, #tpu.memory_space<vmem>>[vector<16xi32>, vector<16xi32>], vector<16xf32>,
        %mul3A_213 = arith.constant 8 : i32
        %mul3A_214 = arith.muli %scan3A_39, %mul3A_213 : i32
        %add3A_215 = arith.constant 7 : i32
        %add3A_216 = arith.addi %mul3A_214, %add3A_215 : i32
        %add3A_217 = vector.broadcast %add3A_216 : i32 to vector<16xi32>
        %add3A_218 = arith.addi %add3A_217, %iota3A : vector<16xi32>
        %and3A_219 = arith.constant 63 : i32
        %and3A_220 = vector.broadcast %and3A_219 : i32 to vector<16xi32>
        %and3A_221 = arith.andi %add3A_218, %and3A_220 : vector<16xi32>
        %add3A_222 = arith.constant 0 : i32
        %add3A_223 = vector.broadcast %add3A_222 : i32 to vector<16xi32>
        %add3A_224 = arith.addi %iota3A, %add3A_223 : vector<16xi32>
        %gather3A_225 = tpu.vector_load_idx %arg9[%add3A_224, %and3A_221] : memref<64x64xf32, #tpu.memory_space<vmem>>[vector<16xi32>, vector<16xi32>], vector<16xf32>,
        %add3A_226 = arith.constant 16 : i32
        %add3A_227 = vector.broadcast %add3A_226 : i32 to vector<16xi32>
        %add3A_228 = arith.addi %iota3A, %add3A_227 : vector<16xi32>
        %gather3A_229 = tpu.vector_load_idx %arg9[%add3A_228, %and3A_221] : memref<64x64xf32, #tpu.memory_space<vmem>>[vector<16xi32>, vector<16xi32>], vector<16xf32>,
        %add3A_230 = arith.constant 32 : i32
        %add3A_231 = vector.broadcast %add3A_230 : i32 to vector<16xi32>
        %add3A_232 = arith.addi %iota3A, %add3A_231 : vector<16xi32>
        %gather3A_233 = tpu.vector_load_idx %arg9[%add3A_232, %and3A_221] : memref<64x64xf32, #tpu.memory_space<vmem>>[vector<16xi32>, vector<16xi32>], vector<16xf32>,
        %add3A_234 = arith.constant 48 : i32
        %add3A_235 = vector.broadcast %add3A_234 : i32 to vector<16xi32>
        %add3A_236 = arith.addi %iota3A, %add3A_235 : vector<16xi32>
        %gather3A_237 = tpu.vector_load_idx %arg9[%add3A_236, %and3A_221] : memref<64x64xf32, #tpu.memory_space<vmem>>[vector<16xi32>, vector<16xi32>], vector<16xf32>,
        tpu.vector_store_idx %arg7[%and3A_47, %add3A_50], %gather3A : memref<128x128xf32, #tpu.memory_space<vmem>>[vector<16xi32>, vector<16xi32>], vector<16xf32>,
        tpu.vector_store_idx %arg7[%and3A_47, %add3A_53], %gather3A_54 : memref<128x128xf32, #tpu.memory_space<vmem>>[vector<16xi32>, vector<16xi32>], vector<16xf32>,
        tpu.vector_store_idx %arg7[%and3A_47, %add3A_57], %gather3A_58 : memref<128x128xf32, #tpu.memory_space<vmem>>[vector<16xi32>, vector<16xi32>], vector<16xf32>,
        tpu.vector_store_idx %arg7[%and3A_47, %add3A_61], %gather3A_62 : memref<128x128xf32, #tpu.memory_space<vmem>>[vector<16xi32>, vector<16xi32>], vector<16xf32>,
        tpu.vector_store_idx %arg7[%and3A_71, %add3A_74], %gather3A_75 : memref<128x128xf32, #tpu.memory_space<vmem>>[vector<16xi32>, vector<16xi32>], vector<16xf32>,
        tpu.vector_store_idx %arg7[%and3A_71, %add3A_78], %gather3A_79 : memref<128x128xf32, #tpu.memory_space<vmem>>[vector<16xi32>, vector<16xi32>], vector<16xf32>,
        tpu.vector_store_idx %arg7[%and3A_71, %add3A_82], %gather3A_83 : memref<128x128xf32, #tpu.memory_space<vmem>>[vector<16xi32>, vector<16xi32>], vector<16xf32>,
        tpu.vector_store_idx %arg7[%and3A_71, %add3A_86], %gather3A_87 : memref<128x128xf32, #tpu.memory_space<vmem>>[vector<16xi32>, vector<16xi32>], vector<16xf32>,
        tpu.vector_store_idx %arg7[%and3A_96, %add3A_99], %gather3A_100 : memref<128x128xf32, #tpu.memory_space<vmem>>[vector<16xi32>, vector<16xi32>], vector<16xf32>,
        tpu.vector_store_idx %arg7[%and3A_96, %add3A_103], %gather3A_104 : memref<128x128xf32, #tpu.memory_space<vmem>>[vector<16xi32>, vector<16xi32>], vector<16xf32>,
        tpu.vector_store_idx %arg7[%and3A_96, %add3A_107], %gather3A_108 : memref<128x128xf32, #tpu.memory_space<vmem>>[vector<16xi32>, vector<16xi32>], vector<16xf32>,
        tpu.vector_store_idx %arg7[%and3A_96, %add3A_111], %gather3A_112 : memref<128x128xf32, #tpu.memory_space<vmem>>[vector<16xi32>, vector<16xi32>], vector<16xf32>,
        tpu.vector_store_idx %arg7[%and3A_121, %add3A_124], %gather3A_125 : memref<128x128xf32, #tpu.memory_space<vmem>>[vector<16xi32>, vector<16xi32>], vector<16xf32>,
        tpu.vector_store_idx %arg7[%and3A_121, %add3A_128], %gather3A_129 : memref<128x128xf32, #tpu.memory_space<vmem>>[vector<16xi32>, vector<16xi32>], vector<16xf32>,
        tpu.vector_store_idx %arg7[%and3A_121, %add3A_132], %gather3A_133 : memref<128x128xf32, #tpu.memory_space<vmem>>[vector<16xi32>, vector<16xi32>], vector<16xf32>,
        tpu.vector_store_idx %arg7[%and3A_121, %add3A_136], %gather3A_137 : memref<128x128xf32, #tpu.memory_space<vmem>>[vector<16xi32>, vector<16xi32>], vector<16xf32>,
        tpu.vector_store_idx %arg7[%and3A_146, %add3A_149], %gather3A_150 : memref<128x128xf32, #tpu.memory_space<vmem>>[vector<16xi32>, vector<16xi32>], vector<16xf32>,
        tpu.vector_store_idx %arg7[%and3A_146, %add3A_153], %gather3A_154 : memref<128x128xf32, #tpu.memory_space<vmem>>[vector<16xi32>, vector<16xi32>], vector<16xf32>,
        tpu.vector_store_idx %arg7[%and3A_146, %add3A_157], %gather3A_158 : memref<128x128xf32, #tpu.memory_space<vmem>>[vector<16xi32>, vector<16xi32>], vector<16xf32>,
        tpu.vector_store_idx %arg7[%and3A_146, %add3A_161], %gather3A_162 : memref<128x128xf32, #tpu.memory_space<vmem>>[vector<16xi32>, vector<16xi32>], vector<16xf32>,
        tpu.vector_store_idx %arg7[%and3A_171, %add3A_174], %gather3A_175 : memref<128x128xf32, #tpu.memory_space<vmem>>[vector<16xi32>, vector<16xi32>], vector<16xf32>,
        tpu.vector_store_idx %arg7[%and3A_171, %add3A_178], %gather3A_179 : memref<128x128xf32, #tpu.memory_space<vmem>>[vector<16xi32>, vector<16xi32>], vector<16xf32>,
        tpu.vector_store_idx %arg7[%and3A_171, %add3A_182], %gather3A_183 : memref<128x128xf32, #tpu.memory_space<vmem>>[vector<16xi32>, vector<16xi32>], vector<16xf32>,
        tpu.vector_store_idx %arg7[%and3A_171, %add3A_186], %gather3A_187 : memref<128x128xf32, #tpu.memory_space<vmem>>[vector<16xi32>, vector<16xi32>], vector<16xf32>,
        tpu.vector_store_idx %arg7[%and3A_196, %add3A_199], %gather3A_200 : memref<128x128xf32, #tpu.memory_space<vmem>>[vector<16xi32>, vector<16xi32>], vector<16xf32>,
        tpu.vector_store_idx %arg7[%and3A_196, %add3A_203], %gather3A_204 : memref<128x128xf32, #tpu.memory_space<vmem>>[vector<16xi32>, vector<16xi32>], vector<16xf32>,
        tpu.vector_store_idx %arg7[%and3A_196, %add3A_207], %gather3A_208 : memref<128x128xf32, #tpu.memory_space<vmem>>[vector<16xi32>, vector<16xi32>], vector<16xf32>,
        tpu.vector_store_idx %arg7[%and3A_196, %add3A_211], %gather3A_212 : memref<128x128xf32, #tpu.memory_space<vmem>>[vector<16xi32>, vector<16xi32>], vector<16xf32>,
        tpu.vector_store_idx %arg7[%and3A_221, %add3A_224], %gather3A_225 : memref<128x128xf32, #tpu.memory_space<vmem>>[vector<16xi32>, vector<16xi32>], vector<16xf32>,
        tpu.vector_store_idx %arg7[%and3A_221, %add3A_228], %gather3A_229 : memref<128x128xf32, #tpu.memory_space<vmem>>[vector<16xi32>, vector<16xi32>], vector<16xf32>,
        tpu.vector_store_idx %arg7[%and3A_221, %add3A_232], %gather3A_233 : memref<128x128xf32, #tpu.memory_space<vmem>>[vector<16xi32>, vector<16xi32>], vector<16xf32>,
        tpu.vector_store_idx %arg7[%and3A_221, %add3A_236], %gather3A_237 : memref<128x128xf32, #tpu.memory_space<vmem>>[vector<16xi32>, vector<16xi32>], vector<16xf32>,
      }
      %scan3A_38 = arith.constant 8 : i32
      "tpu.region"() ({
        %run_scoped3A = tpu.sem_alloc : memref<!tpu.dma_semaphore, #tpu.memory_space<semaphore_mem>>
        %dma_start3A_39 = arith.constant 0 : i32
        %dma_start3A_40 = arith.constant 0 : i32
        %dma_start3A_41 = tpu.memref_slice %arg7[%dma_start3A_39, %dma_start3A_40] : memref<128x128xf32, #tpu.memory_space<vmem>> -> memref<64x128xf32, #tpu.memory_space<vmem>>
        %dma_start3A_42 = arith.constant 999936 : i32
        %dma_start3A_43 = arith.constant 0 : i32
        %dma_start3A_44 = tpu.memref_slice %arg4[%dma_start3A_42, %dma_start3A_43] : memref<1000000x128xf32, #tpu.memory_space<hbm>> -> memref<64x128xf32, #tpu.memory_space<hbm>>
        %dma_start3A_45 = arith.constant 999936 : i32
        %dma_start3A_46 = arith.constant 0 : i32
        %dma_start3A_47 = tpu.memref_slice %arg4[%dma_start3A_45, %dma_start3A_46] : memref<1000000x128xf32, #tpu.memory_space<hbm>> -> memref<64x128xf32, #tpu.memory_space<hbm>>
        %dma_start3A_48 = arith.constant 0 : i32
        %dma_start3A_49 = arith.constant 0 : i32
        %dma_start3A_50 = tpu.memref_slice %arg7[%dma_start3A_48, %dma_start3A_49] : memref<128x128xf32, #tpu.memory_space<vmem>> -> memref<64x128xf32, #tpu.memory_space<vmem>>
        tpu.enqueue_dma source(%dma_start3A_50 : memref<64x128xf32, #tpu.memory_space<vmem>>) target(%dma_start3A_47 : memref<64x128xf32, #tpu.memory_space<hbm>>) target_semaphore(%run_scoped3A : memref<!tpu.dma_semaphore, #tpu.memory_space<semaphore_mem>>)
        %dma_wait3A = arith.constant 0 : i32
        %dma_wait3A_51 = arith.constant 0 : i32
        %dma_wait3A_52 = tpu.memref_slice %arg7[%dma_wait3A, %dma_wait3A_51] : memref<128x128xf32, #tpu.memory_space<vmem>> -> memref<64x128xf32, #tpu.memory_space<vmem>>
        %dma_wait3A_53 = arith.constant 999936 : i32
        %dma_wait3A_54 = arith.constant 0 : i32
        %dma_wait3A_55 = tpu.memref_slice %arg4[%dma_wait3A_53, %dma_wait3A_54] : memref<1000000x128xf32, #tpu.memory_space<hbm>> -> memref<64x128xf32, #tpu.memory_space<hbm>>
        %dma_wait3A_56 = arith.constant 999936 : i32
        %dma_wait3A_57 = arith.constant 0 : i32
        %dma_wait3A_58 = tpu.memref_slice %arg4[%dma_wait3A_56, %dma_wait3A_57] : memref<1000000x128xf32, #tpu.memory_space<hbm>> -> memref<64x128xf32, #tpu.memory_space<hbm>>
        %dma_wait3A_59 = arith.constant 0 : i32
        %dma_wait3A_60 = arith.constant 0 : i32
        %dma_wait3A_61 = tpu.memref_slice %arg7[%dma_wait3A_59, %dma_wait3A_60] : memref<128x128xf32, #tpu.memory_space<vmem>> -> memref<64x128xf32, #tpu.memory_space<vmem>>
        tpu.wait_dma2 semaphore(%run_scoped3A : memref<!tpu.dma_semaphore, #tpu.memory_space<semaphore_mem>>) src(%dma_wait3A_61 : memref<64x128xf32, #tpu.memory_space<vmem>>) dst(%dma_wait3A_58 : memref<64x128xf32, #tpu.memory_space<hbm>>)
        tpu.yield
      }) : () -> ()
    } else {
    }
    return
  }
}

#map = affine_map<(d0, d1) -> (0, 0)>
#map1 = affine_map<(d0, d1) -> (0, 0, 0)>
module attributes {stable_mosaic.version = 14 : i64} {
  func.func @_body(%arg0: i32, %arg1: i32, %arg2: memref<4096x200xi32, #tpu.memory_space<hbm>>, %arg3: memref<2000000x64xf32, #tpu.memory_space<hbm>>, %arg4: memref<4096x200x128xf32, #tpu.memory_space<hbm>>, %arg5: memref<128x200xi32, #tpu.memory_space<vmem>>, %arg6: memref<128x64xf32, #tpu.memory_space<vmem>>, %arg7: memref<72x64xf32, #tpu.memory_space<vmem>>, %arg8: memref<128x64xf32, #tpu.memory_space<vmem>>, %arg9: memref<72x64xf32, #tpu.memory_space<vmem>>, %arg10: memref<!tpu.dma_semaphore, #tpu.memory_space<semaphore_mem>>, %arg11: memref<!tpu.dma_semaphore, #tpu.memory_space<semaphore_mem>>, %arg12: memref<!tpu.dma_semaphore, #tpu.memory_space<semaphore_mem>>, %arg13: memref<!tpu.dma_semaphore, #tpu.memory_space<semaphore_mem>>, %arg14: memref<!tpu.dma_semaphore, #tpu.memory_space<semaphore_mem>>, %arg15: memref<!tpu.dma_semaphore, #tpu.memory_space<semaphore_mem>>, %arg16: memref<!tpu.dma_semaphore, #tpu.memory_space<semaphore_mem>>, %arg17: memref<!tpu.dma_semaphore, #tpu.memory_space<semaphore_mem>>) attributes {dimension_semantics = [#tpu.dimension_semantics<core_parallel>, #tpu.dimension_semantics<subcore_parallel>], iteration_bounds = array<i64: 2, 16>, scalar_prefetch = 0 : i64, scratch_operands = 13 : i64, tpu.core_type = #tpu.core_type<sc_vector_subcore>, window_params = [{transform_indices = #map}, {transform_indices = #map}, {transform_indices = #map1}]} {
    %mul3A = arith.constant 2 : i32
    %mul3A_0 = arith.muli %arg1, %mul3A : i32
    %add3A = arith.addi %mul3A_0, %arg0 : i32
    %mul3A_1 = arith.constant 128 : i32
    %mul3A_2 = arith.muli %add3A, %mul3A_1 : i32
    "tpu.region"() ({
      %run_scoped3A = tpu.sem_alloc : memref<!tpu.dma_semaphore, #tpu.memory_space<semaphore_mem>>
      %dma_start3A_74 = arith.constant 0 : i32
      %dma_start3A_75 = tpu.memref_slice %arg2[%mul3A_2, %dma_start3A_74] : memref<4096x200xi32, #tpu.memory_space<hbm>> -> memref<128x200xi32, #tpu.memory_space<hbm>>
      %dma_start3A_76 = arith.constant 0 : i32
      %dma_start3A_77 = tpu.memref_slice %arg2[%mul3A_2, %dma_start3A_76] : memref<4096x200xi32, #tpu.memory_space<hbm>> -> memref<128x200xi32, #tpu.memory_space<hbm>>
      tpu.enqueue_dma source(%dma_start3A_77 : memref<128x200xi32, #tpu.memory_space<hbm>>) target(%arg5 : memref<128x200xi32, #tpu.memory_space<vmem>>) target_semaphore(%run_scoped3A : memref<!tpu.dma_semaphore, #tpu.memory_space<semaphore_mem>>)
      %dma_wait3A_78 = arith.constant 0 : i32
      %dma_wait3A_79 = tpu.memref_slice %arg2[%mul3A_2, %dma_wait3A_78] : memref<4096x200xi32, #tpu.memory_space<hbm>> -> memref<128x200xi32, #tpu.memory_space<hbm>>
      %dma_wait3A_80 = arith.constant 0 : i32
      %dma_wait3A_81 = tpu.memref_slice %arg2[%mul3A_2, %dma_wait3A_80] : memref<4096x200xi32, #tpu.memory_space<hbm>> -> memref<128x200xi32, #tpu.memory_space<hbm>>
      tpu.wait_dma2 semaphore(%run_scoped3A : memref<!tpu.dma_semaphore, #tpu.memory_space<semaphore_mem>>) src(%dma_wait3A_81 : memref<128x200xi32, #tpu.memory_space<hbm>>) dst(%arg5 : memref<128x200xi32, #tpu.memory_space<vmem>>)
      tpu.yield
    }) : () -> ()
    %dma_start3A = arith.constant 0 : i32
    %dma_start3A_3 = arith.constant 0 : i32
    %dma_start3A_4 = tpu.memref_slice %arg5[%dma_start3A, %dma_start3A_3] : memref<128x200xi32, #tpu.memory_space<vmem>> -> memref<1x128xi32, #tpu.memory_space<vmem>>
    %dma_start3A_5 = tpu.memref_squeeze %dma_start3A_4 : memref<1x128xi32, #tpu.memory_space<vmem>> -> memref<128xi32, #tpu.memory_space<vmem>>
    %dma_start3A_6 = arith.constant 0 : i32
    %dma_start3A_7 = arith.constant 0 : i32
    %dma_start3A_8 = tpu.memref_slice %arg3[%dma_start3A_6, %dma_start3A_7] : memref<2000000x64xf32, #tpu.memory_space<hbm>> -> memref<2000000x64xf32, #tpu.memory_space<hbm>>
    tpu.enqueue_indirect_dma source(%dma_start3A_8 : memref<2000000x64xf32, #tpu.memory_space<hbm>>) target(%arg6 : memref<128x64xf32, #tpu.memory_space<vmem>>) offsets(%dma_start3A_5 : memref<128xi32, #tpu.memory_space<vmem>>) semaphore(%arg10 : memref<!tpu.dma_semaphore, #tpu.memory_space<semaphore_mem>>)
    %dma_start3A_9 = arith.constant 0 : i32
    %dma_start3A_10 = arith.constant 128 : i32
    %dma_start3A_11 = tpu.memref_slice %arg5[%dma_start3A_9, %dma_start3A_10] : memref<128x200xi32, #tpu.memory_space<vmem>> -> memref<1x72xi32, #tpu.memory_space<vmem>>
    %dma_start3A_12 = tpu.memref_squeeze %dma_start3A_11 : memref<1x72xi32, #tpu.memory_space<vmem>> -> memref<72xi32, #tpu.memory_space<vmem>>
    %dma_start3A_13 = arith.constant 0 : i32
    %dma_start3A_14 = arith.constant 0 : i32
    %dma_start3A_15 = tpu.memref_slice %arg3[%dma_start3A_13, %dma_start3A_14] : memref<2000000x64xf32, #tpu.memory_space<hbm>> -> memref<2000000x64xf32, #tpu.memory_space<hbm>>
    tpu.enqueue_indirect_dma source(%dma_start3A_15 : memref<2000000x64xf32, #tpu.memory_space<hbm>>) target(%arg7 : memref<72x64xf32, #tpu.memory_space<vmem>>) offsets(%dma_start3A_12 : memref<72xi32, #tpu.memory_space<vmem>>) semaphore(%arg11 : memref<!tpu.dma_semaphore, #tpu.memory_space<semaphore_mem>>)
    %dma_start3A_16 = arith.constant 1 : i32
    %dma_start3A_17 = arith.constant 0 : i32
    %dma_start3A_18 = tpu.memref_slice %arg5[%dma_start3A_16, %dma_start3A_17] : memref<128x200xi32, #tpu.memory_space<vmem>> -> memref<1x128xi32, #tpu.memory_space<vmem>>
    %dma_start3A_19 = tpu.memref_squeeze %dma_start3A_18 : memref<1x128xi32, #tpu.memory_space<vmem>> -> memref<128xi32, #tpu.memory_space<vmem>>
    %dma_start3A_20 = arith.constant 0 : i32
    %dma_start3A_21 = arith.constant 0 : i32
    %dma_start3A_22 = tpu.memref_slice %arg3[%dma_start3A_20, %dma_start3A_21] : memref<2000000x64xf32, #tpu.memory_space<hbm>> -> memref<2000000x64xf32, #tpu.memory_space<hbm>>
    tpu.enqueue_indirect_dma source(%dma_start3A_22 : memref<2000000x64xf32, #tpu.memory_space<hbm>>) target(%arg8 : memref<128x64xf32, #tpu.memory_space<vmem>>) offsets(%dma_start3A_19 : memref<128xi32, #tpu.memory_space<vmem>>) semaphore(%arg12 : memref<!tpu.dma_semaphore, #tpu.memory_space<semaphore_mem>>)
    %dma_start3A_23 = arith.constant 1 : i32
    %dma_start3A_24 = arith.constant 128 : i32
    %dma_start3A_25 = tpu.memref_slice %arg5[%dma_start3A_23, %dma_start3A_24] : memref<128x200xi32, #tpu.memory_space<vmem>> -> memref<1x72xi32, #tpu.memory_space<vmem>>
    %dma_start3A_26 = tpu.memref_squeeze %dma_start3A_25 : memref<1x72xi32, #tpu.memory_space<vmem>> -> memref<72xi32, #tpu.memory_space<vmem>>
    %dma_start3A_27 = arith.constant 0 : i32
    %dma_start3A_28 = arith.constant 0 : i32
    %dma_start3A_29 = tpu.memref_slice %arg3[%dma_start3A_27, %dma_start3A_28] : memref<2000000x64xf32, #tpu.memory_space<hbm>> -> memref<2000000x64xf32, #tpu.memory_space<hbm>>
    tpu.enqueue_indirect_dma source(%dma_start3A_29 : memref<2000000x64xf32, #tpu.memory_space<hbm>>) target(%arg9 : memref<72x64xf32, #tpu.memory_space<vmem>>) offsets(%dma_start3A_26 : memref<72xi32, #tpu.memory_space<vmem>>) semaphore(%arg13 : memref<!tpu.dma_semaphore, #tpu.memory_space<semaphore_mem>>)
    %scan3A = arith.constant 0 : i32
    %scan3A_30 = arith.constant 0 : i32
    %scan3A_31 = arith.constant 64 : i32
    %scan3A_32 = arith.addi %scan3A_30, %scan3A_31 : i32
    %scan3A_33 = arith.constant 1 : i32
    scf.for %scan3A_74 = %scan3A_30 to %scan3A_32 step %scan3A_33  : i32 {
      %mul3A_75 = arith.constant 4 : i32
      %mul3A_76 = arith.muli %scan3A_74, %mul3A_75 : i32
      %add3A_77 = arith.constant 0 : i32
      %add3A_78 = arith.addi %mul3A_76, %add3A_77 : i32
      %dma_wait3A_79 = arith.constant 0 : i32
      %dma_wait3A_80 = arith.constant 0 : i32
      %dma_wait3A_81 = tpu.memref_slice %arg5[%dma_wait3A_79, %dma_wait3A_80] : memref<128x200xi32, #tpu.memory_space<vmem>> -> memref<1x128xi32, #tpu.memory_space<vmem>>
      %dma_wait3A_82 = tpu.memref_squeeze %dma_wait3A_81 : memref<1x128xi32, #tpu.memory_space<vmem>> -> memref<128xi32, #tpu.memory_space<vmem>>
      %dma_wait3A_83 = arith.constant 0 : i32
      %dma_wait3A_84 = arith.constant 0 : i32
      %dma_wait3A_85 = tpu.memref_slice %arg3[%dma_wait3A_83, %dma_wait3A_84] : memref<2000000x64xf32, #tpu.memory_space<hbm>> -> memref<2000000x64xf32, #tpu.memory_space<hbm>>
      tpu.wait_indirect_dma semaphore(%arg10 : memref<!tpu.dma_semaphore, #tpu.memory_space<semaphore_mem>>) src(%dma_wait3A_85 : memref<2000000x64xf32, #tpu.memory_space<hbm>>) dst(%arg6 : memref<128x64xf32, #tpu.memory_space<vmem>>)
      %jit3A = arith.constant 2 : i32
      %div3A = arith.divsi %add3A_78, %jit3A : i32
      %sign3A = arith.constant 0 : i32
      %sign3A_86 = arith.cmpi sgt, %add3A_78, %sign3A : i32
      %sign3A_87 = arith.extui %sign3A_86 : i1 to i32
      %sign3A_88 = arith.constant 0 : i32
      %sign3A_89 = arith.cmpi slt, %add3A_78, %sign3A_88 : i32
      %sign3A_90 = arith.extui %sign3A_89 : i1 to i32
      %sign3A_91 = arith.subi %sign3A_87, %sign3A_90 : i32
      %sign3A_92 = arith.constant 0 : i32
      %sign3A_93 = arith.cmpi sgt, %jit3A, %sign3A_92 : i32
      %sign3A_94 = arith.extui %sign3A_93 : i1 to i32
      %sign3A_95 = arith.constant 0 : i32
      %sign3A_96 = arith.cmpi slt, %jit3A, %sign3A_95 : i32
      %sign3A_97 = arith.extui %sign3A_96 : i1 to i32
      %sign3A_98 = arith.subi %sign3A_94, %sign3A_97 : i32
      %ne3A = arith.cmpi ne, %sign3A_91, %sign3A_98 : i32
      %rem3A = arith.remsi %add3A_78, %jit3A : i32
      %ne3A_99 = arith.constant 0 : i32
      %ne3A_100 = arith.cmpi ne, %rem3A, %ne3A_99 : i32
      %and3A = arith.andi %ne3A, %ne3A_100 : i1
      %sub3A = arith.constant 1 : i32
      %sub3A_101 = arith.subi %div3A, %sub3A : i32
      %select_n3A = arith.select %and3A, %sub3A_101, %div3A : i32
      %add3A_102 = arith.addi %mul3A_2, %select_n3A : i32
      %dma_start3A_103 = arith.constant 0 : i32
      %dma_start3A_104 = arith.constant 0 : i32
      %dma_start3A_105 = tpu.memref_slice %arg4[%add3A_102, %dma_start3A_103, %dma_start3A_104] : memref<4096x200x128xf32, #tpu.memory_space<hbm>> -> memref<1x128x64xf32, #tpu.memory_space<hbm>>
      %dma_start3A_106 = tpu.memref_squeeze %dma_start3A_105 : memref<1x128x64xf32, #tpu.memory_space<hbm>> -> memref<128x64xf32, #tpu.memory_space<hbm>>
      %dma_start3A_107 = arith.constant 0 : i32
      %dma_start3A_108 = arith.constant 0 : i32
      %dma_start3A_109 = tpu.memref_slice %arg4[%add3A_102, %dma_start3A_107, %dma_start3A_108] : memref<4096x200x128xf32, #tpu.memory_space<hbm>> -> memref<1x128x64xf32, #tpu.memory_space<hbm>>
      %dma_start3A_110 = tpu.memref_squeeze %dma_start3A_109 : memref<1x128x64xf32, #tpu.memory_space<hbm>> -> memref<128x64xf32, #tpu.memory_space<hbm>>
      tpu.enqueue_dma source(%arg6 : memref<128x64xf32, #tpu.memory_space<vmem>>) target(%dma_start3A_110 : memref<128x64xf32, #tpu.memory_space<hbm>>) target_semaphore(%arg14 : memref<!tpu.dma_semaphore, #tpu.memory_space<semaphore_mem>>)
      %add3A_111 = arith.constant 4 : i32
      %add3A_112 = arith.addi %add3A_78, %add3A_111 : i32
      %lt3A = arith.constant 256 : i32
      %lt3A_113 = arith.cmpi slt, %add3A_112, %lt3A : i32
      %convert_element_type3A = arith.extui %lt3A_113 : i1 to i32
      %cond3A = arith.constant 0 : i32
      %cond3A_114 = arith.cmpi ne, %convert_element_type3A, %cond3A : i32
      scf.if %cond3A_114 {
        %add3A_268 = arith.constant 0 : i32
        %add3A_269 = arith.addi %mul3A_2, %add3A_268 : i32
        %dma_wait3A_270 = arith.constant 0 : i32
        %dma_wait3A_271 = arith.constant 0 : i32
        %dma_wait3A_272 = tpu.memref_slice %arg4[%add3A_269, %dma_wait3A_270, %dma_wait3A_271] : memref<4096x200x128xf32, #tpu.memory_space<hbm>> -> memref<1x128x64xf32, #tpu.memory_space<hbm>>
        %dma_wait3A_273 = tpu.memref_squeeze %dma_wait3A_272 : memref<1x128x64xf32, #tpu.memory_space<hbm>> -> memref<128x64xf32, #tpu.memory_space<hbm>>
        %dma_wait3A_274 = arith.constant 0 : i32
        %dma_wait3A_275 = arith.constant 0 : i32
        %dma_wait3A_276 = tpu.memref_slice %arg4[%add3A_269, %dma_wait3A_274, %dma_wait3A_275] : memref<4096x200x128xf32, #tpu.memory_space<hbm>> -> memref<1x128x64xf32, #tpu.memory_space<hbm>>
        %dma_wait3A_277 = tpu.memref_squeeze %dma_wait3A_276 : memref<1x128x64xf32, #tpu.memory_space<hbm>> -> memref<128x64xf32, #tpu.memory_space<hbm>>
        tpu.wait_dma2 semaphore(%arg14 : memref<!tpu.dma_semaphore, #tpu.memory_space<semaphore_mem>>) src(%arg6 : memref<128x64xf32, #tpu.memory_space<vmem>>) dst(%dma_wait3A_277 : memref<128x64xf32, #tpu.memory_space<hbm>>)
        %add3A_278 = arith.constant 4 : i32
        %add3A_279 = arith.addi %add3A_78, %add3A_278 : i32
        %jit3A_280 = arith.constant 2 : i32
        %div3A_281 = arith.divsi %add3A_279, %jit3A_280 : i32
        %sign3A_282 = arith.constant 0 : i32
        %sign3A_283 = arith.cmpi sgt, %add3A_279, %sign3A_282 : i32
        %sign3A_284 = arith.extui %sign3A_283 : i1 to i32
        %sign3A_285 = arith.constant 0 : i32
        %sign3A_286 = arith.cmpi slt, %add3A_279, %sign3A_285 : i32
        %sign3A_287 = arith.extui %sign3A_286 : i1 to i32
        %sign3A_288 = arith.subi %sign3A_284, %sign3A_287 : i32
        %sign3A_289 = arith.constant 0 : i32
        %sign3A_290 = arith.cmpi sgt, %jit3A_280, %sign3A_289 : i32
        %sign3A_291 = arith.extui %sign3A_290 : i1 to i32
        %sign3A_292 = arith.constant 0 : i32
        %sign3A_293 = arith.cmpi slt, %jit3A_280, %sign3A_292 : i32
        %sign3A_294 = arith.extui %sign3A_293 : i1 to i32
        %sign3A_295 = arith.subi %sign3A_291, %sign3A_294 : i32
        %ne3A_296 = arith.cmpi ne, %sign3A_288, %sign3A_295 : i32
        %rem3A_297 = arith.remsi %add3A_279, %jit3A_280 : i32
        %ne3A_298 = arith.constant 0 : i32
        %ne3A_299 = arith.cmpi ne, %rem3A_297, %ne3A_298 : i32
        %and3A_300 = arith.andi %ne3A_296, %ne3A_299 : i1
        %sub3A_301 = arith.constant 1 : i32
        %sub3A_302 = arith.subi %div3A_281, %sub3A_301 : i32
        %select_n3A_303 = arith.select %and3A_300, %sub3A_302, %div3A_281 : i32
        %dma_start3A_304 = arith.constant 0 : i32
        %dma_start3A_305 = tpu.memref_slice %arg5[%select_n3A_303, %dma_start3A_304] : memref<128x200xi32, #tpu.memory_space<vmem>> -> memref<1x128xi32, #tpu.memory_space<vmem>>
        %dma_start3A_306 = tpu.memref_squeeze %dma_start3A_305 : memref<1x128xi32, #tpu.memory_space<vmem>> -> memref<128xi32, #tpu.memory_space<vmem>>
        %dma_start3A_307 = arith.constant 0 : i32
        %dma_start3A_308 = arith.constant 0 : i32
        %dma_start3A_309 = tpu.memref_slice %arg3[%dma_start3A_307, %dma_start3A_308] : memref<2000000x64xf32, #tpu.memory_space<hbm>> -> memref<2000000x64xf32, #tpu.memory_space<hbm>>
        tpu.enqueue_indirect_dma source(%dma_start3A_309 : memref<2000000x64xf32, #tpu.memory_space<hbm>>) target(%arg6 : memref<128x64xf32, #tpu.memory_space<vmem>>) offsets(%dma_start3A_306 : memref<128xi32, #tpu.memory_space<vmem>>) semaphore(%arg10 : memref<!tpu.dma_semaphore, #tpu.memory_space<semaphore_mem>>)
      } else {
      }
      %mul3A_115 = arith.constant 4 : i32
      %mul3A_116 = arith.muli %scan3A_74, %mul3A_115 : i32
      %add3A_117 = arith.constant 1 : i32
      %add3A_118 = arith.addi %mul3A_116, %add3A_117 : i32
      %dma_wait3A_119 = arith.constant 0 : i32
      %dma_wait3A_120 = arith.constant 0 : i32
      %dma_wait3A_121 = tpu.memref_slice %arg5[%dma_wait3A_119, %dma_wait3A_120] : memref<128x200xi32, #tpu.memory_space<vmem>> -> memref<1x72xi32, #tpu.memory_space<vmem>>
      %dma_wait3A_122 = tpu.memref_squeeze %dma_wait3A_121 : memref<1x72xi32, #tpu.memory_space<vmem>> -> memref<72xi32, #tpu.memory_space<vmem>>
      %dma_wait3A_123 = arith.constant 0 : i32
      %dma_wait3A_124 = arith.constant 0 : i32
      %dma_wait3A_125 = tpu.memref_slice %arg3[%dma_wait3A_123, %dma_wait3A_124] : memref<2000000x64xf32, #tpu.memory_space<hbm>> -> memref<2000000x64xf32, #tpu.memory_space<hbm>>
      tpu.wait_indirect_dma semaphore(%arg11 : memref<!tpu.dma_semaphore, #tpu.memory_space<semaphore_mem>>) src(%dma_wait3A_125 : memref<2000000x64xf32, #tpu.memory_space<hbm>>) dst(%arg7 : memref<72x64xf32, #tpu.memory_space<vmem>>)
      %jit3A_126 = arith.constant 2 : i32
      %div3A_127 = arith.divsi %add3A_118, %jit3A_126 : i32
      %sign3A_128 = arith.constant 0 : i32
      %sign3A_129 = arith.cmpi sgt, %add3A_118, %sign3A_128 : i32
      %sign3A_130 = arith.extui %sign3A_129 : i1 to i32
      %sign3A_131 = arith.constant 0 : i32
      %sign3A_132 = arith.cmpi slt, %add3A_118, %sign3A_131 : i32
      %sign3A_133 = arith.extui %sign3A_132 : i1 to i32
      %sign3A_134 = arith.subi %sign3A_130, %sign3A_133 : i32
      %sign3A_135 = arith.constant 0 : i32
      %sign3A_136 = arith.cmpi sgt, %jit3A_126, %sign3A_135 : i32
      %sign3A_137 = arith.extui %sign3A_136 : i1 to i32
      %sign3A_138 = arith.constant 0 : i32
      %sign3A_139 = arith.cmpi slt, %jit3A_126, %sign3A_138 : i32
      %sign3A_140 = arith.extui %sign3A_139 : i1 to i32
      %sign3A_141 = arith.subi %sign3A_137, %sign3A_140 : i32
      %ne3A_142 = arith.cmpi ne, %sign3A_134, %sign3A_141 : i32
      %rem3A_143 = arith.remsi %add3A_118, %jit3A_126 : i32
      %ne3A_144 = arith.constant 0 : i32
      %ne3A_145 = arith.cmpi ne, %rem3A_143, %ne3A_144 : i32
      %and3A_146 = arith.andi %ne3A_142, %ne3A_145 : i1
      %sub3A_147 = arith.constant 1 : i32
      %sub3A_148 = arith.subi %div3A_127, %sub3A_147 : i32
      %select_n3A_149 = arith.select %and3A_146, %sub3A_148, %div3A_127 : i32
      %add3A_150 = arith.addi %mul3A_2, %select_n3A_149 : i32
      %dma_start3A_151 = arith.constant 128 : i32
      %dma_start3A_152 = arith.constant 0 : i32
      %dma_start3A_153 = tpu.memref_slice %arg4[%add3A_150, %dma_start3A_151, %dma_start3A_152] : memref<4096x200x128xf32, #tpu.memory_space<hbm>> -> memref<1x72x64xf32, #tpu.memory_space<hbm>>
      %dma_start3A_154 = tpu.memref_squeeze %dma_start3A_153 : memref<1x72x64xf32, #tpu.memory_space<hbm>> -> memref<72x64xf32, #tpu.memory_space<hbm>>
      %dma_start3A_155 = arith.constant 128 : i32
      %dma_start3A_156 = arith.constant 0 : i32
      %dma_start3A_157 = tpu.memref_slice %arg4[%add3A_150, %dma_start3A_155, %dma_start3A_156] : memref<4096x200x128xf32, #tpu.memory_space<hbm>> -> memref<1x72x64xf32, #tpu.memory_space<hbm>>
      %dma_start3A_158 = tpu.memref_squeeze %dma_start3A_157 : memref<1x72x64xf32, #tpu.memory_space<hbm>> -> memref<72x64xf32, #tpu.memory_space<hbm>>
      tpu.enqueue_dma source(%arg7 : memref<72x64xf32, #tpu.memory_space<vmem>>) target(%dma_start3A_158 : memref<72x64xf32, #tpu.memory_space<hbm>>) target_semaphore(%arg15 : memref<!tpu.dma_semaphore, #tpu.memory_space<semaphore_mem>>)
      %add3A_159 = arith.constant 4 : i32
      %add3A_160 = arith.addi %add3A_118, %add3A_159 : i32
      %lt3A_161 = arith.constant 256 : i32
      %lt3A_162 = arith.cmpi slt, %add3A_160, %lt3A_161 : i32
      %convert_element_type3A_163 = arith.extui %lt3A_162 : i1 to i32
      %cond3A_164 = arith.constant 0 : i32
      %cond3A_165 = arith.cmpi ne, %convert_element_type3A_163, %cond3A_164 : i32
      scf.if %cond3A_165 {
        %add3A_268 = arith.constant 0 : i32
        %add3A_269 = arith.addi %mul3A_2, %add3A_268 : i32
        %dma_wait3A_270 = arith.constant 128 : i32
        %dma_wait3A_271 = arith.constant 0 : i32
        %dma_wait3A_272 = tpu.memref_slice %arg4[%add3A_269, %dma_wait3A_270, %dma_wait3A_271] : memref<4096x200x128xf32, #tpu.memory_space<hbm>> -> memref<1x72x64xf32, #tpu.memory_space<hbm>>
        %dma_wait3A_273 = tpu.memref_squeeze %dma_wait3A_272 : memref<1x72x64xf32, #tpu.memory_space<hbm>> -> memref<72x64xf32, #tpu.memory_space<hbm>>
        %dma_wait3A_274 = arith.constant 128 : i32
        %dma_wait3A_275 = arith.constant 0 : i32
        %dma_wait3A_276 = tpu.memref_slice %arg4[%add3A_269, %dma_wait3A_274, %dma_wait3A_275] : memref<4096x200x128xf32, #tpu.memory_space<hbm>> -> memref<1x72x64xf32, #tpu.memory_space<hbm>>
        %dma_wait3A_277 = tpu.memref_squeeze %dma_wait3A_276 : memref<1x72x64xf32, #tpu.memory_space<hbm>> -> memref<72x64xf32, #tpu.memory_space<hbm>>
        tpu.wait_dma2 semaphore(%arg15 : memref<!tpu.dma_semaphore, #tpu.memory_space<semaphore_mem>>) src(%arg7 : memref<72x64xf32, #tpu.memory_space<vmem>>) dst(%dma_wait3A_277 : memref<72x64xf32, #tpu.memory_space<hbm>>)
        %add3A_278 = arith.constant 4 : i32
        %add3A_279 = arith.addi %add3A_118, %add3A_278 : i32
        %jit3A_280 = arith.constant 2 : i32
        %div3A_281 = arith.divsi %add3A_279, %jit3A_280 : i32
        %sign3A_282 = arith.constant 0 : i32
        %sign3A_283 = arith.cmpi sgt, %add3A_279, %sign3A_282 : i32
        %sign3A_284 = arith.extui %sign3A_283 : i1 to i32
        %sign3A_285 = arith.constant 0 : i32
        %sign3A_286 = arith.cmpi slt, %add3A_279, %sign3A_285 : i32
        %sign3A_287 = arith.extui %sign3A_286 : i1 to i32
        %sign3A_288 = arith.subi %sign3A_284, %sign3A_287 : i32
        %sign3A_289 = arith.constant 0 : i32
        %sign3A_290 = arith.cmpi sgt, %jit3A_280, %sign3A_289 : i32
        %sign3A_291 = arith.extui %sign3A_290 : i1 to i32
        %sign3A_292 = arith.constant 0 : i32
        %sign3A_293 = arith.cmpi slt, %jit3A_280, %sign3A_292 : i32
        %sign3A_294 = arith.extui %sign3A_293 : i1 to i32
        %sign3A_295 = arith.subi %sign3A_291, %sign3A_294 : i32
        %ne3A_296 = arith.cmpi ne, %sign3A_288, %sign3A_295 : i32
        %rem3A_297 = arith.remsi %add3A_279, %jit3A_280 : i32
        %ne3A_298 = arith.constant 0 : i32
        %ne3A_299 = arith.cmpi ne, %rem3A_297, %ne3A_298 : i32
        %and3A_300 = arith.andi %ne3A_296, %ne3A_299 : i1
        %sub3A_301 = arith.constant 1 : i32
        %sub3A_302 = arith.subi %div3A_281, %sub3A_301 : i32
        %select_n3A_303 = arith.select %and3A_300, %sub3A_302, %div3A_281 : i32
        %dma_start3A_304 = arith.constant 128 : i32
        %dma_start3A_305 = tpu.memref_slice %arg5[%select_n3A_303, %dma_start3A_304] : memref<128x200xi32, #tpu.memory_space<vmem>> -> memref<1x72xi32, #tpu.memory_space<vmem>>
        %dma_start3A_306 = tpu.memref_squeeze %dma_start3A_305 : memref<1x72xi32, #tpu.memory_space<vmem>> -> memref<72xi32, #tpu.memory_space<vmem>>
        %dma_start3A_307 = arith.constant 0 : i32
        %dma_start3A_308 = arith.constant 0 : i32
        %dma_start3A_309 = tpu.memref_slice %arg3[%dma_start3A_307, %dma_start3A_308] : memref<2000000x64xf32, #tpu.memory_space<hbm>> -> memref<2000000x64xf32, #tpu.memory_space<hbm>>
        tpu.enqueue_indirect_dma source(%dma_start3A_309 : memref<2000000x64xf32, #tpu.memory_space<hbm>>) target(%arg7 : memref<72x64xf32, #tpu.memory_space<vmem>>) offsets(%dma_start3A_306 : memref<72xi32, #tpu.memory_space<vmem>>) semaphore(%arg11 : memref<!tpu.dma_semaphore, #tpu.memory_space<semaphore_mem>>)
      } else {
      }
      %mul3A_166 = arith.constant 4 : i32
      %mul3A_167 = arith.muli %scan3A_74, %mul3A_166 : i32
      %add3A_168 = arith.constant 2 : i32
      %add3A_169 = arith.addi %mul3A_167, %add3A_168 : i32
      %dma_wait3A_170 = arith.constant 0 : i32
      %dma_wait3A_171 = arith.constant 0 : i32
      %dma_wait3A_172 = tpu.memref_slice %arg5[%dma_wait3A_170, %dma_wait3A_171] : memref<128x200xi32, #tpu.memory_space<vmem>> -> memref<1x128xi32, #tpu.memory_space<vmem>>
      %dma_wait3A_173 = tpu.memref_squeeze %dma_wait3A_172 : memref<1x128xi32, #tpu.memory_space<vmem>> -> memref<128xi32, #tpu.memory_space<vmem>>
      %dma_wait3A_174 = arith.constant 0 : i32
      %dma_wait3A_175 = arith.constant 0 : i32
      %dma_wait3A_176 = tpu.memref_slice %arg3[%dma_wait3A_174, %dma_wait3A_175] : memref<2000000x64xf32, #tpu.memory_space<hbm>> -> memref<2000000x64xf32, #tpu.memory_space<hbm>>
      tpu.wait_indirect_dma semaphore(%arg12 : memref<!tpu.dma_semaphore, #tpu.memory_space<semaphore_mem>>) src(%dma_wait3A_176 : memref<2000000x64xf32, #tpu.memory_space<hbm>>) dst(%arg8 : memref<128x64xf32, #tpu.memory_space<vmem>>)
      %jit3A_177 = arith.constant 2 : i32
      %div3A_178 = arith.divsi %add3A_169, %jit3A_177 : i32
      %sign3A_179 = arith.constant 0 : i32
      %sign3A_180 = arith.cmpi sgt, %add3A_169, %sign3A_179 : i32
      %sign3A_181 = arith.extui %sign3A_180 : i1 to i32
      %sign3A_182 = arith.constant 0 : i32
      %sign3A_183 = arith.cmpi slt, %add3A_169, %sign3A_182 : i32
      %sign3A_184 = arith.extui %sign3A_183 : i1 to i32
      %sign3A_185 = arith.subi %sign3A_181, %sign3A_184 : i32
      %sign3A_186 = arith.constant 0 : i32
      %sign3A_187 = arith.cmpi sgt, %jit3A_177, %sign3A_186 : i32
      %sign3A_188 = arith.extui %sign3A_187 : i1 to i32
      %sign3A_189 = arith.constant 0 : i32
      %sign3A_190 = arith.cmpi slt, %jit3A_177, %sign3A_189 : i32
      %sign3A_191 = arith.extui %sign3A_190 : i1 to i32
      %sign3A_192 = arith.subi %sign3A_188, %sign3A_191 : i32
      %ne3A_193 = arith.cmpi ne, %sign3A_185, %sign3A_192 : i32
      %rem3A_194 = arith.remsi %add3A_169, %jit3A_177 : i32
      %ne3A_195 = arith.constant 0 : i32
      %ne3A_196 = arith.cmpi ne, %rem3A_194, %ne3A_195 : i32
      %and3A_197 = arith.andi %ne3A_193, %ne3A_196 : i1
      %sub3A_198 = arith.constant 1 : i32
      %sub3A_199 = arith.subi %div3A_178, %sub3A_198 : i32
      %select_n3A_200 = arith.select %and3A_197, %sub3A_199, %div3A_178 : i32
      %add3A_201 = arith.addi %mul3A_2, %select_n3A_200 : i32
      %dma_start3A_202 = arith.constant 0 : i32
      %dma_start3A_203 = arith.constant 0 : i32
      %dma_start3A_204 = tpu.memref_slice %arg4[%add3A_201, %dma_start3A_202, %dma_start3A_203] : memref<4096x200x128xf32, #tpu.memory_space<hbm>> -> memref<1x128x64xf32, #tpu.memory_space<hbm>>
      %dma_start3A_205 = tpu.memref_squeeze %dma_start3A_204 : memref<1x128x64xf32, #tpu.memory_space<hbm>> -> memref<128x64xf32, #tpu.memory_space<hbm>>
      %dma_start3A_206 = arith.constant 0 : i32
      %dma_start3A_207 = arith.constant 0 : i32
      %dma_start3A_208 = tpu.memref_slice %arg4[%add3A_201, %dma_start3A_206, %dma_start3A_207] : memref<4096x200x128xf32, #tpu.memory_space<hbm>> -> memref<1x128x64xf32, #tpu.memory_space<hbm>>
      %dma_start3A_209 = tpu.memref_squeeze %dma_start3A_208 : memref<1x128x64xf32, #tpu.memory_space<hbm>> -> memref<128x64xf32, #tpu.memory_space<hbm>>
      tpu.enqueue_dma source(%arg8 : memref<128x64xf32, #tpu.memory_space<vmem>>) target(%dma_start3A_209 : memref<128x64xf32, #tpu.memory_space<hbm>>) target_semaphore(%arg16 : memref<!tpu.dma_semaphore, #tpu.memory_space<semaphore_mem>>)
      %add3A_210 = arith.constant 4 : i32
      %add3A_211 = arith.addi %add3A_169, %add3A_210 : i32
      %lt3A_212 = arith.constant 256 : i32
      %lt3A_213 = arith.cmpi slt, %add3A_211, %lt3A_212 : i32
      %convert_element_type3A_214 = arith.extui %lt3A_213 : i1 to i32
      %cond3A_215 = arith.constant 0 : i32
      %cond3A_216 = arith.cmpi ne, %convert_element_type3A_214, %cond3A_215 : i32
      scf.if %cond3A_216 {
        %add3A_268 = arith.constant 0 : i32
        %add3A_269 = arith.addi %mul3A_2, %add3A_268 : i32
        %dma_wait3A_270 = arith.constant 0 : i32
        %dma_wait3A_271 = arith.constant 0 : i32
        %dma_wait3A_272 = tpu.memref_slice %arg4[%add3A_269, %dma_wait3A_270, %dma_wait3A_271] : memref<4096x200x128xf32, #tpu.memory_space<hbm>> -> memref<1x128x64xf32, #tpu.memory_space<hbm>>
        %dma_wait3A_273 = tpu.memref_squeeze %dma_wait3A_272 : memref<1x128x64xf32, #tpu.memory_space<hbm>> -> memref<128x64xf32, #tpu.memory_space<hbm>>
        %dma_wait3A_274 = arith.constant 0 : i32
        %dma_wait3A_275 = arith.constant 0 : i32
        %dma_wait3A_276 = tpu.memref_slice %arg4[%add3A_269, %dma_wait3A_274, %dma_wait3A_275] : memref<4096x200x128xf32, #tpu.memory_space<hbm>> -> memref<1x128x64xf32, #tpu.memory_space<hbm>>
        %dma_wait3A_277 = tpu.memref_squeeze %dma_wait3A_276 : memref<1x128x64xf32, #tpu.memory_space<hbm>> -> memref<128x64xf32, #tpu.memory_space<hbm>>
        tpu.wait_dma2 semaphore(%arg16 : memref<!tpu.dma_semaphore, #tpu.memory_space<semaphore_mem>>) src(%arg8 : memref<128x64xf32, #tpu.memory_space<vmem>>) dst(%dma_wait3A_277 : memref<128x64xf32, #tpu.memory_space<hbm>>)
        %add3A_278 = arith.constant 4 : i32
        %add3A_279 = arith.addi %add3A_169, %add3A_278 : i32
        %jit3A_280 = arith.constant 2 : i32
        %div3A_281 = arith.divsi %add3A_279, %jit3A_280 : i32
        %sign3A_282 = arith.constant 0 : i32
        %sign3A_283 = arith.cmpi sgt, %add3A_279, %sign3A_282 : i32
        %sign3A_284 = arith.extui %sign3A_283 : i1 to i32
        %sign3A_285 = arith.constant 0 : i32
        %sign3A_286 = arith.cmpi slt, %add3A_279, %sign3A_285 : i32
        %sign3A_287 = arith.extui %sign3A_286 : i1 to i32
        %sign3A_288 = arith.subi %sign3A_284, %sign3A_287 : i32
        %sign3A_289 = arith.constant 0 : i32
        %sign3A_290 = arith.cmpi sgt, %jit3A_280, %sign3A_289 : i32
        %sign3A_291 = arith.extui %sign3A_290 : i1 to i32
        %sign3A_292 = arith.constant 0 : i32
        %sign3A_293 = arith.cmpi slt, %jit3A_280, %sign3A_292 : i32
        %sign3A_294 = arith.extui %sign3A_293 : i1 to i32
        %sign3A_295 = arith.subi %sign3A_291, %sign3A_294 : i32
        %ne3A_296 = arith.cmpi ne, %sign3A_288, %sign3A_295 : i32
        %rem3A_297 = arith.remsi %add3A_279, %jit3A_280 : i32
        %ne3A_298 = arith.constant 0 : i32
        %ne3A_299 = arith.cmpi ne, %rem3A_297, %ne3A_298 : i32
        %and3A_300 = arith.andi %ne3A_296, %ne3A_299 : i1
        %sub3A_301 = arith.constant 1 : i32
        %sub3A_302 = arith.subi %div3A_281, %sub3A_301 : i32
        %select_n3A_303 = arith.select %and3A_300, %sub3A_302, %div3A_281 : i32
        %dma_start3A_304 = arith.constant 0 : i32
        %dma_start3A_305 = tpu.memref_slice %arg5[%select_n3A_303, %dma_start3A_304] : memref<128x200xi32, #tpu.memory_space<vmem>> -> memref<1x128xi32, #tpu.memory_space<vmem>>
        %dma_start3A_306 = tpu.memref_squeeze %dma_start3A_305 : memref<1x128xi32, #tpu.memory_space<vmem>> -> memref<128xi32, #tpu.memory_space<vmem>>
        %dma_start3A_307 = arith.constant 0 : i32
        %dma_start3A_308 = arith.constant 0 : i32
        %dma_start3A_309 = tpu.memref_slice %arg3[%dma_start3A_307, %dma_start3A_308] : memref<2000000x64xf32, #tpu.memory_space<hbm>> -> memref<2000000x64xf32, #tpu.memory_space<hbm>>
        tpu.enqueue_indirect_dma source(%dma_start3A_309 : memref<2000000x64xf32, #tpu.memory_space<hbm>>) target(%arg8 : memref<128x64xf32, #tpu.memory_space<vmem>>) offsets(%dma_start3A_306 : memref<128xi32, #tpu.memory_space<vmem>>) semaphore(%arg12 : memref<!tpu.dma_semaphore, #tpu.memory_space<semaphore_mem>>)
      } else {
      }
      %mul3A_217 = arith.constant 4 : i32
      %mul3A_218 = arith.muli %scan3A_74, %mul3A_217 : i32
      %add3A_219 = arith.constant 3 : i32
      %add3A_220 = arith.addi %mul3A_218, %add3A_219 : i32
      %dma_wait3A_221 = arith.constant 0 : i32
      %dma_wait3A_222 = arith.constant 0 : i32
      %dma_wait3A_223 = tpu.memref_slice %arg5[%dma_wait3A_221, %dma_wait3A_222] : memref<128x200xi32, #tpu.memory_space<vmem>> -> memref<1x72xi32, #tpu.memory_space<vmem>>
      %dma_wait3A_224 = tpu.memref_squeeze %dma_wait3A_223 : memref<1x72xi32, #tpu.memory_space<vmem>> -> memref<72xi32, #tpu.memory_space<vmem>>
      %dma_wait3A_225 = arith.constant 0 : i32
      %dma_wait3A_226 = arith.constant 0 : i32
      %dma_wait3A_227 = tpu.memref_slice %arg3[%dma_wait3A_225, %dma_wait3A_226] : memref<2000000x64xf32, #tpu.memory_space<hbm>> -> memref<2000000x64xf32, #tpu.memory_space<hbm>>
      tpu.wait_indirect_dma semaphore(%arg13 : memref<!tpu.dma_semaphore, #tpu.memory_space<semaphore_mem>>) src(%dma_wait3A_227 : memref<2000000x64xf32, #tpu.memory_space<hbm>>) dst(%arg9 : memref<72x64xf32, #tpu.memory_space<vmem>>)
      %jit3A_228 = arith.constant 2 : i32
      %div3A_229 = arith.divsi %add3A_220, %jit3A_228 : i32
      %sign3A_230 = arith.constant 0 : i32
      %sign3A_231 = arith.cmpi sgt, %add3A_220, %sign3A_230 : i32
      %sign3A_232 = arith.extui %sign3A_231 : i1 to i32
      %sign3A_233 = arith.constant 0 : i32
      %sign3A_234 = arith.cmpi slt, %add3A_220, %sign3A_233 : i32
      %sign3A_235 = arith.extui %sign3A_234 : i1 to i32
      %sign3A_236 = arith.subi %sign3A_232, %sign3A_235 : i32
      %sign3A_237 = arith.constant 0 : i32
      %sign3A_238 = arith.cmpi sgt, %jit3A_228, %sign3A_237 : i32
      %sign3A_239 = arith.extui %sign3A_238 : i1 to i32
      %sign3A_240 = arith.constant 0 : i32
      %sign3A_241 = arith.cmpi slt, %jit3A_228, %sign3A_240 : i32
      %sign3A_242 = arith.extui %sign3A_241 : i1 to i32
      %sign3A_243 = arith.subi %sign3A_239, %sign3A_242 : i32
      %ne3A_244 = arith.cmpi ne, %sign3A_236, %sign3A_243 : i32
      %rem3A_245 = arith.remsi %add3A_220, %jit3A_228 : i32
      %ne3A_246 = arith.constant 0 : i32
      %ne3A_247 = arith.cmpi ne, %rem3A_245, %ne3A_246 : i32
      %and3A_248 = arith.andi %ne3A_244, %ne3A_247 : i1
      %sub3A_249 = arith.constant 1 : i32
      %sub3A_250 = arith.subi %div3A_229, %sub3A_249 : i32
      %select_n3A_251 = arith.select %and3A_248, %sub3A_250, %div3A_229 : i32
      %add3A_252 = arith.addi %mul3A_2, %select_n3A_251 : i32
      %dma_start3A_253 = arith.constant 128 : i32
      %dma_start3A_254 = arith.constant 0 : i32
      %dma_start3A_255 = tpu.memref_slice %arg4[%add3A_252, %dma_start3A_253, %dma_start3A_254] : memref<4096x200x128xf32, #tpu.memory_space<hbm>> -> memref<1x72x64xf32, #tpu.memory_space<hbm>>
      %dma_start3A_256 = tpu.memref_squeeze %dma_start3A_255 : memref<1x72x64xf32, #tpu.memory_space<hbm>> -> memref<72x64xf32, #tpu.memory_space<hbm>>
      %dma_start3A_257 = arith.constant 128 : i32
      %dma_start3A_258 = arith.constant 0 : i32
      %dma_start3A_259 = tpu.memref_slice %arg4[%add3A_252, %dma_start3A_257, %dma_start3A_258] : memref<4096x200x128xf32, #tpu.memory_space<hbm>> -> memref<1x72x64xf32, #tpu.memory_space<hbm>>
      %dma_start3A_260 = tpu.memref_squeeze %dma_start3A_259 : memref<1x72x64xf32, #tpu.memory_space<hbm>> -> memref<72x64xf32, #tpu.memory_space<hbm>>
      tpu.enqueue_dma source(%arg9 : memref<72x64xf32, #tpu.memory_space<vmem>>) target(%dma_start3A_260 : memref<72x64xf32, #tpu.memory_space<hbm>>) target_semaphore(%arg17 : memref<!tpu.dma_semaphore, #tpu.memory_space<semaphore_mem>>)
      %add3A_261 = arith.constant 4 : i32
      %add3A_262 = arith.addi %add3A_220, %add3A_261 : i32
      %lt3A_263 = arith.constant 256 : i32
      %lt3A_264 = arith.cmpi slt, %add3A_262, %lt3A_263 : i32
      %convert_element_type3A_265 = arith.extui %lt3A_264 : i1 to i32
      %cond3A_266 = arith.constant 0 : i32
      %cond3A_267 = arith.cmpi ne, %convert_element_type3A_265, %cond3A_266 : i32
      scf.if %cond3A_267 {
        %add3A_268 = arith.constant 0 : i32
        %add3A_269 = arith.addi %mul3A_2, %add3A_268 : i32
        %dma_wait3A_270 = arith.constant 128 : i32
        %dma_wait3A_271 = arith.constant 0 : i32
        %dma_wait3A_272 = tpu.memref_slice %arg4[%add3A_269, %dma_wait3A_270, %dma_wait3A_271] : memref<4096x200x128xf32, #tpu.memory_space<hbm>> -> memref<1x72x64xf32, #tpu.memory_space<hbm>>
        %dma_wait3A_273 = tpu.memref_squeeze %dma_wait3A_272 : memref<1x72x64xf32, #tpu.memory_space<hbm>> -> memref<72x64xf32, #tpu.memory_space<hbm>>
        %dma_wait3A_274 = arith.constant 128 : i32
        %dma_wait3A_275 = arith.constant 0 : i32
        %dma_wait3A_276 = tpu.memref_slice %arg4[%add3A_269, %dma_wait3A_274, %dma_wait3A_275] : memref<4096x200x128xf32, #tpu.memory_space<hbm>> -> memref<1x72x64xf32, #tpu.memory_space<hbm>>
        %dma_wait3A_277 = tpu.memref_squeeze %dma_wait3A_276 : memref<1x72x64xf32, #tpu.memory_space<hbm>> -> memref<72x64xf32, #tpu.memory_space<hbm>>
        tpu.wait_dma2 semaphore(%arg17 : memref<!tpu.dma_semaphore, #tpu.memory_space<semaphore_mem>>) src(%arg9 : memref<72x64xf32, #tpu.memory_space<vmem>>) dst(%dma_wait3A_277 : memref<72x64xf32, #tpu.memory_space<hbm>>)
        %add3A_278 = arith.constant 4 : i32
        %add3A_279 = arith.addi %add3A_220, %add3A_278 : i32
        %jit3A_280 = arith.constant 2 : i32
        %div3A_281 = arith.divsi %add3A_279, %jit3A_280 : i32
        %sign3A_282 = arith.constant 0 : i32
        %sign3A_283 = arith.cmpi sgt, %add3A_279, %sign3A_282 : i32
        %sign3A_284 = arith.extui %sign3A_283 : i1 to i32
        %sign3A_285 = arith.constant 0 : i32
        %sign3A_286 = arith.cmpi slt, %add3A_279, %sign3A_285 : i32
        %sign3A_287 = arith.extui %sign3A_286 : i1 to i32
        %sign3A_288 = arith.subi %sign3A_284, %sign3A_287 : i32
        %sign3A_289 = arith.constant 0 : i32
        %sign3A_290 = arith.cmpi sgt, %jit3A_280, %sign3A_289 : i32
        %sign3A_291 = arith.extui %sign3A_290 : i1 to i32
        %sign3A_292 = arith.constant 0 : i32
        %sign3A_293 = arith.cmpi slt, %jit3A_280, %sign3A_292 : i32
        %sign3A_294 = arith.extui %sign3A_293 : i1 to i32
        %sign3A_295 = arith.subi %sign3A_291, %sign3A_294 : i32
        %ne3A_296 = arith.cmpi ne, %sign3A_288, %sign3A_295 : i32
        %rem3A_297 = arith.remsi %add3A_279, %jit3A_280 : i32
        %ne3A_298 = arith.constant 0 : i32
        %ne3A_299 = arith.cmpi ne, %rem3A_297, %ne3A_298 : i32
        %and3A_300 = arith.andi %ne3A_296, %ne3A_299 : i1
        %sub3A_301 = arith.constant 1 : i32
        %sub3A_302 = arith.subi %div3A_281, %sub3A_301 : i32
        %select_n3A_303 = arith.select %and3A_300, %sub3A_302, %div3A_281 : i32
        %dma_start3A_304 = arith.constant 128 : i32
        %dma_start3A_305 = tpu.memref_slice %arg5[%select_n3A_303, %dma_start3A_304] : memref<128x200xi32, #tpu.memory_space<vmem>> -> memref<1x72xi32, #tpu.memory_space<vmem>>
        %dma_start3A_306 = tpu.memref_squeeze %dma_start3A_305 : memref<1x72xi32, #tpu.memory_space<vmem>> -> memref<72xi32, #tpu.memory_space<vmem>>
        %dma_start3A_307 = arith.constant 0 : i32
        %dma_start3A_308 = arith.constant 0 : i32
        %dma_start3A_309 = tpu.memref_slice %arg3[%dma_start3A_307, %dma_start3A_308] : memref<2000000x64xf32, #tpu.memory_space<hbm>> -> memref<2000000x64xf32, #tpu.memory_space<hbm>>
        tpu.enqueue_indirect_dma source(%dma_start3A_309 : memref<2000000x64xf32, #tpu.memory_space<hbm>>) target(%arg9 : memref<72x64xf32, #tpu.memory_space<vmem>>) offsets(%dma_start3A_306 : memref<72xi32, #tpu.memory_space<vmem>>) semaphore(%arg13 : memref<!tpu.dma_semaphore, #tpu.memory_space<semaphore_mem>>)
      } else {
      }
    }
    %scan3A_34 = arith.constant 64 : i32
    %add3A_35 = arith.constant 0 : i32
    %add3A_36 = arith.addi %mul3A_2, %add3A_35 : i32
    %dma_wait3A = arith.constant 0 : i32
    %dma_wait3A_37 = arith.constant 0 : i32
    %dma_wait3A_38 = tpu.memref_slice %arg4[%add3A_36, %dma_wait3A, %dma_wait3A_37] : memref<4096x200x128xf32, #tpu.memory_space<hbm>> -> memref<1x128x64xf32, #tpu.memory_space<hbm>>
    %dma_wait3A_39 = tpu.memref_squeeze %dma_wait3A_38 : memref<1x128x64xf32, #tpu.memory_space<hbm>> -> memref<128x64xf32, #tpu.memory_space<hbm>>
    %dma_wait3A_40 = arith.constant 0 : i32
    %dma_wait3A_41 = arith.constant 0 : i32
    %dma_wait3A_42 = tpu.memref_slice %arg4[%add3A_36, %dma_wait3A_40, %dma_wait3A_41] : memref<4096x200x128xf32, #tpu.memory_space<hbm>> -> memref<1x128x64xf32, #tpu.memory_space<hbm>>
    %dma_wait3A_43 = tpu.memref_squeeze %dma_wait3A_42 : memref<1x128x64xf32, #tpu.memory_space<hbm>> -> memref<128x64xf32, #tpu.memory_space<hbm>>
    tpu.wait_dma2 semaphore(%arg14 : memref<!tpu.dma_semaphore, #tpu.memory_space<semaphore_mem>>) src(%arg6 : memref<128x64xf32, #tpu.memory_space<vmem>>) dst(%dma_wait3A_43 : memref<128x64xf32, #tpu.memory_space<hbm>>)
    %add3A_44 = arith.constant 0 : i32
    %add3A_45 = arith.addi %mul3A_2, %add3A_44 : i32
    %dma_wait3A_46 = arith.constant 128 : i32
    %dma_wait3A_47 = arith.constant 0 : i32
    %dma_wait3A_48 = tpu.memref_slice %arg4[%add3A_45, %dma_wait3A_46, %dma_wait3A_47] : memref<4096x200x128xf32, #tpu.memory_space<hbm>> -> memref<1x72x64xf32, #tpu.memory_space<hbm>>
    %dma_wait3A_49 = tpu.memref_squeeze %dma_wait3A_48 : memref<1x72x64xf32, #tpu.memory_space<hbm>> -> memref<72x64xf32, #tpu.memory_space<hbm>>
    %dma_wait3A_50 = arith.constant 128 : i32
    %dma_wait3A_51 = arith.constant 0 : i32
    %dma_wait3A_52 = tpu.memref_slice %arg4[%add3A_45, %dma_wait3A_50, %dma_wait3A_51] : memref<4096x200x128xf32, #tpu.memory_space<hbm>> -> memref<1x72x64xf32, #tpu.memory_space<hbm>>
    %dma_wait3A_53 = tpu.memref_squeeze %dma_wait3A_52 : memref<1x72x64xf32, #tpu.memory_space<hbm>> -> memref<72x64xf32, #tpu.memory_space<hbm>>
    tpu.wait_dma2 semaphore(%arg15 : memref<!tpu.dma_semaphore, #tpu.memory_space<semaphore_mem>>) src(%arg7 : memref<72x64xf32, #tpu.memory_space<vmem>>) dst(%dma_wait3A_53 : memref<72x64xf32, #tpu.memory_space<hbm>>)
    %add3A_54 = arith.constant 0 : i32
    %add3A_55 = arith.addi %mul3A_2, %add3A_54 : i32
    %dma_wait3A_56 = arith.constant 0 : i32
    %dma_wait3A_57 = arith.constant 0 : i32
    %dma_wait3A_58 = tpu.memref_slice %arg4[%add3A_55, %dma_wait3A_56, %dma_wait3A_57] : memref<4096x200x128xf32, #tpu.memory_space<hbm>> -> memref<1x128x64xf32, #tpu.memory_space<hbm>>
    %dma_wait3A_59 = tpu.memref_squeeze %dma_wait3A_58 : memref<1x128x64xf32, #tpu.memory_space<hbm>> -> memref<128x64xf32, #tpu.memory_space<hbm>>
    %dma_wait3A_60 = arith.constant 0 : i32
    %dma_wait3A_61 = arith.constant 0 : i32
    %dma_wait3A_62 = tpu.memref_slice %arg4[%add3A_55, %dma_wait3A_60, %dma_wait3A_61] : memref<4096x200x128xf32, #tpu.memory_space<hbm>> -> memref<1x128x64xf32, #tpu.memory_space<hbm>>
    %dma_wait3A_63 = tpu.memref_squeeze %dma_wait3A_62 : memref<1x128x64xf32, #tpu.memory_space<hbm>> -> memref<128x64xf32, #tpu.memory_space<hbm>>
    tpu.wait_dma2 semaphore(%arg16 : memref<!tpu.dma_semaphore, #tpu.memory_space<semaphore_mem>>) src(%arg8 : memref<128x64xf32, #tpu.memory_space<vmem>>) dst(%dma_wait3A_63 : memref<128x64xf32, #tpu.memory_space<hbm>>)
    %add3A_64 = arith.constant 0 : i32
    %add3A_65 = arith.addi %mul3A_2, %add3A_64 : i32
    %dma_wait3A_66 = arith.constant 128 : i32
    %dma_wait3A_67 = arith.constant 0 : i32
    %dma_wait3A_68 = tpu.memref_slice %arg4[%add3A_65, %dma_wait3A_66, %dma_wait3A_67] : memref<4096x200x128xf32, #tpu.memory_space<hbm>> -> memref<1x72x64xf32, #tpu.memory_space<hbm>>
    %dma_wait3A_69 = tpu.memref_squeeze %dma_wait3A_68 : memref<1x72x64xf32, #tpu.memory_space<hbm>> -> memref<72x64xf32, #tpu.memory_space<hbm>>
    %dma_wait3A_70 = arith.constant 128 : i32
    %dma_wait3A_71 = arith.constant 0 : i32
    %dma_wait3A_72 = tpu.memref_slice %arg4[%add3A_65, %dma_wait3A_70, %dma_wait3A_71] : memref<4096x200x128xf32, #tpu.memory_space<hbm>> -> memref<1x72x64xf32, #tpu.memory_space<hbm>>
    %dma_wait3A_73 = tpu.memref_squeeze %dma_wait3A_72 : memref<1x72x64xf32, #tpu.memory_space<hbm>> -> memref<72x64xf32, #tpu.memory_space<hbm>>
    tpu.wait_dma2 semaphore(%arg17 : memref<!tpu.dma_semaphore, #tpu.memory_space<semaphore_mem>>) src(%arg9 : memref<72x64xf32, #tpu.memory_space<vmem>>) dst(%dma_wait3A_73 : memref<72x64xf32, #tpu.memory_space<hbm>>)
    return
  }
}

</mosaic_0001>

<sc_bundles>
// kernel: kernel.4.cloned.1.call-start
scs
__scs_entry_jumppad:
0x0: {  	(pc) =	sbr.rel $0x88, $3  }
0x1: {  	(tag) =	ssettag $0x0;
	lr =	simm.s32 $0x1  }
0x2: {  	[smem:$0x3F9F] =	sst lr;
	_ =	strace $0xD0000000  }
0x3: {  	_ = 	snop  }
0x4: {  	_ = 	snop  }
0x5: {  	_ = 	snop  }
0x6: {  	_ = 	snop  }
0x7: {  	_ = 	snop  }
__scs_overlays_trampoline_lowered:
0x8: {  	[smem:$0x3FAE] =	sst s0  }
0x9: {  	[smem:$0x3FAF] =	sst s1  }
0xa: {  	[smem:$0x3FB0] =	sst s2  }
0xb: {  	[smem:$0x3FB1] =	sst s3  }
0xc: {  	[smem:$0x3FB2] =	sst s4  }
0xd: {  	[smem:$0x3FB3] =	sst s5  }
0xe: {  	[smem:$0x3FB4] =	sst s6  }
0xf: {  	[smem:$0x3FB5] =	sst s7  }
0x10: {  	[smem:$0x3FB6] =	sst s8  }
0x11: {  	[smem:$0x3FB7] =	sst s9;
	s0 =	simm.s32 @!p0 $0x0  }
0x12: {  	s1 =	sld [smem:$0x3F9D];
	s0 =	simm.s32 @p0 $0x1  }
0x13: {  	[smem:$0x3FB8] =	sst s0;
	s0 =	simm.s32 @!p1 $0x0  }
0x14: {  	s2 =	sld [smem:$0x3F9C];
	s0 =	simm.s32 @p1 $0x1  }
0x15: {  	[smem:$0x3FB9] =	sst s0;
	s0 =	simm.s32 @!p2 $0x0  }
0x16: {  	s3 =	sld [smem:$0x3FDB];
	s0 =	simm.s32 @p2 $0x1  }
0x17: {  	s4 =	simm.s32 $0x1BF5;
	[smem:$0x3FBB] =	sst s0  }
0x18: {  	s0 =	sld [smem:$0x3F9E];
	_ =	swait.ge [sflag:s4], $0x0  }
0x19: {  	s7 =	sld [smem:$0x3F9F]  }
0x1a: {  	s8 =	sadd.s32 $0xFFFFE003, lr  }
0x1b: {  	s9 =	sadd.s32 $0xFFFFFEF7, lr;
	s5 =	simm.s32 $0xFFFFFFFF;
	p2 =	slt.u32 s8, $0xFFFFF086  }
0x1c: {  	p1 =	slt.u32 s9, $0xF7A;
	s5 =	simm.s32 @!p2 $0x0  }
0x1d: {  	s5 =	simm.s32 @p1 $0x1;
	p0 =	seq.s32 s7, s2  }
0x1e: {  	s7 =	smul.u32 @!p0 $0xF7A, s2;
	p2 =	seq.s32 @!p0 s5, $0x0  }
0x1f: {  	s9 =	smul.u32 $0xF7A, s1;
	s8 =	simm.s32 @!p0 $0x1BF5;
	p2 =	por !p2, p0  }
0x20: {  	[sflag:s8] =	ssyncset.s32 @!p0 $0xFFFFF086;
	s6 =	sadd.s32 @!p0 s3, s7;
	s7 =	simm.s32 @!p0 $0x108  }
0x21: {  	s3 =	sadd.s32 s3, s9;
	s6 =	sadd.s32 @!p0 $0x88, s6;
	s7 =	simm.s32 @p2 $0x1082  }
0x22: {  	[simem:s7], [sflag:s8] =	dma.local @!p0 [hbm:s6], $0xF7A  }
0x23: {  	s9 =	sor.u32 $0xD0000000, s2;
	s6 =	simm.s32 $0x108;
	_ =	swait.ge @!p0 [sflag:s8], $0x0  }
0x24: {  	s3 =	sadd.s32 $0x88, s3;
	s6 =	simm.s32 @!p1 $0x1082;
	[sflag:s4] =	ssyncset.s32 $0xFFFFF086  }
0x25: {  	[simem:s6], [sflag:s4] =	dma.local [hbm:s3], $0xF7A  }
0x26: {  	[smem:$0x3F9F] =	sst s1;
	(tag) =	ssettag s2;
	_ =	strace s9  }
0x27: {  	s1 =	sld [smem:$0x3FAF]  }
0x28: {  	s2 =	sld [smem:$0x3FB0]  }
0x29: {  	s4 =	sld [smem:$0x3FB2]  }
0x2a: {  	p0 =	seq.s32 s5, $0x0;
	s5 =	sld [smem:$0x3FB3]  }
0x2b: {  	s6 =	sld [smem:$0x3FB4]  }
0x2c: {  	s7 =	sld [smem:$0x3FB5]  }
0x2d: {  	s3 =	simm.s32 $0x108;
	s8 =	sld [smem:$0x3FB6]  }
0x2e: {  	s3 =	simm.s32 @!p0 $0x1082;
	s9 =	sld [smem:$0x3FB7]  }
0x2f: {  	lr =	sadd.s32 s0, s3;
	s0 =	sld [smem:$0x3FAE]  }
0x30: {  	s3 =	sld [smem:$0x3FB1]  }
0x31: {  	[smem:$0x3FBA] =	sst s10  }
0x32: {  	s10 =	sld [smem:$0x3FB8];
	_ =	sdelay $0x3  }
0x33: {  	p0 =	seq.s32 s10, $0x1;
	s10 =	sld [smem:$0x3FBA];
	_ =	sdelay $0x3  }
0x34: {  	[smem:$0x3FBA] =	sst s10  }
0x35: {  	s10 =	sld [smem:$0x3FB9];
	_ =	sdelay $0x3  }
0x36: {  	p1 =	seq.s32 s10, $0x1;
	s10 =	sld [smem:$0x3FBA];
	_ =	sdelay $0x3  }
0x37: {  	[smem:$0x3FBA] =	sst s10  }
0x38: {  	s10 =	sld [smem:$0x3FBB]  }
0x39: {  	_ = 	snop;
	(pc) =	sbr.ind lr, $3  }
0x3a: {  	_ = 	snop  }
0x3b: {  	_ = 	snop  }
0x3c: {  	p2 =	seq.s32 s10, $0x1;
	s10 =	sld [smem:$0x3FBA]  }
0x3d: {  	_ =	shalt  }
0x3e: {  	_ =	shalt  }
0x3f: {  	_ =	shalt  }
0x40: {  	_ =	shalt  }
0x41: {  	_ =	shalt  }
0x42: {  	_ =	shalt  }
0x43: {  	_ =	shalt  }
0x44: {  	_ =	shalt  }
0x45: {  	_ =	shalt  }
0x46: {  	_ =	shalt  }
0x47: {  	_ =	shalt  }
0x48: {  	_ =	shalt  }
0x49: {  	_ =	shalt  }
0x4a: {  	_ =	shalt  }
0x4b: {  	_ =	shalt  }
0x4c: {  	_ =	shalt  }
0x4d: {  	_ =	shalt  }
0x4e: {  	_ =	shalt  }
0x4f: {  	_ =	shalt  }
0x50: {  	_ =	shalt  }
0x51: {  	_ =	shalt  }
0x52: {  	_ =	shalt  }
0x53: {  	_ =	shalt  }
0x54: {  	_ =	shalt  }
0x55: {  	_ =	shalt  }
0x56: {  	_ =	shalt  }
0x57: {  	_ =	shalt  }
0x58: {  	_ =	shalt  }
0x59: {  	_ =	shalt  }
0x5a: {  	_ =	shalt  }
0x5b: {  	_ =	shalt  }
0x5c: {  	_ =	shalt  }
0x5d: {  	_ =	shalt  }
0x5e: {  	_ =	shalt  }
0x5f: {  	_ =	shalt  }
0x60: {  	_ =	shalt  }
0x61: {  	_ =	shalt  }
0x62: {  	_ =	shalt  }
0x63: {  	_ =	shalt  }
0x64: {  	_ =	shalt  }
0x65: {  	_ =	shalt  }
0x66: {  	_ =	shalt  }
0x67: {  	_ =	shalt  }
0x68: {  	_ =	shalt  }
0x69: {  	_ =	shalt  }
0x6a: {  	_ =	shalt  }
0x6b: {  	_ =	shalt  }
0x6c: {  	_ =	shalt  }
0x6d: {  	_ =	shalt  }
0x6e: {  	_ =	shalt  }
0x6f: {  	_ =	shalt  }
0x70: {  	_ =	shalt  }
0x71: {  	_ =	shalt  }
0x72: {  	_ =	shalt  }
0x73: {  	_ =	shalt  }
0x74: {  	_ =	shalt  }
0x75: {  	_ =	shalt  }
0x76: {  	_ =	shalt  }
0x77: {  	_ =	shalt  }
0x78: {  	_ =	shalt  }
0x79: {  	_ =	shalt  }
0x7a: {  	_ =	shalt  }
0x7b: {  	_ =	shalt  }
0x7c: {  	_ =	shalt  }
0x7d: {  	_ =	shalt  }
0x7e: {  	_ =	shalt  }
0x7f: {  	_ =	shalt  }
0x80: {  	_ =	shalt  }
0x81: {  	_ =	shalt  }
0x82: {  	_ =	shalt  }
0x83: {  	_ =	shalt  }
0x84: {  	_ =	shalt  }
0x85: {  	_ =	shalt  }
0x86: {  	_ =	shalt  }
0x87: {  	_ =	shalt  }
.Lfunc_end0:
.L_simem_size_0:
called_computation.1_lowered:
.L_overlay_start_0:
0x88: {  	s2 =	sld [smem:$0x3FD9]  }
0x89: {  	s3 =	sld [smem:$0x3FFE];
	_ =	sdelay $0x1  }
0x8a: {  	s1 =	srdreg.scid  }
0x8b: {  	s0 =	sand.u32 $0x1, s1  }
0x8c: {  	s17 =	sshll.u32 s0, $0xA;
	s2 =	sadd.s32 s3, s2  }
0x8d: {  	s2 =	sadd.s32 s2, s17  }
0x8e: {  	[smem:$0x3FC6] =	sst s2  }
0x8f: {  	_ = 	snop  }
0x90: {  	s2 =	sld [smem:$0x3FC8];
	(tm) =	ssettm $0x1  }
0x91: {  	s18 =	sld [smem:$0x3FFB];
	_ =	sdelay $0x3  }
0x92: {  	_ =	strace s18  }
0x93: {  	s3 =	sld [smem:$0x3FFC];
	_ =	sdelay $0x3  }
0x94: {  	_ =	strace s3  }
0x95: {  	s3 =	sld [smem:$0x3FFD];
	_ =	sdelay $0x3  }
0x96: {  	_ =	strace s3  }
0x97: {  	_ =	strace $0x8FFFFFFF  }
0x98: {  	s19 =	sld [smem:$0x3FDB];
	_ =	sdelay $0x1  }
0x99: {  	s4 =	simm.s32 $_scs_section_size  }
0x9a: {  	s5 =	simm.s32 $_size__tile_overlayer_lowered;
	s6 =	simm.s32 $_tile_overlayer_lowered  }
0x9b: {  	s22 =	simm.s32 $0x1BFF;
	s21 =	sshll.u32 s6, $0x1;
	s3 =	sadd.s32 s4, s19  }
0x9c: {  	s7 =	simm.s32 $0x0;
	s20 =	sshll.u32 s5, $0x1;
	s5 =	sadd.s32 s21, s3  }
0x9d: {  	[timem:s7], [sflag:s22] =	dma.local [hbm:s5], s20  }
0x9e: {  	_ =	swait.ge [sflag:s22], s20  }
0x9f: {  	s4 =	ssub.s32 $0x0, s20;
	[sflag:s22] =	ssyncset.done $0x0  }
0xa0: {  	[sflag:s22] =	ssyncadd.s32 s4;
	_ =	sdelay $0x1  }
0xa1: {  	s23 =	simm.s32 $0x1B8B  }
0xa2: {  	_ =	swait.ge [sflag:s23], $0x1  }
0xa3: {  	[sflag:s23] =	ssyncset.done $0x0  }
0xa4: {  	s25 =	simm.s32 $0x1B8E;
	s24 =	sld [smem:$0x3FFE];
	[sflag:s23] =	ssyncadd.s32 $0xFFFFFFFF  }
0xa5: {  	s26 =	simm.s32 $execute0_lowered;
	[smem:$0x3FD2] =	sst s25  }
0xa6: {  	s5 =	sshll.u32 s26, $0x1;
	_ =	strace $0x80000046;
	[dreg:$0x1] =	wrdreg $0xFFFFFFFF  }
0xa7: {  	s28 =	simm.s32 $_size_execute0_lowered;
	s3 =	sadd.s32 s3, s5;
	[dreg:$0x0] =	wrdreg $0x0  }
0xa8: {  	s5 =	sshll.u32 s28, $0x1;
	[dreg:$0x2] =	wrdreg s3  }
0xa9: {  	[dreg:$0x3] =	wrdreg s5  }
0xaa: {  	[dreg:$0x4] =	wrdreg $0xC0  }
0xab: {  	_ =	task [dreg:s7], $0x5FFFF  }
0xac: {  	[dreg:$0x1] =	wrdreg $0xFFFFFFFF  }
0xad: {  	[dreg:$0x0] =	wrdreg $0x60  }
0xae: {  	[dreg:$0x2] =	wrdreg s2  }
0xaf: {  	[dreg:$0x3] =	wrdreg s24  }
0xb0: {  	[dreg:$0x4] =	wrdreg $0x9  }
0xb1: {  	_ =	task.clear_ibuf [dreg:s7], $0x5FFFF;
	_ =	strace $0x90000046  }
0xb2: {  	s29 =	simm.s32 $0x9;
	_ =	strace $0x80000048  }
0xb3: {  	_ =	swait.ge [sflag:s29], $0x1  }
0xb4: {  	[sflag:s29] =	ssyncadd.s32 $0xFFFFFFFF  }
0xb5: {  	_ =	strace $0x90000048  }
0xb6: {  	_ =	sfence  }
0xb7: {  	s30 =	sld [smem:$0x0];
	_ =	sdelay $0x2  }
0xb8: {  	s31 =	sshll.u32 s1, $0xD;
	s1 =	sshrl.u32 s1, $0x2  }
0xb9: {  	s3 =	sand.u32 $0x4000, s31;
	s1 =	sadd.s32 s1, s30  }
0xba: {  	s0 =	sor.u32 s3, s0;
	s1 =	sshll.u32 s1, $0x11  }
0xbb: {  	s0 =	sor.u32 s1, s0  }
0xbc: {  	s0 =	sadd.s32 $0x8F2B, s0  }
0xbd: {  	[sflag:s0] =	ssyncadd.remote.s32 $0x1  }
0xbe: {  	_ =	sfence.sel $0xFFFF  }
0xbf: {  	[dreg:$0x0] =	wrdreg $0xFFFFFFFF;
	(pc) =	sbr.abs _section_cstart, $3  }
0xc0: {  	[dreg:$0x1] =	wrdreg $0xFFFFFFFF  }
0xc1: {  	_ =	task.clear_ibuf [dreg:s7], $0x2FFFF;
	_ =	strace $0x9FFFFFFF  }
0xc2: {  	(tm) =	ssettm $0x7FFFFFFF  }
0xc3: {  	_ =	shalt  }
tec
execute0_lowered:
.L_overlay_start_1:
0x0: {  	(tag) =	ssettag $0x1  }
0x1: {  	s5 =	rddreg [dreg:$0x0]  }
0x2: {  	s8 =	rddreg [dreg:$0x1]  }
0x3: {  	s0 =	rddreg [dreg:$0x2];
	s2 =	simm.s32 $0x0  }
0x4: {  	s3 =	srdreg.scid;
	s1 =	stileid.u32;
	s11 =	simm.s32 $0x7A1400  }
0x5: {  	s12 =	simm.s32 $0x2000;
	s13 =	simm.s32 $0x1;
	s14 =	simm.s32 $0x4000  }
0x6: {  	s15 =	simm.s32 $0x2;
	s16 =	simm.s32 $0x8000;
	s18 =	simm.s32 $0x4  }
0x7: {  	s19 =	simm.s32 $0xC000;
	s20 =	simm.s32 $0x5;
	s21 =	simm.s32 $0x0  }
0x8: {  	[smem:$0x7FF] =	sst s2;
	s3 =	sand.u32 $0x1, s3;
	s4 =	sshll.u32 s1, $0x1  }
0x9: {  	p0 =	slt.u32 s1, $0x2;
	_ =	strace $0x80000047;
	s17 =	sor.u32 s3, s4  }
0xa: {  	s30 =	ssub.s32 $0x2, s3;
	s3 =	sadd.s32 $0xE00, s8;
	s4 =	simm.s32 $0xF5  }
.Ltmp0:
0xb: {  	s6 =	sshll.u32 s17, $0xB;
	s7 =	sshrl.u32 s30, $0x1;
	(pc) =	sbr.rel .LBB2_1-.Ltmp0, $4  }
0xc: {  	v0 =	vlaneseq.u32;
	s31 =	sshll.u32 s17, $0x7;
	s4 =	simm.s32 @!p0 $0xF4;
	p0 =	sne.s32 s17, $0x0  }
0xd: {  	v1 =	vmul.u32 $0x80, v0;
	s17 =	simm.s32 $0x3;
	s9 =	sadd.s32 s6, s8;
	s5 =	sadd.s32 s5, s31  }
0xe: {  	v5 =	vor.u32 $0x10, v0;
	v6 =	vor.u32 $0x20, v0;
	v7 =	vor.u32 $0x30, v0;
	s10 =	ssub.s32 s30, s7;
	s8 =	sadd.s32 $0xF43200, s8;
	s6 =	sadd.s32 $0x1000, s5  }
0xf: {  	v2 =	vor.u32 $0x800, v1;
	v3 =	vor.u32 $0x1000, v1;
	v4 =	vor.u32 $0x1800, v1;
	s7 =	sadd.s32 $0x1200, s9;
	s9 =	smax.u32 s10, $0x1;
	s10 =	simm.s32 $0x400  }
.LBB2_11:
0x10: {  	_ =	swait.ge [sflag:s17], $0x4000  }
.Ltmp1:
0x11: {  	[sflag:s17] =	ssyncset.done $0x0;
	(pc) =	sbr.rel @!p0 .LBB2_12-.Ltmp1, $4  }
0x12: {  	[sflag:s17] =	ssyncadd.s32 $0xFFFFC000  }
0x13: {  	_ =	swait.ge [sflag:s18], $0x4000  }
0x14: {  	[sflag:s18] =	ssyncset.done $0x0  }
0x15: {  	[sflag:s18] =	ssyncadd.s32 $0xFFFFC000  }
.LBB2_15:
0x16: {  	s21 =	sadd.s32 $0x1, s21  }
0x17: {  	p1 =	sne.s32 s21, s9  }
.Ltmp2:
0x18: {  	_ = 	snop;
	(pc) =	sbr.rel @!p1 .LBB2_16-.Ltmp2, $1  }
0x19: {  	_ =	sdelay $0x3  }
.LBB2_1:
.Ltmp3:
0x1a: {  	(pc) =	sbr.rel .LBB2_2-.Ltmp3, $4  }
0x1b: {  	_ = 	snop  }
0x1c: {  	[tilespmem:s2], [sflag:$0x1] =	stream.strided.gather [hbm4b:s5+s10], $0x2000, s11, s10, $0x38;
	[tilespmem:$0xE000] =	vst v63  }
0x1d: {  	s22 =	simm.s32 $0x0  }
0x1e: {  	[tilespmem:s12], [sflag:$0x2] =	stream.strided.gather [hbm4b:s6+s10], $0x2000, s11, s10, $0x38;
	[tilespmem:$0xE000] =	vst v63  }
.LBB2_10:
0x1f: {  	s22 =	sadd.s32 $0x1, s22  }
0x20: {  	p1 =	sne.s32 s22, $0x7B  }
.Ltmp4:
0x21: {  	_ = 	snop;
	(pc) =	sbr.rel @!p1 .LBB2_11-.Ltmp4, $1  }
0x22: {  	_ =	sdelay $0x3  }
.LBB2_2:
0x23: {  	s23 =	sshll.u32 s22, $0x1  }
0x24: {  	p2 =	sge.u32 s23, s4  }
.Ltmp5:
0x25: {  	_ = 	snop;
	(pc) =	sbr.rel @p2 .LBB2_6-.Ltmp5, $2  }
0x26: {  	_ =	sdelay $0x2  }
0x27: {  	p1 =	seq.s32 s22, $0x0  }
0x28: {  	s24 =	simm.s32 $0x7  }
0x29: {  	v8 =	vadd.s32 s24, v0  }
0x2a: {  	_ =	swait.ge [sflag:s13], $0x2000;
	v18 =	vand.u32 $0x7F, v8  }
0x2b: {  	[sflag:s13] =	ssyncset.done $0x0;
	v8 =	vor.u32 v4, v18  }
0x2c: {  	s25 =	simm.s32 $0x6;
	s24 =	simm.s32 @!p1 $0x3;
	[sflag:s13] =	ssyncadd.s32 $0xFFFFE000;
	v9 =	vor.u32 v3, v18  }
0x2d: {  	v10 =	vadd.s32 s25, v0;
	_ =	swait.ge @!p1 [sflag:s24], $0x4000;
	v11 =	vor.u32 v2, v18  }
0x2e: {  	v21 =	vand.u32 $0x7F, v10;
	v12 =	vor.u32 v1, v18;
	[sflag:s24] =	ssyncset.done @!p1 $0x0  }
0x2f: {  	v13 =	vor.u32 v4, v21;
	[sflag:s24] =	ssyncadd.s32 @!p1 $0xFFFFC000  }
0x30: {  	s26 =	simm.s32 $0x0;
	s25 =	simm.s32 $0x5;
	v14 =	vor.u32 v3, v21;
	v8 =	vld.idx.msk [tilespmem:v8+s2+$0x0], $0xffff  }
0x31: {  	v20 =	vadd.s32 s26, v0;
	v10 =	vadd.s32 s25, v0;
	v15 =	vor.u32 v2, v21;
	v9 =	vld.idx.msk [tilespmem:v9+s2+$0x0], $0xffff  }
0x32: {  	v24 =	vand.u32 $0x7F, v20;
	v22 =	vand.u32 $0x7F, v10;
	v16 =	vor.u32 v1, v21;
	v10 =	vld.idx.msk [tilespmem:v11+s2+$0x0], $0xffff  }
0x33: {  	v25 =	vor.u32 v1, v24;
	v11 =	vld.idx.msk [tilespmem:v12+s2+$0x0], $0xffff  }
0x34: {  	v26 =	vor.u32 v2, v24;
	v12 =	vld.idx.msk [tilespmem:v13+s2+$0x0], $0xffff  }
0x35: {  	v27 =	vor.u32 v3, v24;
	v13 =	vld.idx.msk [tilespmem:v14+s2+$0x0], $0xffff  }
0x36: {  	v29 =	vor.u32 v4, v24;
	v14 =	vld.idx.msk [tilespmem:v15+s2+$0x0], $0xffff  }
0x37: {  	s28 =	simm.s32 $0x1;
	v17 =	vor.u32 v4, v22;
	v15 =	vld.idx.msk [tilespmem:v16+s2+$0x0], $0xffff  }
0x38: {  	v28 =	vadd.s32 s28, v0;
	v19 =	vor.u32 v3, v22;
	v33 =	vld.idx.msk [tilespmem:v25+s2+$0x0], $0xffff  }
0x39: {  	v28 =	vand.u32 $0x7F, v28;
	v23 =	vor.u32 v2, v22;
	v34 =	vld.idx.msk [tilespmem:v26+s2+$0x0], $0xffff  }
0x3a: {  	v30 =	vor.u32 v1, v28;
	v27 =	vld.idx.msk [tilespmem:v27+s2+$0x0], $0xffff  }
0x3b: {  	s30 =	simm.s32 $0x4;
	v31 =	vor.u32 v4, v28;
	v29 =	vld.idx.msk [tilespmem:v29+s2+$0x0], $0xffff  }
0x3c: {  	s31 =	simm.s32 $0x2;
	v43 =	vor.u32 v2, v28;
	v25 =	vadd.s32 s30, v0;
	v16 =	vld.idx.msk [tilespmem:v17+s2+$0x0], $0xffff  }
0x3d: {  	s29 =	simm.s32 $0x3;
	v20 =	vor.u32 v1, v22;
	v17 =	vld.idx.msk [tilespmem:v19+s2+$0x0], $0xffff;
	v36 =	vand.u32 $0x7F, v25;
	v25 =	vadd.s32 s31, v0  }
0x3e: {  	v19 =	vld.idx.msk [tilespmem:v23+s2+$0x0], $0xffff;
	v23 =	vadd.s32 s29, v0;
	v38 =	vand.u32 $0x7F, v25;
	v25 =	vor.u32 v1, v36  }
0x3f: {  	v30 =	vld.idx.msk [tilespmem:v30+s2+$0x0], $0xffff;
	v32 =	vand.u32 $0x7F, v23;
	v41 =	vor.u32 v2, v36  }
0x40: {  	v31 =	vld.idx.msk [tilespmem:v31+s2+$0x0], $0xffff;
	v23 =	vor.u32 v3, v32  }
0x41: {  	v43 =	vld.idx.msk [tilespmem:v43+s2+$0x0], $0xffff;
	v26 =	vor.u32 v1, v32  }
0x42: {  	v20 =	vld.idx.msk [tilespmem:v20+s2+$0x0], $0xffff;
	v35 =	vor.u32 v4, v32  }
0x43: {  	v37 =	vor.u32 v4, v36;
	v44 =	vld.idx.msk [tilespmem:v25+s2+$0x0], $0xffff  }
0x44: {  	v39 =	vor.u32 v1, v38;
	v25 =	vld.idx.msk [tilespmem:v41+s2+$0x0], $0xffff  }
0x45: {  	v55 =	vor.u32 v2, v32;
	v40 =	vld.idx.msk [tilespmem:v23+s2+$0x0], $0xffff  }
0x46: {  	v46 =	vor.u32 v4, v38;
	v42 =	vld.idx.msk [tilespmem:v26+s2+$0x0], $0xffff  }
0x47: {  	v56 =	vor.u32 v3, v38;
	v35 =	vld.idx.msk [tilespmem:v35+s2+$0x0], $0xffff  }
0x48: {  	v48 =	vor.u32 v2, v38;
	v23 =	vld.idx.msk [tilespmem:v37+s2+$0x0], $0xffff  }
0x49: {  	v24 =	vshll.u32 v24, $0x7;
	v26 =	vor.u32 v3, v28;
	v39 =	vld.idx.msk [tilespmem:v39+s2+$0x0], $0xffff  }
0x4a: {  	v49 =	vor.u32 v0, v24;
	v45 =	vor.u32 v3, v36;
	v37 =	vld.idx.msk [tilespmem:v55+s2+$0x0], $0xffff  }
0x4b: {  	v50 =	vor.u32 v5, v24;
	v46 =	vld.idx.msk [tilespmem:v46+s2+$0x0], $0xffff  }
0x4c: {  	v57 =	vor.u32 v6, v24;
	v41 =	vld.idx.msk [tilespmem:v56+s2+$0x0], $0xffff  }
0x4d: {  	v24 =	vor.u32 v7, v24;
	v28 =	vshll.u32 v28, $0x7;
	v48 =	vld.idx.msk [tilespmem:v48+s2+$0x0], $0xffff  }
0x4e: {  	v51 =	vor.u32 v0, v28;
	v47 =	vld.idx.msk [tilespmem:v26+s2+$0x0], $0xffff  }
0x4f: {  	v52 =	vor.u32 v5, v28;
	v26 =	vld.idx.msk [tilespmem:v45+s2+$0x0], $0xffff;
	[tilespmem:v49+s14+$0x0] =	vst.idx.msk $0xffff, v33  }
0x50: {  	v58 =	vor.u32 v6, v28;
	[tilespmem:v50+s14+$0x0] =	vst.idx.msk $0xffff, v34  }
0x51: {  	v59 =	vshll.u32 v38, $0x7;
	v28 =	vor.u32 v7, v28;
	[tilespmem:v57+s14+$0x0] =	vst.idx.msk $0xffff, v27  }
0x52: {  	v27 =	vor.u32 v0, v59;
	[tilespmem:v24+s14+$0x0] =	vst.idx.msk $0xffff, v29  }
0x53: {  	v24 =	vor.u32 v5, v59;
	[tilespmem:v51+s14+$0x0] =	vst.idx.msk $0xffff, v30  }
0x54: {  	v29 =	vor.u32 v6, v59;
	[tilespmem:v52+s14+$0x0] =	vst.idx.msk $0xffff, v43  }
0x55: {  	v60 =	vor.u32 v7, v59;
	v30 =	vshll.u32 v32, $0x7;
	[tilespmem:v58+s14+$0x0] =	vst.idx.msk $0xffff, v47  }
0x56: {  	v61 =	vor.u32 v0, v30;
	[tilespmem:v28+s14+$0x0] =	vst.idx.msk $0xffff, v31  }
0x57: {  	v28 =	vor.u32 v5, v30;
	[tilespmem:v27+s14+$0x0] =	vst.idx.msk $0xffff, v39  }
0x58: {  	v27 =	vor.u32 v6, v30;
	[tilespmem:v24+s14+$0x0] =	vst.idx.msk $0xffff, v48  }
0x59: {  	v30 =	vor.u32 v7, v30;
	v24 =	vshll.u32 v36, $0x7;
	[tilespmem:v29+s14+$0x0] =	vst.idx.msk $0xffff, v41  }
0x5a: {  	v62 =	vor.u32 v0, v24;
	[tilespmem:v60+s14+$0x0] =	vst.idx.msk $0xffff, v46  }
0x5b: {  	v31 =	vor.u32 v5, v24;
	[tilespmem:v61+s14+$0x0] =	vst.idx.msk $0xffff, v42  }
0x5c: {  	[tilespmem:v28+s14+$0x0] =	vst.idx.msk $0xffff, v37;
	v28 =	vor.u32 v6, v24  }
0x5d: {  	v63 =	vshll.u32 v22, $0x7;
	v29 =	vor.u32 v7, v24;
	[tilespmem:v27+s14+$0x0] =	vst.idx.msk $0xffff, v40  }
0x5e: {  	v18 =	vshll.u32 v18, $0x7;
	v22 =	vor.u32 v7, v63;
	v27 =	vor.u32 v0, v63;
	[tilespmem:v30+s14+$0x0] =	vst.idx.msk $0xffff, v35  }
0x5f: {  	v21 =	vshll.u32 v21, $0x7;
	s24 =	simm.s32 $0xF;
	v24 =	vor.u32 v6, v63;
	v30 =	vor.u32 v5, v63;
	[tilespmem:v62+s14+$0x0] =	vst.idx.msk $0xffff, v44  }
.LBB2_4:
0x60: {  	v32 =	vadd.s32 s24, v0;
	p2 =	sne.s32 s24, $0x7F;
	[tilespmem:v31+s14+$0x0] =	vst.idx.msk $0xffff, v25;
	s25 =	smov.u32 s24;
	s24 =	sadd.s32 $0x8, s24  }
0x61: {  	v25 =	vand.u32 $0x7F, v32;
	[tilespmem:v28+s14+$0x0] =	vst.idx.msk $0xffff, v26;
	v26 =	vor.u32 v0, v21  }
0x62: {  	v28 =	vshll.u32 v25, $0x7;
	[tilespmem:v29+s14+$0x0] =	vst.idx.msk $0xffff, v23;
	v23 =	vor.u32 v5, v21  }
0x63: {  	[tilespmem:v27+s14+$0x0] =	vst.idx.msk $0xffff, v20;
	v20 =	vor.u32 v6, v21  }
0x64: {  	[tilespmem:v30+s14+$0x0] =	vst.idx.msk $0xffff, v19;
	v19 =	vor.u32 v7, v21  }
0x65: {  	[tilespmem:v24+s14+$0x0] =	vst.idx.msk $0xffff, v17;
	v17 =	vor.u32 v0, v18  }
0x66: {  	[tilespmem:v22+s14+$0x0] =	vst.idx.msk $0xffff, v16;
	v16 =	vor.u32 v5, v18  }
0x67: {  	[tilespmem:v26+s14+$0x0] =	vst.idx.msk $0xffff, v15;
	v15 =	vor.u32 v6, v18  }
0x68: {  	[tilespmem:v23+s14+$0x0] =	vst.idx.msk $0xffff, v14;
	v14 =	vor.u32 v7, v18;
	v18 =	vmov v28  }
0x69: {  	[tilespmem:v20+s14+$0x0] =	vst.idx.msk $0xffff, v13  }
0x6a: {  	v13 =	vor.u32 v4, v25;
	[tilespmem:v19+s14+$0x0] =	vst.idx.msk $0xffff, v12  }
0x6b: {  	s26 =	sadd.s32 $0xFFFFFFFF, s25;
	v12 =	vor.u32 v3, v25;
	[tilespmem:v17+s14+$0x0] =	vst.idx.msk $0xffff, v11  }
0x6c: {  	v11 =	vadd.s32 s26, v0;
	v17 =	vor.u32 v2, v25;
	[tilespmem:v16+s14+$0x0] =	vst.idx.msk $0xffff, v10  }
0x6d: {  	v10 =	vand.u32 $0x7F, v11;
	v11 =	vor.u32 v1, v25;
	[tilespmem:v15+s14+$0x0] =	vst.idx.msk $0xffff, v9  }
0x6e: {  	v15 =	vor.u32 v4, v10;
	v21 =	vshll.u32 v10, $0x7;
	[tilespmem:v14+s14+$0x0] =	vst.idx.msk $0xffff, v8  }
0x6f: {  	s26 =	sadd.s32 $0xFFFFFFFE, s25;
	v14 =	vor.u32 v3, v10;
	v8 =	vld.idx.msk [tilespmem:v13+s2+$0x0], $0xffff  }
0x70: {  	v16 =	vor.u32 v2, v10;
	v13 =	vadd.s32 s26, v0;
	v9 =	vld.idx.msk [tilespmem:v12+s2+$0x0], $0xffff  }
0x71: {  	v20 =	vor.u32 v1, v10;
	v19 =	vand.u32 $0x7F, v13;
	v10 =	vld.idx.msk [tilespmem:v17+s2+$0x0], $0xffff  }
0x72: {  	v17 =	vor.u32 v4, v19;
	v24 =	vshll.u32 v19, $0x7;
	v11 =	vld.idx.msk [tilespmem:v11+s2+$0x0], $0xffff  }
0x73: {  	s26 =	sadd.s32 $0xFFFFFFF9, s25;
	v23 =	vor.u32 v3, v19;
	v22 =	vor.u32 v7, v24;
	v12 =	vld.idx.msk [tilespmem:v15+s2+$0x0], $0xffff  }
0x74: {  	v25 =	vor.u32 v2, v19;
	v15 =	vadd.s32 s26, v0;
	v13 =	vld.idx.msk [tilespmem:v14+s2+$0x0], $0xffff  }
0x75: {  	v27 =	vor.u32 v1, v19;
	v26 =	vand.u32 $0x7F, v15;
	v14 =	vld.idx.msk [tilespmem:v16+s2+$0x0], $0xffff  }
0x76: {  	v28 =	vor.u32 v1, v26;
	v29 =	vor.u32 v2, v26;
	v30 =	vor.u32 v3, v26;
	v15 =	vld.idx.msk [tilespmem:v20+s2+$0x0], $0xffff  }
0x77: {  	s26 =	sadd.s32 $0xFFFFFFFA, s25;
	v31 =	vor.u32 v4, v26;
	v26 =	vshll.u32 v26, $0x7;
	v16 =	vld.idx.msk [tilespmem:v17+s2+$0x0], $0xffff  }
0x78: {  	s28 =	sadd.s32 $0xFFFFFFFC, s25;
	v19 =	vadd.s32 s26, v0;
	s26 =	sadd.s32 $0xFFFFFFFB, s25;
	s25 =	sadd.s32 $0xFFFFFFFD, s25;
	v17 =	vld.idx.msk [tilespmem:v23+s2+$0x0], $0xffff  }
0x79: {  	v32 =	vadd.s32 s26, v0;
	v20 =	vadd.s32 s28, v0;
	v23 =	vand.u32 $0x7F, v19;
	v19 =	vld.idx.msk [tilespmem:v25+s2+$0x0], $0xffff  }
0x7a: {  	v34 =	vand.u32 $0x7F, v20;
	v25 =	vor.u32 v1, v23;
	v33 =	vor.u32 v4, v23;
	v20 =	vld.idx.msk [tilespmem:v27+s2+$0x0], $0xffff  }
0x7b: {  	v36 =	vadd.s32 s25, v0;
	v35 =	vor.u32 v4, v34;
	v27 =	vld.idx.msk [tilespmem:v28+s2+$0x0], $0xffff;
	v28 =	vor.u32 v3, v34  }
0x7c: {  	v36 =	vand.u32 $0x7F, v36;
	v38 =	vor.u32 v0, v26;
	v37 =	vor.u32 v1, v34;
	v29 =	vld.idx.msk [tilespmem:v29+s2+$0x0], $0xffff  }
0x7d: {  	v32 =	vand.u32 $0x7F, v32;
	v40 =	vor.u32 v5, v26;
	v39 =	vor.u32 v1, v36;
	v30 =	vld.idx.msk [tilespmem:v30+s2+$0x0], $0xffff  }
0x7e: {  	v43 =	vor.u32 v6, v26;
	v41 =	vor.u32 v3, v36;
	v42 =	vor.u32 v4, v36;
	v31 =	vld.idx.msk [tilespmem:v31+s2+$0x0], $0xffff  }
0x7f: {  	v46 =	vor.u32 v7, v26;
	v45 =	vor.u32 v2, v36;
	v44 =	vld.idx.msk [tilespmem:v25+s2+$0x0], $0xffff;
	v25 =	vor.u32 v1, v32  }
0x80: {  	v47 =	vor.u32 v2, v32;
	v48 =	vor.u32 v3, v32;
	v49 =	vor.u32 v4, v32;
	v33 =	vld.idx.msk [tilespmem:v33+s2+$0x0], $0xffff  }
0x81: {  	v51 =	vor.u32 v2, v34;
	v26 =	vor.u32 v2, v23;
	v50 =	vor.u32 v3, v23;
	v52 =	vld.idx.msk [tilespmem:v28+s2+$0x0], $0xffff  }
0x82: {  	v34 =	vshll.u32 v34, $0x7;
	v32 =	vshll.u32 v32, $0x7;
	v28 =	vld.idx.msk [tilespmem:v37+s2+$0x0], $0xffff;
	v37 =	vshll.u32 v23, $0x7  }
0x83: {  	v36 =	vshll.u32 v36, $0x7;
	v35 =	vld.idx.msk [tilespmem:v35+s2+$0x0], $0xffff  }
0x84: {  	v23 =	vld.idx.msk [tilespmem:v42+s2+$0x0], $0xffff  }
0x85: {  	v39 =	vld.idx.msk [tilespmem:v39+s2+$0x0], $0xffff  }
0x86: {  	v42 =	vld.idx.msk [tilespmem:v25+s2+$0x0], $0xffff  }
0x87: {  	v25 =	vld.idx.msk [tilespmem:v45+s2+$0x0], $0xffff  }
0x88: {  	v45 =	vld.idx.msk [tilespmem:v50+s2+$0x0], $0xffff  }
0x89: {  	v50 =	vld.idx.msk [tilespmem:v26+s2+$0x0], $0xffff  }
0x8a: {  	v51 =	vld.idx.msk [tilespmem:v51+s2+$0x0], $0xffff  }
0x8b: {  	v26 =	vld.idx.msk [tilespmem:v41+s2+$0x0], $0xffff  }
0x8c: {  	v41 =	vld.idx.msk [tilespmem:v49+s2+$0x0], $0xffff  }
0x8d: {  	v49 =	vor.u32 v0, v37;
	v48 =	vld.idx.msk [tilespmem:v48+s2+$0x0], $0xffff  }
0x8e: {  	v53 =	vor.u32 v5, v37;
	v47 =	vld.idx.msk [tilespmem:v47+s2+$0x0], $0xffff  }
0x8f: {  	[tilespmem:v38+s14+$0x0] =	vst.idx.msk $0xffff, v27;
	v27 =	vor.u32 v6, v37  }
0x90: {  	[tilespmem:v40+s14+$0x0] =	vst.idx.msk $0xffff, v29;
	v29 =	vor.u32 v7, v37  }
0x91: {  	[tilespmem:v43+s14+$0x0] =	vst.idx.msk $0xffff, v30;
	v30 =	vor.u32 v0, v32  }
0x92: {  	[tilespmem:v46+s14+$0x0] =	vst.idx.msk $0xffff, v31;
	v31 =	vor.u32 v5, v32  }
0x93: {  	v37 =	vor.u32 v6, v32;
	[tilespmem:v49+s14+$0x0] =	vst.idx.msk $0xffff, v44  }
0x94: {  	v32 =	vor.u32 v7, v32;
	[tilespmem:v53+s14+$0x0] =	vst.idx.msk $0xffff, v50  }
0x95: {  	[tilespmem:v27+s14+$0x0] =	vst.idx.msk $0xffff, v45;
	v27 =	vor.u32 v0, v34  }
0x96: {  	[tilespmem:v29+s14+$0x0] =	vst.idx.msk $0xffff, v33;
	v29 =	vor.u32 v5, v34  }
0x97: {  	[tilespmem:v30+s14+$0x0] =	vst.idx.msk $0xffff, v42;
	v30 =	vor.u32 v6, v34  }
0x98: {  	v33 =	vor.u32 v7, v34;
	[tilespmem:v31+s14+$0x0] =	vst.idx.msk $0xffff, v47  }
0x99: {  	v34 =	vor.u32 v0, v36;
	[tilespmem:v37+s14+$0x0] =	vst.idx.msk $0xffff, v48  }
0x9a: {  	v31 =	vor.u32 v5, v36;
	[tilespmem:v32+s14+$0x0] =	vst.idx.msk $0xffff, v41  }
.Ltmp6:
0x9b: {  	[tilespmem:v27+s14+$0x0] =	vst.idx.msk $0xffff, v28;
	v28 =	vor.u32 v6, v36;
	(pc) =	sbr.rel @p2 .LBB2_4-.Ltmp6, $4  }
0x9c: {  	[tilespmem:v29+s14+$0x0] =	vst.idx.msk $0xffff, v51;
	v29 =	vor.u32 v7, v36  }
0x9d: {  	v27 =	vor.u32 v0, v24;
	[tilespmem:v30+s14+$0x0] =	vst.idx.msk $0xffff, v52  }
0x9e: {  	v30 =	vor.u32 v5, v24;
	[tilespmem:v33+s14+$0x0] =	vst.idx.msk $0xffff, v35  }
0x9f: {  	v24 =	vor.u32 v6, v24;
	[tilespmem:v34+s14+$0x0] =	vst.idx.msk $0xffff, v39  }
0xa0: {  	_ =	sdelay $0x3  }
0xa1: {  	[tilespmem:v31+s14+$0x0] =	vst.idx.msk $0xffff, v25  }
0xa2: {  	[tilespmem:v28+s14+$0x0] =	vst.idx.msk $0xffff, v26  }
0xa3: {  	v56 =	vor.u32 v0, v21;
	[tilespmem:v29+s14+$0x0] =	vst.idx.msk $0xffff, v23  }
0xa4: {  	v57 =	vor.u32 v5, v21;
	[tilespmem:v27+s14+$0x0] =	vst.idx.msk $0xffff, v20  }
0xa5: {  	v58 =	vor.u32 v6, v21;
	[tilespmem:v30+s14+$0x0] =	vst.idx.msk $0xffff, v19  }
0xa6: {  	v59 =	vor.u32 v7, v21;
	[tilespmem:v24+s14+$0x0] =	vst.idx.msk $0xffff, v17  }
0xa7: {  	v60 =	vor.u32 v0, v18;
	[tilespmem:v22+s14+$0x0] =	vst.idx.msk $0xffff, v16  }
0xa8: {  	v61 =	vor.u32 v5, v18;
	[tilespmem:v56+s14+$0x0] =	vst.idx.msk $0xffff, v15  }
0xa9: {  	v62 =	vor.u32 v6, v18;
	[tilespmem:v57+s14+$0x0] =	vst.idx.msk $0xffff, v14  }
0xaa: {  	v63 =	vor.u32 v7, v18;
	[tilespmem:v58+s14+$0x0] =	vst.idx.msk $0xffff, v13  }
0xab: {  	[tilespmem:v59+s14+$0x0] =	vst.idx.msk $0xffff, v12  }
0xac: {  	s24 =	sadd.s32 $0x2, s23;
	[tilespmem:v60+s14+$0x0] =	vst.idx.msk $0xffff, v11  }
0xad: {  	p2 =	sge.u32 s24, s4;
	[tilespmem:v61+s14+$0x0] =	vst.idx.msk $0xffff, v10  }
0xae: {  	s31 =	sshll.u32 s22, $0x11;
	s24 =	sshll.u32 @!p2 s24, $0xC;
	s25 =	simm.s32 @!p2 $0x400;
	[tilespmem:v62+s14+$0x0] =	vst.idx.msk $0xffff, v9  }
0xaf: {  	s26 =	simm.s32 @!p2 $0x7A1400;
	s28 =	simm.s32 @!p2 $0x0;
	s24 =	sadd.s32 @!p2 s24, s5;
	[tilespmem:v63+s14+$0x0] =	vst.idx.msk $0xffff, v8  }
0xb0: {  	[tilespmem:s28], [sflag:$0x1] =	stream.strided.gather @!p2 [hbm4b:s24+s25], $0x2000, s26, s25, $0x38;
	[tilespmem:$0xE000] =	vst v63  }
0xb1: {  	s24 =	sadd.s32 s31, s7  }
0xb2: {  	[hbm4b:s24+s2] =	stream.linear.scatter [tilespmem:s14], [sflag:$0x3], $0x4000, $0x38;
	[tilespmem:$0xE000] =	vst v63  }
.LBB2_6:
0xb3: {  	s24 =	sor.u32 $0x1, s23  }
0xb4: {  	p2 =	sge.u32 s24, s4  }
.Ltmp7:
0xb5: {  	_ = 	snop;
	(pc) =	sbr.rel @p2 .LBB2_10-.Ltmp7, $1  }
0xb6: {  	_ =	sdelay $0x3  }
0xb7: {  	s25 =	simm.s32 $0x7  }
0xb8: {  	v8 =	vadd.s32 s25, v0  }
0xb9: {  	_ =	swait.ge [sflag:s15], $0x2000;
	v18 =	vand.u32 $0x7F, v8  }
0xba: {  	[sflag:s15] =	ssyncset.done $0x0;
	v8 =	vor.u32 v4, v18  }
0xbb: {  	s26 =	simm.s32 $0x6;
	s25 =	simm.s32 @!p1 $0x4;
	[sflag:s15] =	ssyncadd.s32 $0xFFFFE000;
	v9 =	vor.u32 v3, v18  }
0xbc: {  	v10 =	vadd.s32 s26, v0;
	_ =	swait.ge @!p1 [sflag:s25], $0x4000;
	v11 =	vor.u32 v2, v18  }
0xbd: {  	v21 =	vand.u32 $0x7F, v10;
	v12 =	vor.u32 v1, v18;
	[sflag:s25] =	ssyncset.done @!p1 $0x0  }
0xbe: {  	v13 =	vor.u32 v4, v21;
	[sflag:s25] =	ssyncadd.s32 @!p1 $0xFFFFC000  }
0xbf: {  	s31 =	simm.s32 $0x5;
	s28 =	simm.s32 $0x1;
	v14 =	vor.u32 v3, v21;
	v8 =	vld.idx.msk [tilespmem:v8+s12+$0x0], $0xffff  }
0xc0: {  	v28 =	vadd.s32 s28, v0;
	v10 =	vadd.s32 s31, v0;
	v15 =	vor.u32 v2, v21;
	v9 =	vld.idx.msk [tilespmem:v9+s12+$0x0], $0xffff  }
0xc1: {  	v28 =	vand.u32 $0x7F, v28;
	v22 =	vand.u32 $0x7F, v10;
	v16 =	vor.u32 v1, v21;
	v10 =	vld.idx.msk [tilespmem:v11+s12+$0x0], $0xffff  }
0xc2: {  	v30 =	vor.u32 v1, v28;
	v11 =	vld.idx.msk [tilespmem:v12+s12+$0x0], $0xffff  }
0xc3: {  	v31 =	vor.u32 v4, v28;
	v12 =	vld.idx.msk [tilespmem:v13+s12+$0x0], $0xffff  }
0xc4: {  	v17 =	vor.u32 v4, v22;
	v13 =	vld.idx.msk [tilespmem:v14+s12+$0x0], $0xffff  }
0xc5: {  	s26 =	simm.s32 $0x0;
	v19 =	vor.u32 v3, v22;
	v14 =	vld.idx.msk [tilespmem:v15+s12+$0x0], $0xffff  }
0xc6: {  	v20 =	vadd.s32 s26, v0;
	v23 =	vor.u32 v2, v22;
	v15 =	vld.idx.msk [tilespmem:v16+s12+$0x0], $0xffff  }
0xc7: {  	v24 =	vand.u32 $0x7F, v20;
	v43 =	vor.u32 v2, v28;
	v30 =	vld.idx.msk [tilespmem:v30+s12+$0x0], $0xffff  }
0xc8: {  	v25 =	vor.u32 v1, v24;
	v31 =	vld.idx.msk [tilespmem:v31+s12+$0x0], $0xffff  }
0xc9: {  	v26 =	vor.u32 v2, v24;
	v16 =	vld.idx.msk [tilespmem:v17+s12+$0x0], $0xffff  }
0xca: {  	s29 =	simm.s32 $0x3;
	v20 =	vor.u32 v1, v22;
	v17 =	vld.idx.msk [tilespmem:v19+s12+$0x0], $0xffff  }
0xcb: {  	v27 =	vor.u32 v3, v24;
	v19 =	vld.idx.msk [tilespmem:v23+s12+$0x0], $0xffff;
	v23 =	vadd.s32 s29, v0  }
0xcc: {  	v29 =	vor.u32 v4, v24;
	v43 =	vld.idx.msk [tilespmem:v43+s12+$0x0], $0xffff;
	v32 =	vand.u32 $0x7F, v23  }
0xcd: {  	s30 =	simm.s32 $0x4;
	v33 =	vld.idx.msk [tilespmem:v25+s12+$0x0], $0xffff;
	v23 =	vor.u32 v3, v32  }
0xce: {  	v34 =	vld.idx.msk [tilespmem:v26+s12+$0x0], $0xffff;
	v25 =	vadd.s32 s30, v0;
	v26 =	vor.u32 v1, v32  }
0xcf: {  	s31 =	simm.s32 $0x2;
	v20 =	vld.idx.msk [tilespmem:v20+s12+$0x0], $0xffff;
	v36 =	vand.u32 $0x7F, v25;
	v35 =	vor.u32 v4, v32  }
0xd0: {  	v27 =	vld.idx.msk [tilespmem:v27+s12+$0x0], $0xffff;
	v25 =	vadd.s32 s31, v0;
	v37 =	vor.u32 v4, v36  }
0xd1: {  	v29 =	vld.idx.msk [tilespmem:v29+s12+$0x0], $0xffff;
	v38 =	vand.u32 $0x7F, v25;
	v25 =	vor.u32 v1, v36  }
0xd2: {  	v41 =	vor.u32 v2, v36;
	v40 =	vld.idx.msk [tilespmem:v23+s12+$0x0], $0xffff  }
0xd3: {  	v55 =	vor.u32 v2, v32;
	v42 =	vld.idx.msk [tilespmem:v26+s12+$0x0], $0xffff  }
0xd4: {  	v39 =	vor.u32 v1, v38;
	v35 =	vld.idx.msk [tilespmem:v35+s12+$0x0], $0xffff  }
0xd5: {  	v46 =	vor.u32 v4, v38;
	v23 =	vld.idx.msk [tilespmem:v37+s12+$0x0], $0xffff  }
0xd6: {  	v56 =	vor.u32 v3, v38;
	v44 =	vld.idx.msk [tilespmem:v25+s12+$0x0], $0xffff  }
0xd7: {  	v48 =	vor.u32 v2, v38;
	v25 =	vld.idx.msk [tilespmem:v41+s12+$0x0], $0xffff  }
0xd8: {  	v24 =	vshll.u32 v24, $0x7;
	v26 =	vor.u32 v3, v28;
	v37 =	vld.idx.msk [tilespmem:v55+s12+$0x0], $0xffff  }
0xd9: {  	v49 =	vor.u32 v0, v24;
	v45 =	vor.u32 v3, v36;
	v39 =	vld.idx.msk [tilespmem:v39+s12+$0x0], $0xffff  }
0xda: {  	v50 =	vor.u32 v5, v24;
	v46 =	vld.idx.msk [tilespmem:v46+s12+$0x0], $0xffff  }
0xdb: {  	v57 =	vor.u32 v6, v24;
	v41 =	vld.idx.msk [tilespmem:v56+s12+$0x0], $0xffff  }
0xdc: {  	v24 =	vor.u32 v7, v24;
	v28 =	vshll.u32 v28, $0x7;
	v48 =	vld.idx.msk [tilespmem:v48+s12+$0x0], $0xffff  }
0xdd: {  	v51 =	vor.u32 v0, v28;
	v47 =	vld.idx.msk [tilespmem:v26+s12+$0x0], $0xffff  }
0xde: {  	v52 =	vor.u32 v5, v28;
	v26 =	vld.idx.msk [tilespmem:v45+s12+$0x0], $0xffff;
	[tilespmem:v49+s16+$0x0] =	vst.idx.msk $0xffff, v33  }
0xdf: {  	v58 =	vor.u32 v6, v28;
	[tilespmem:v50+s16+$0x0] =	vst.idx.msk $0xffff, v34  }
0xe0: {  	v59 =	vshll.u32 v38, $0x7;
	v28 =	vor.u32 v7, v28;
	[tilespmem:v57+s16+$0x0] =	vst.idx.msk $0xffff, v27  }
0xe1: {  	v27 =	vor.u32 v0, v59;
	[tilespmem:v24+s16+$0x0] =	vst.idx.msk $0xffff, v29  }
0xe2: {  	v24 =	vor.u32 v5, v59;
	[tilespmem:v51+s16+$0x0] =	vst.idx.msk $0xffff, v30  }
0xe3: {  	v29 =	vor.u32 v6, v59;
	[tilespmem:v52+s16+$0x0] =	vst.idx.msk $0xffff, v43  }
0xe4: {  	v60 =	vor.u32 v7, v59;
	v30 =	vshll.u32 v32, $0x7;
	[tilespmem:v58+s16+$0x0] =	vst.idx.msk $0xffff, v47  }
0xe5: {  	v61 =	vor.u32 v0, v30;
	[tilespmem:v28+s16+$0x0] =	vst.idx.msk $0xffff, v31  }
0xe6: {  	v28 =	vor.u32 v5, v30;
	[tilespmem:v27+s16+$0x0] =	vst.idx.msk $0xffff, v39  }
0xe7: {  	v27 =	vor.u32 v6, v30;
	[tilespmem:v24+s16+$0x0] =	vst.idx.msk $0xffff, v48  }
0xe8: {  	v30 =	vor.u32 v7, v30;
	v24 =	vshll.u32 v36, $0x7;
	[tilespmem:v29+s16+$0x0] =	vst.idx.msk $0xffff, v41  }
0xe9: {  	v62 =	vor.u32 v0, v24;
	[tilespmem:v60+s16+$0x0] =	vst.idx.msk $0xffff, v46  }
0xea: {  	v31 =	vor.u32 v5, v24;
	[tilespmem:v61+s16+$0x0] =	vst.idx.msk $0xffff, v42  }
0xeb: {  	[tilespmem:v28+s16+$0x0] =	vst.idx.msk $0xffff, v37;
	v28 =	vor.u32 v6, v24  }
0xec: {  	v63 =	vshll.u32 v22, $0x7;
	v29 =	vor.u32 v7, v24;
	[tilespmem:v27+s16+$0x0] =	vst.idx.msk $0xffff, v40  }
0xed: {  	v18 =	vshll.u32 v18, $0x7;
	v22 =	vor.u32 v7, v63;
	v27 =	vor.u32 v0, v63;
	[tilespmem:v30+s16+$0x0] =	vst.idx.msk $0xffff, v35  }
0xee: {  	v21 =	vshll.u32 v21, $0x7;
	s25 =	simm.s32 $0xF;
	v24 =	vor.u32 v6, v63;
	v30 =	vor.u32 v5, v63;
	[tilespmem:v62+s16+$0x0] =	vst.idx.msk $0xffff, v44  }
.LBB2_8:
0xef: {  	v32 =	vadd.s32 s25, v0;
	p1 =	sne.s32 s25, $0x7F;
	[tilespmem:v31+s16+$0x0] =	vst.idx.msk $0xffff, v25;
	s26 =	smov.u32 s25;
	s25 =	sadd.s32 $0x8, s25  }
0xf0: {  	v25 =	vand.u32 $0x7F, v32;
	[tilespmem:v28+s16+$0x0] =	vst.idx.msk $0xffff, v26;
	v26 =	vor.u32 v0, v21  }
0xf1: {  	v28 =	vshll.u32 v25, $0x7;
	[tilespmem:v29+s16+$0x0] =	vst.idx.msk $0xffff, v23;
	v23 =	vor.u32 v5, v21  }
0xf2: {  	[tilespmem:v27+s16+$0x0] =	vst.idx.msk $0xffff, v20;
	v20 =	vor.u32 v6, v21  }
0xf3: {  	[tilespmem:v30+s16+$0x0] =	vst.idx.msk $0xffff, v19;
	v19 =	vor.u32 v7, v21  }
0xf4: {  	[tilespmem:v24+s16+$0x0] =	vst.idx.msk $0xffff, v17;
	v17 =	vor.u32 v0, v18  }
0xf5: {  	[tilespmem:v22+s16+$0x0] =	vst.idx.msk $0xffff, v16;
	v16 =	vor.u32 v5, v18  }
0xf6: {  	[tilespmem:v26+s16+$0x0] =	vst.idx.msk $0xffff, v15;
	v15 =	vor.u32 v6, v18  }
0xf7: {  	[tilespmem:v23+s16+$0x0] =	vst.idx.msk $0xffff, v14;
	v14 =	vor.u32 v7, v18;
	v18 =	vmov v28  }
0xf8: {  	[tilespmem:v20+s16+$0x0] =	vst.idx.msk $0xffff, v13  }
0xf9: {  	v13 =	vor.u32 v4, v25;
	[tilespmem:v19+s16+$0x0] =	vst.idx.msk $0xffff, v12  }
0xfa: {  	s28 =	sadd.s32 $0xFFFFFFFF, s26;
	v12 =	vor.u32 v3, v25;
	[tilespmem:v17+s16+$0x0] =	vst.idx.msk $0xffff, v11  }
0xfb: {  	v11 =	vadd.s32 s28, v0;
	v17 =	vor.u32 v2, v25;
	[tilespmem:v16+s16+$0x0] =	vst.idx.msk $0xffff, v10  }
0xfc: {  	v10 =	vand.u32 $0x7F, v11;
	v11 =	vor.u32 v1, v25;
	[tilespmem:v15+s16+$0x0] =	vst.idx.msk $0xffff, v9  }
0xfd: {  	v15 =	vor.u32 v4, v10;
	v21 =	vshll.u32 v10, $0x7;
	[tilespmem:v14+s16+$0x0] =	vst.idx.msk $0xffff, v8  }
0xfe: {  	s28 =	sadd.s32 $0xFFFFFFFE, s26;
	v14 =	vor.u32 v3, v10;
	v8 =	vld.idx.msk [tilespmem:v13+s12+$0x0], $0xffff  }
0xff: {  	v16 =	vor.u32 v2, v10;
	v13 =	vadd.s32 s28, v0;
	v9 =	vld.idx.msk [tilespmem:v12+s12+$0x0], $0xffff  }
0x100: {  	v20 =	vor.u32 v1, v10;
	v19 =	vand.u32 $0x7F, v13;
	v10 =	vld.idx.msk [tilespmem:v17+s12+$0x0], $0xffff  }
0x101: {  	v17 =	vor.u32 v4, v19;
	v24 =	vshll.u32 v19, $0x7;
	v11 =	vld.idx.msk [tilespmem:v11+s12+$0x0], $0xffff  }
0x102: {  	s28 =	sadd.s32 $0xFFFFFFF9, s26;
	v23 =	vor.u32 v3, v19;
	v22 =	vor.u32 v7, v24;
	v12 =	vld.idx.msk [tilespmem:v15+s12+$0x0], $0xffff  }
0x103: {  	v25 =	vor.u32 v2, v19;
	v15 =	vadd.s32 s28, v0;
	v13 =	vld.idx.msk [tilespmem:v14+s12+$0x0], $0xffff  }
0x104: {  	v27 =	vor.u32 v1, v19;
	v26 =	vand.u32 $0x7F, v15;
	v14 =	vld.idx.msk [tilespmem:v16+s12+$0x0], $0xffff  }
0x105: {  	v28 =	vor.u32 v1, v26;
	v29 =	vor.u32 v2, v26;
	v30 =	vor.u32 v3, v26;
	v15 =	vld.idx.msk [tilespmem:v20+s12+$0x0], $0xffff  }
0x106: {  	s28 =	sadd.s32 $0xFFFFFFFA, s26;
	v31 =	vor.u32 v4, v26;
	v26 =	vshll.u32 v26, $0x7;
	v16 =	vld.idx.msk [tilespmem:v17+s12+$0x0], $0xffff  }
0x107: {  	s29 =	sadd.s32 $0xFFFFFFFC, s26;
	v19 =	vadd.s32 s28, v0;
	s28 =	sadd.s32 $0xFFFFFFFB, s26;
	s26 =	sadd.s32 $0xFFFFFFFD, s26;
	v17 =	vld.idx.msk [tilespmem:v23+s12+$0x0], $0xffff  }
0x108: {  	v32 =	vadd.s32 s28, v0;
	v20 =	vadd.s32 s29, v0;
	v23 =	vand.u32 $0x7F, v19;
	v19 =	vld.idx.msk [tilespmem:v25+s12+$0x0], $0xffff  }
0x109: {  	v34 =	vand.u32 $0x7F, v20;
	v25 =	vor.u32 v1, v23;
	v33 =	vor.u32 v4, v23;
	v20 =	vld.idx.msk [tilespmem:v27+s12+$0x0], $0xffff  }
0x10a: {  	v36 =	vadd.s32 s26, v0;
	v35 =	vor.u32 v4, v34;
	v27 =	vld.idx.msk [tilespmem:v28+s12+$0x0], $0xffff;
	v28 =	vor.u32 v3, v34  }
0x10b: {  	v36 =	vand.u32 $0x7F, v36;
	v38 =	vor.u32 v0, v26;
	v37 =	vor.u32 v1, v34;
	v29 =	vld.idx.msk [tilespmem:v29+s12+$0x0], $0xffff  }
0x10c: {  	v32 =	vand.u32 $0x7F, v32;
	v40 =	vor.u32 v5, v26;
	v39 =	vor.u32 v1, v36;
	v30 =	vld.idx.msk [tilespmem:v30+s12+$0x0], $0xffff  }
0x10d: {  	v43 =	vor.u32 v6, v26;
	v41 =	vor.u32 v3, v36;
	v42 =	vor.u32 v4, v36;
	v31 =	vld.idx.msk [tilespmem:v31+s12+$0x0], $0xffff  }
0x10e: {  	v46 =	vor.u32 v7, v26;
	v45 =	vor.u32 v2, v36;
	v44 =	vld.idx.msk [tilespmem:v25+s12+$0x0], $0xffff;
	v25 =	vor.u32 v1, v32  }
0x10f: {  	v47 =	vor.u32 v2, v32;
	v48 =	vor.u32 v3, v32;
	v49 =	vor.u32 v4, v32;
	v33 =	vld.idx.msk [tilespmem:v33+s12+$0x0], $0xffff  }
0x110: {  	v51 =	vor.u32 v2, v34;
	v26 =	vor.u32 v2, v23;
	v50 =	vor.u32 v3, v23;
	v52 =	vld.idx.msk [tilespmem:v28+s12+$0x0], $0xffff  }
0x111: {  	v34 =	vshll.u32 v34, $0x7;
	v32 =	vshll.u32 v32, $0x7;
	v28 =	vld.idx.msk [tilespmem:v37+s12+$0x0], $0xffff;
	v37 =	vshll.u32 v23, $0x7  }
0x112: {  	v36 =	vshll.u32 v36, $0x7;
	v35 =	vld.idx.msk [tilespmem:v35+s12+$0x0], $0xffff  }
0x113: {  	v23 =	vld.idx.msk [tilespmem:v42+s12+$0x0], $0xffff  }
0x114: {  	v39 =	vld.idx.msk [tilespmem:v39+s12+$0x0], $0xffff  }
0x115: {  	v42 =	vld.idx.msk [tilespmem:v25+s12+$0x0], $0xffff  }
0x116: {  	v25 =	vld.idx.msk [tilespmem:v45+s12+$0x0], $0xffff  }
0x117: {  	v45 =	vld.idx.msk [tilespmem:v50+s12+$0x0], $0xffff  }
0x118: {  	v50 =	vld.idx.msk [tilespmem:v26+s12+$0x0], $0xffff  }
0x119: {  	v51 =	vld.idx.msk [tilespmem:v51+s12+$0x0], $0xffff  }
0x11a: {  	v26 =	vld.idx.msk [tilespmem:v41+s12+$0x0], $0xffff  }
0x11b: {  	v41 =	vld.idx.msk [tilespmem:v49+s12+$0x0], $0xffff  }
0x11c: {  	v49 =	vor.u32 v0, v37;
	v48 =	vld.idx.msk [tilespmem:v48+s12+$0x0], $0xffff  }
0x11d: {  	v53 =	vor.u32 v5, v37;
	v47 =	vld.idx.msk [tilespmem:v47+s12+$0x0], $0xffff  }
0x11e: {  	[tilespmem:v38+s16+$0x0] =	vst.idx.msk $0xffff, v27;
	v27 =	vor.u32 v6, v37  }
0x11f: {  	[tilespmem:v40+s16+$0x0] =	vst.idx.msk $0xffff, v29;
	v29 =	vor.u32 v7, v37  }
0x120: {  	[tilespmem:v43+s16+$0x0] =	vst.idx.msk $0xffff, v30;
	v30 =	vor.u32 v0, v32  }
0x121: {  	[tilespmem:v46+s16+$0x0] =	vst.idx.msk $0xffff, v31;
	v31 =	vor.u32 v5, v32  }
0x122: {  	v37 =	vor.u32 v6, v32;
	[tilespmem:v49+s16+$0x0] =	vst.idx.msk $0xffff, v44  }
0x123: {  	v32 =	vor.u32 v7, v32;
	[tilespmem:v53+s16+$0x0] =	vst.idx.msk $0xffff, v50  }
0x124: {  	[tilespmem:v27+s16+$0x0] =	vst.idx.msk $0xffff, v45;
	v27 =	vor.u32 v0, v34  }
0x125: {  	[tilespmem:v29+s16+$0x0] =	vst.idx.msk $0xffff, v33;
	v29 =	vor.u32 v5, v34  }
0x126: {  	[tilespmem:v30+s16+$0x0] =	vst.idx.msk $0xffff, v42;
	v30 =	vor.u32 v6, v34  }
0x127: {  	v33 =	vor.u32 v7, v34;
	[tilespmem:v31+s16+$0x0] =	vst.idx.msk $0xffff, v47  }
0x128: {  	v34 =	vor.u32 v0, v36;
	[tilespmem:v37+s16+$0x0] =	vst.idx.msk $0xffff, v48  }
0x129: {  	v31 =	vor.u32 v5, v36;
	[tilespmem:v32+s16+$0x0] =	vst.idx.msk $0xffff, v41  }
.Ltmp8:
0x12a: {  	[tilespmem:v27+s16+$0x0] =	vst.idx.msk $0xffff, v28;
	v28 =	vor.u32 v6, v36;
	(pc) =	sbr.rel @p1 .LBB2_8-.Ltmp8, $4  }
0x12b: {  	[tilespmem:v29+s16+$0x0] =	vst.idx.msk $0xffff, v51;
	v29 =	vor.u32 v7, v36  }
0x12c: {  	v27 =	vor.u32 v0, v24;
	[tilespmem:v30+s16+$0x0] =	vst.idx.msk $0xffff, v52  }
0x12d: {  	v30 =	vor.u32 v5, v24;
	[tilespmem:v33+s16+$0x0] =	vst.idx.msk $0xffff, v35  }
0x12e: {  	v24 =	vor.u32 v6, v24;
	[tilespmem:v34+s16+$0x0] =	vst.idx.msk $0xffff, v39  }
0x12f: {  	_ =	sdelay $0x3  }
0x130: {  	[tilespmem:v31+s16+$0x0] =	vst.idx.msk $0xffff, v25  }
0x131: {  	[tilespmem:v28+s16+$0x0] =	vst.idx.msk $0xffff, v26  }
0x132: {  	v56 =	vor.u32 v0, v21;
	[tilespmem:v29+s16+$0x0] =	vst.idx.msk $0xffff, v23  }
0x133: {  	v57 =	vor.u32 v5, v21;
	[tilespmem:v27+s16+$0x0] =	vst.idx.msk $0xffff, v20  }
0x134: {  	v58 =	vor.u32 v6, v21;
	[tilespmem:v30+s16+$0x0] =	vst.idx.msk $0xffff, v19  }
0x135: {  	v59 =	vor.u32 v7, v21;
	[tilespmem:v24+s16+$0x0] =	vst.idx.msk $0xffff, v17  }
0x136: {  	v60 =	vor.u32 v0, v18;
	[tilespmem:v22+s16+$0x0] =	vst.idx.msk $0xffff, v16  }
0x137: {  	v61 =	vor.u32 v5, v18;
	[tilespmem:v56+s16+$0x0] =	vst.idx.msk $0xffff, v15  }
0x138: {  	v62 =	vor.u32 v6, v18;
	[tilespmem:v57+s16+$0x0] =	vst.idx.msk $0xffff, v14  }
0x139: {  	v63 =	vor.u32 v7, v18;
	[tilespmem:v58+s16+$0x0] =	vst.idx.msk $0xffff, v13  }
0x13a: {  	[tilespmem:v59+s16+$0x0] =	vst.idx.msk $0xffff, v12  }
0x13b: {  	s23 =	sadd.s32 $0x3, s23;
	[tilespmem:v60+s16+$0x0] =	vst.idx.msk $0xffff, v11  }
0x13c: {  	s31 =	sshll.u32 s24, $0x10;
	p1 =	sge.u32 s23, s4;
	[tilespmem:v61+s16+$0x0] =	vst.idx.msk $0xffff, v10  }
.Ltmp9:
0x13d: {  	s23 =	sshll.u32 @!p1 s23, $0xC;
	s25 =	simm.s32 @!p1 $0x400;
	[tilespmem:v62+s16+$0x0] =	vst.idx.msk $0xffff, v9;
	(pc) =	sbr.rel .LBB2_10-.Ltmp9, $4  }
0x13e: {  	s26 =	simm.s32 @!p1 $0x7A1400;
	s28 =	simm.s32 @!p1 $0x2000;
	s23 =	sadd.s32 @!p1 s23, s5;
	[tilespmem:v63+s16+$0x0] =	vst.idx.msk $0xffff, v8  }
0x13f: {  	[tilespmem:s28], [sflag:$0x2] =	stream.strided.gather @!p1 [hbm4b:s23+s25], $0x2000, s26, s25, $0x38;
	[tilespmem:$0xE000] =	vst v63  }
0x140: {  	s23 =	sadd.s32 s31, s7  }
0x141: {  	[hbm4b:s23+s2] =	stream.linear.scatter [tilespmem:s16], [sflag:$0x4], $0x4000, $0x38;
	[tilespmem:$0xE000] =	vst v63  }
.LBB2_12:
0x142: {  	s22 =	simm.s32 $0x7  }
0x143: {  	v8 =	vadd.s32 s22, v0  }
0x144: {  	v18 =	vand.u32 $0x3F, v8  }
0x145: {  	[tilespmem:s19], [sflag:$0x5] =	stream.linear.gather [hbm4b:s3+s2], $0x2000, $0x38;
	v8 =	vor.u32 v4, v18;
	[tilespmem:$0xE000] =	vst v63  }
0x146: {  	s24 =	simm.s32 $0x6;
	v9 =	vor.u32 v3, v18  }
0x147: {  	_ =	swait.ge [sflag:s20], $0x2000;
	v10 =	vadd.s32 s24, v0;
	v11 =	vor.u32 v2, v18  }
0x148: {  	[sflag:s20] =	ssyncset.done $0x0;
	v21 =	vand.u32 $0x3F, v10;
	v12 =	vor.u32 v1, v18  }
0x149: {  	[sflag:s20] =	ssyncadd.s32 $0xFFFFE000;
	v13 =	vor.u32 v4, v21  }
0x14a: {  	s25 =	simm.s32 $0x5;
	s26 =	simm.s32 $0x0;
	v14 =	vor.u32 v3, v21;
	v8 =	vld.idx.msk [tilespmem:v8+s19+$0x0], $0xffff  }
0x14b: {  	v20 =	vadd.s32 s26, v0;
	v10 =	vadd.s32 s25, v0;
	v15 =	vor.u32 v2, v21;
	v9 =	vld.idx.msk [tilespmem:v9+s19+$0x0], $0xffff  }
0x14c: {  	v24 =	vand.u32 $0x3F, v20;
	v22 =	vand.u32 $0x3F, v10;
	v16 =	vor.u32 v1, v21;
	v10 =	vld.idx.msk [tilespmem:v11+s19+$0x0], $0xffff  }
0x14d: {  	v25 =	vor.u32 v1, v24;
	v11 =	vld.idx.msk [tilespmem:v12+s19+$0x0], $0xffff  }
0x14e: {  	v26 =	vor.u32 v2, v24;
	v12 =	vld.idx.msk [tilespmem:v13+s19+$0x0], $0xffff  }
0x14f: {  	v27 =	vor.u32 v3, v24;
	v13 =	vld.idx.msk [tilespmem:v14+s19+$0x0], $0xffff  }
0x150: {  	v29 =	vor.u32 v4, v24;
	v14 =	vld.idx.msk [tilespmem:v15+s19+$0x0], $0xffff  }
0x151: {  	s28 =	simm.s32 $0x1;
	v17 =	vor.u32 v4, v22;
	v15 =	vld.idx.msk [tilespmem:v16+s19+$0x0], $0xffff  }
0x152: {  	v28 =	vadd.s32 s28, v0;
	v19 =	vor.u32 v3, v22;
	v33 =	vld.idx.msk [tilespmem:v25+s19+$0x0], $0xffff  }
0x153: {  	v28 =	vand.u32 $0x3F, v28;
	v23 =	vor.u32 v2, v22;
	v34 =	vld.idx.msk [tilespmem:v26+s19+$0x0], $0xffff  }
0x154: {  	v30 =	vor.u32 v1, v28;
	v27 =	vld.idx.msk [tilespmem:v27+s19+$0x0], $0xffff  }
0x155: {  	s30 =	simm.s32 $0x4;
	v31 =	vor.u32 v4, v28;
	v29 =	vld.idx.msk [tilespmem:v29+s19+$0x0], $0xffff  }
0x156: {  	s31 =	simm.s32 $0x2;
	v43 =	vor.u32 v2, v28;
	v25 =	vadd.s32 s30, v0;
	v16 =	vld.idx.msk [tilespmem:v17+s19+$0x0], $0xffff  }
0x157: {  	s29 =	simm.s32 $0x3;
	v20 =	vor.u32 v1, v22;
	v17 =	vld.idx.msk [tilespmem:v19+s19+$0x0], $0xffff;
	v36 =	vand.u32 $0x3F, v25;
	v25 =	vadd.s32 s31, v0  }
0x158: {  	v19 =	vld.idx.msk [tilespmem:v23+s19+$0x0], $0xffff;
	v23 =	vadd.s32 s29, v0;
	v38 =	vand.u32 $0x3F, v25;
	v25 =	vor.u32 v1, v36  }
0x159: {  	v30 =	vld.idx.msk [tilespmem:v30+s19+$0x0], $0xffff;
	v32 =	vand.u32 $0x3F, v23;
	v41 =	vor.u32 v2, v36  }
0x15a: {  	v31 =	vld.idx.msk [tilespmem:v31+s19+$0x0], $0xffff;
	v23 =	vor.u32 v3, v32  }
0x15b: {  	v43 =	vld.idx.msk [tilespmem:v43+s19+$0x0], $0xffff;
	v26 =	vor.u32 v1, v32  }
0x15c: {  	v20 =	vld.idx.msk [tilespmem:v20+s19+$0x0], $0xffff;
	v35 =	vor.u32 v4, v32  }
0x15d: {  	v37 =	vor.u32 v4, v36;
	v44 =	vld.idx.msk [tilespmem:v25+s19+$0x0], $0xffff  }
0x15e: {  	v39 =	vor.u32 v1, v38;
	v25 =	vld.idx.msk [tilespmem:v41+s19+$0x0], $0xffff  }
0x15f: {  	v55 =	vor.u32 v2, v32;
	v40 =	vld.idx.msk [tilespmem:v23+s19+$0x0], $0xffff  }
0x160: {  	v46 =	vor.u32 v4, v38;
	v42 =	vld.idx.msk [tilespmem:v26+s19+$0x0], $0xffff  }
0x161: {  	v56 =	vor.u32 v3, v38;
	v35 =	vld.idx.msk [tilespmem:v35+s19+$0x0], $0xffff  }
0x162: {  	v48 =	vor.u32 v2, v38;
	v23 =	vld.idx.msk [tilespmem:v37+s19+$0x0], $0xffff  }
0x163: {  	v24 =	vshll.u32 v24, $0x7;
	v26 =	vor.u32 v3, v28;
	v39 =	vld.idx.msk [tilespmem:v39+s19+$0x0], $0xffff  }
0x164: {  	v49 =	vor.u32 v0, v24;
	v45 =	vor.u32 v3, v36;
	v37 =	vld.idx.msk [tilespmem:v55+s19+$0x0], $0xffff  }
0x165: {  	v50 =	vor.u32 v5, v24;
	v46 =	vld.idx.msk [tilespmem:v46+s19+$0x0], $0xffff  }
0x166: {  	v57 =	vor.u32 v6, v24;
	v41 =	vld.idx.msk [tilespmem:v56+s19+$0x0], $0xffff  }
0x167: {  	v24 =	vor.u32 v7, v24;
	v28 =	vshll.u32 v28, $0x7;
	v48 =	vld.idx.msk [tilespmem:v48+s19+$0x0], $0xffff  }
0x168: {  	v51 =	vor.u32 v0, v28;
	v47 =	vld.idx.msk [tilespmem:v26+s19+$0x0], $0xffff  }
0x169: {  	v52 =	vor.u32 v5, v28;
	v26 =	vld.idx.msk [tilespmem:v45+s19+$0x0], $0xffff;
	[tilespmem:v49+s14+$0x0] =	vst.idx.msk $0xffff, v33  }
0x16a: {  	v58 =	vor.u32 v6, v28;
	[tilespmem:v50+s14+$0x0] =	vst.idx.msk $0xffff, v34  }
0x16b: {  	v59 =	vshll.u32 v38, $0x7;
	v28 =	vor.u32 v7, v28;
	[tilespmem:v57+s14+$0x0] =	vst.idx.msk $0xffff, v27  }
0x16c: {  	v27 =	vor.u32 v0, v59;
	[tilespmem:v24+s14+$0x0] =	vst.idx.msk $0xffff, v29  }
0x16d: {  	v24 =	vor.u32 v5, v59;
	[tilespmem:v51+s14+$0x0] =	vst.idx.msk $0xffff, v30  }
0x16e: {  	v29 =	vor.u32 v6, v59;
	[tilespmem:v52+s14+$0x0] =	vst.idx.msk $0xffff, v43  }
0x16f: {  	v60 =	vor.u32 v7, v59;
	v30 =	vshll.u32 v32, $0x7;
	[tilespmem:v58+s14+$0x0] =	vst.idx.msk $0xffff, v47  }
0x170: {  	v61 =	vor.u32 v0, v30;
	[tilespmem:v28+s14+$0x0] =	vst.idx.msk $0xffff, v31  }
0x171: {  	v28 =	vor.u32 v5, v30;
	[tilespmem:v27+s14+$0x0] =	vst.idx.msk $0xffff, v39  }
0x172: {  	v27 =	vor.u32 v6, v30;
	[tilespmem:v24+s14+$0x0] =	vst.idx.msk $0xffff, v48  }
0x173: {  	v30 =	vor.u32 v7, v30;
	v24 =	vshll.u32 v36, $0x7;
	[tilespmem:v29+s14+$0x0] =	vst.idx.msk $0xffff, v41  }
0x174: {  	v62 =	vor.u32 v0, v24;
	[tilespmem:v60+s14+$0x0] =	vst.idx.msk $0xffff, v46  }
0x175: {  	v31 =	vor.u32 v5, v24;
	[tilespmem:v61+s14+$0x0] =	vst.idx.msk $0xffff, v42  }
0x176: {  	[tilespmem:v28+s14+$0x0] =	vst.idx.msk $0xffff, v37;
	v28 =	vor.u32 v6, v24  }
0x177: {  	v63 =	vshll.u32 v22, $0x7;
	v29 =	vor.u32 v7, v24;
	[tilespmem:v27+s14+$0x0] =	vst.idx.msk $0xffff, v40  }
0x178: {  	v18 =	vshll.u32 v18, $0x7;
	v22 =	vor.u32 v7, v63;
	v27 =	vor.u32 v0, v63;
	[tilespmem:v30+s14+$0x0] =	vst.idx.msk $0xffff, v35  }
0x179: {  	s22 =	simm.s32 $0xF;
	v21 =	vshll.u32 v21, $0x7;
	v24 =	vor.u32 v6, v63;
	v30 =	vor.u32 v5, v63;
	[tilespmem:v62+s14+$0x0] =	vst.idx.msk $0xffff, v44  }
.LBB2_13:
0x17a: {  	v32 =	vadd.s32 s22, v0;
	p1 =	sne.s32 s22, $0x3F;
	[tilespmem:v31+s14+$0x0] =	vst.idx.msk $0xffff, v25;
	s23 =	smov.u32 s22;
	s22 =	sadd.s32 $0x8, s22  }
0x17b: {  	v25 =	vand.u32 $0x3F, v32;
	[tilespmem:v28+s14+$0x0] =	vst.idx.msk $0xffff, v26;
	v26 =	vor.u32 v0, v21  }
0x17c: {  	v28 =	vshll.u32 v25, $0x7;
	[tilespmem:v29+s14+$0x0] =	vst.idx.msk $0xffff, v23;
	v23 =	vor.u32 v5, v21  }
0x17d: {  	[tilespmem:v27+s14+$0x0] =	vst.idx.msk $0xffff, v20;
	v20 =	vor.u32 v6, v21  }
0x17e: {  	[tilespmem:v30+s14+$0x0] =	vst.idx.msk $0xffff, v19;
	v19 =	vor.u32 v7, v21  }
0x17f: {  	[tilespmem:v24+s14+$0x0] =	vst.idx.msk $0xffff, v17;
	v17 =	vor.u32 v0, v18  }
0x180: {  	[tilespmem:v22+s14+$0x0] =	vst.idx.msk $0xffff, v16;
	v16 =	vor.u32 v5, v18  }
0x181: {  	[tilespmem:v26+s14+$0x0] =	vst.idx.msk $0xffff, v15;
	v15 =	vor.u32 v6, v18  }
0x182: {  	[tilespmem:v23+s14+$0x0] =	vst.idx.msk $0xffff, v14;
	v14 =	vor.u32 v7, v18;
	v18 =	vmov v28  }
0x183: {  	[tilespmem:v20+s14+$0x0] =	vst.idx.msk $0xffff, v13  }
0x184: {  	v13 =	vor.u32 v4, v25;
	[tilespmem:v19+s14+$0x0] =	vst.idx.msk $0xffff, v12  }
0x185: {  	s24 =	sadd.s32 $0xFFFFFFFF, s23;
	v12 =	vor.u32 v3, v25;
	[tilespmem:v17+s14+$0x0] =	vst.idx.msk $0xffff, v11  }
0x186: {  	v11 =	vadd.s32 s24, v0;
	v17 =	vor.u32 v2, v25;
	[tilespmem:v16+s14+$0x0] =	vst.idx.msk $0xffff, v10  }
0x187: {  	v10 =	vand.u32 $0x3F, v11;
	v11 =	vor.u32 v1, v25;
	[tilespmem:v15+s14+$0x0] =	vst.idx.msk $0xffff, v9  }
0x188: {  	v15 =	vor.u32 v4, v10;
	v21 =	vshll.u32 v10, $0x7;
	[tilespmem:v14+s14+$0x0] =	vst.idx.msk $0xffff, v8  }
0x189: {  	s24 =	sadd.s32 $0xFFFFFFFE, s23;
	v14 =	vor.u32 v3, v10;
	v8 =	vld.idx.msk [tilespmem:v13+s19+$0x0], $0xffff  }
0x18a: {  	v16 =	vor.u32 v2, v10;
	v13 =	vadd.s32 s24, v0;
	v9 =	vld.idx.msk [tilespmem:v12+s19+$0x0], $0xffff  }
0x18b: {  	v20 =	vor.u32 v1, v10;
	v19 =	vand.u32 $0x3F, v13;
	v10 =	vld.idx.msk [tilespmem:v17+s19+$0x0], $0xffff  }
0x18c: {  	v17 =	vor.u32 v4, v19;
	v24 =	vshll.u32 v19, $0x7;
	v11 =	vld.idx.msk [tilespmem:v11+s19+$0x0], $0xffff  }
0x18d: {  	s24 =	sadd.s32 $0xFFFFFFF9, s23;
	v23 =	vor.u32 v3, v19;
	v22 =	vor.u32 v7, v24;
	v12 =	vld.idx.msk [tilespmem:v15+s19+$0x0], $0xffff  }
0x18e: {  	v25 =	vor.u32 v2, v19;
	v15 =	vadd.s32 s24, v0;
	v13 =	vld.idx.msk [tilespmem:v14+s19+$0x0], $0xffff  }
0x18f: {  	v27 =	vor.u32 v1, v19;
	v26 =	vand.u32 $0x3F, v15;
	v14 =	vld.idx.msk [tilespmem:v16+s19+$0x0], $0xffff  }
0x190: {  	v28 =	vor.u32 v1, v26;
	v29 =	vor.u32 v2, v26;
	v30 =	vor.u32 v3, v26;
	v15 =	vld.idx.msk [tilespmem:v20+s19+$0x0], $0xffff  }
0x191: {  	s24 =	sadd.s32 $0xFFFFFFFA, s23;
	v31 =	vor.u32 v4, v26;
	v26 =	vshll.u32 v26, $0x7;
	v16 =	vld.idx.msk [tilespmem:v17+s19+$0x0], $0xffff  }
0x192: {  	s25 =	sadd.s32 $0xFFFFFFFC, s23;
	v19 =	vadd.s32 s24, v0;
	s24 =	sadd.s32 $0xFFFFFFFB, s23;
	s23 =	sadd.s32 $0xFFFFFFFD, s23;
	v17 =	vld.idx.msk [tilespmem:v23+s19+$0x0], $0xffff  }
0x193: {  	v32 =	vadd.s32 s24, v0;
	v20 =	vadd.s32 s25, v0;
	v23 =	vand.u32 $0x3F, v19;
	v19 =	vld.idx.msk [tilespmem:v25+s19+$0x0], $0xffff  }
0x194: {  	v34 =	vand.u32 $0x3F, v20;
	v25 =	vor.u32 v1, v23;
	v33 =	vor.u32 v4, v23;
	v20 =	vld.idx.msk [tilespmem:v27+s19+$0x0], $0xffff  }
0x195: {  	v36 =	vadd.s32 s23, v0;
	v35 =	vor.u32 v4, v34;
	v27 =	vld.idx.msk [tilespmem:v28+s19+$0x0], $0xffff;
	v28 =	vor.u32 v3, v34  }
0x196: {  	v36 =	vand.u32 $0x3F, v36;
	v38 =	vor.u32 v0, v26;
	v37 =	vor.u32 v1, v34;
	v29 =	vld.idx.msk [tilespmem:v29+s19+$0x0], $0xffff  }
0x197: {  	v32 =	vand.u32 $0x3F, v32;
	v40 =	vor.u32 v5, v26;
	v39 =	vor.u32 v1, v36;
	v30 =	vld.idx.msk [tilespmem:v30+s19+$0x0], $0xffff  }
0x198: {  	v43 =	vor.u32 v6, v26;
	v41 =	vor.u32 v3, v36;
	v42 =	vor.u32 v4, v36;
	v31 =	vld.idx.msk [tilespmem:v31+s19+$0x0], $0xffff  }
0x199: {  	v46 =	vor.u32 v7, v26;
	v45 =	vor.u32 v2, v36;
	v44 =	vld.idx.msk [tilespmem:v25+s19+$0x0], $0xffff;
	v25 =	vor.u32 v1, v32  }
0x19a: {  	v47 =	vor.u32 v2, v32;
	v48 =	vor.u32 v3, v32;
	v49 =	vor.u32 v4, v32;
	v33 =	vld.idx.msk [tilespmem:v33+s19+$0x0], $0xffff  }
0x19b: {  	v51 =	vor.u32 v2, v34;
	v26 =	vor.u32 v2, v23;
	v50 =	vor.u32 v3, v23;
	v52 =	vld.idx.msk [tilespmem:v28+s19+$0x0], $0xffff  }
0x19c: {  	v34 =	vshll.u32 v34, $0x7;
	v32 =	vshll.u32 v32, $0x7;
	v28 =	vld.idx.msk [tilespmem:v37+s19+$0x0], $0xffff;
	v37 =	vshll.u32 v23, $0x7  }
0x19d: {  	v36 =	vshll.u32 v36, $0x7;
	v35 =	vld.idx.msk [tilespmem:v35+s19+$0x0], $0xffff  }
0x19e: {  	v23 =	vld.idx.msk [tilespmem:v42+s19+$0x0], $0xffff  }
0x19f: {  	v39 =	vld.idx.msk [tilespmem:v39+s19+$0x0], $0xffff  }
0x1a0: {  	v42 =	vld.idx.msk [tilespmem:v25+s19+$0x0], $0xffff  }
0x1a1: {  	v25 =	vld.idx.msk [tilespmem:v45+s19+$0x0], $0xffff  }
0x1a2: {  	v45 =	vld.idx.msk [tilespmem:v50+s19+$0x0], $0xffff  }
0x1a3: {  	v50 =	vld.idx.msk [tilespmem:v26+s19+$0x0], $0xffff  }
0x1a4: {  	v51 =	vld.idx.msk [tilespmem:v51+s19+$0x0], $0xffff  }
0x1a5: {  	v26 =	vld.idx.msk [tilespmem:v41+s19+$0x0], $0xffff  }
0x1a6: {  	v41 =	vld.idx.msk [tilespmem:v49+s19+$0x0], $0xffff  }
0x1a7: {  	v49 =	vor.u32 v0, v37;
	v48 =	vld.idx.msk [tilespmem:v48+s19+$0x0], $0xffff  }
0x1a8: {  	v53 =	vor.u32 v5, v37;
	v47 =	vld.idx.msk [tilespmem:v47+s19+$0x0], $0xffff  }
0x1a9: {  	[tilespmem:v38+s14+$0x0] =	vst.idx.msk $0xffff, v27;
	v27 =	vor.u32 v6, v37  }
0x1aa: {  	[tilespmem:v40+s14+$0x0] =	vst.idx.msk $0xffff, v29;
	v29 =	vor.u32 v7, v37  }
0x1ab: {  	[tilespmem:v43+s14+$0x0] =	vst.idx.msk $0xffff, v30;
	v30 =	vor.u32 v0, v32  }
0x1ac: {  	[tilespmem:v46+s14+$0x0] =	vst.idx.msk $0xffff, v31;
	v31 =	vor.u32 v5, v32  }
0x1ad: {  	v37 =	vor.u32 v6, v32;
	[tilespmem:v49+s14+$0x0] =	vst.idx.msk $0xffff, v44  }
0x1ae: {  	v32 =	vor.u32 v7, v32;
	[tilespmem:v53+s14+$0x0] =	vst.idx.msk $0xffff, v50  }
0x1af: {  	[tilespmem:v27+s14+$0x0] =	vst.idx.msk $0xffff, v45;
	v27 =	vor.u32 v0, v34  }
0x1b0: {  	[tilespmem:v29+s14+$0x0] =	vst.idx.msk $0xffff, v33;
	v29 =	vor.u32 v5, v34  }
0x1b1: {  	[tilespmem:v30+s14+$0x0] =	vst.idx.msk $0xffff, v42;
	v30 =	vor.u32 v6, v34  }
0x1b2: {  	v33 =	vor.u32 v7, v34;
	[tilespmem:v31+s14+$0x0] =	vst.idx.msk $0xffff, v47  }
0x1b3: {  	v34 =	vor.u32 v0, v36;
	[tilespmem:v37+s14+$0x0] =	vst.idx.msk $0xffff, v48  }
0x1b4: {  	v31 =	vor.u32 v5, v36;
	[tilespmem:v32+s14+$0x0] =	vst.idx.msk $0xffff, v41  }
.Ltmp10:
0x1b5: {  	[tilespmem:v27+s14+$0x0] =	vst.idx.msk $0xffff, v28;
	v28 =	vor.u32 v6, v36;
	(pc) =	sbr.rel @p1 .LBB2_13-.Ltmp10, $4  }
0x1b6: {  	[tilespmem:v29+s14+$0x0] =	vst.idx.msk $0xffff, v51;
	v29 =	vor.u32 v7, v36  }
0x1b7: {  	v27 =	vor.u32 v0, v24;
	[tilespmem:v30+s14+$0x0] =	vst.idx.msk $0xffff, v52  }
0x1b8: {  	v30 =	vor.u32 v5, v24;
	[tilespmem:v33+s14+$0x0] =	vst.idx.msk $0xffff, v35  }
0x1b9: {  	v24 =	vor.u32 v6, v24;
	[tilespmem:v34+s14+$0x0] =	vst.idx.msk $0xffff, v39  }
0x1ba: {  	_ =	sdelay $0x3  }
0x1bb: {  	[tilespmem:v31+s14+$0x0] =	vst.idx.msk $0xffff, v25  }
0x1bc: {  	[tilespmem:v28+s14+$0x0] =	vst.idx.msk $0xffff, v26  }
0x1bd: {  	v56 =	vor.u32 v0, v21;
	[tilespmem:v29+s14+$0x0] =	vst.idx.msk $0xffff, v23  }
0x1be: {  	v57 =	vor.u32 v5, v21;
	[tilespmem:v27+s14+$0x0] =	vst.idx.msk $0xffff, v20  }
0x1bf: {  	v58 =	vor.u32 v6, v21;
	[tilespmem:v30+s14+$0x0] =	vst.idx.msk $0xffff, v19  }
0x1c0: {  	v59 =	vor.u32 v7, v21;
	[tilespmem:v24+s14+$0x0] =	vst.idx.msk $0xffff, v17  }
0x1c1: {  	v60 =	vor.u32 v0, v18;
	[tilespmem:v22+s14+$0x0] =	vst.idx.msk $0xffff, v16  }
0x1c2: {  	v61 =	vor.u32 v5, v18;
	[tilespmem:v56+s14+$0x0] =	vst.idx.msk $0xffff, v15  }
0x1c3: {  	v62 =	vor.u32 v6, v18;
	[tilespmem:v57+s14+$0x0] =	vst.idx.msk $0xffff, v14  }
0x1c4: {  	v63 =	vor.u32 v7, v18;
	[tilespmem:v58+s14+$0x0] =	vst.idx.msk $0xffff, v13  }
0x1c5: {  	[tilespmem:v59+s14+$0x0] =	vst.idx.msk $0xffff, v12  }
0x1c6: {  	[tilespmem:v60+s14+$0x0] =	vst.idx.msk $0xffff, v11  }
0x1c7: {  	[tilespmem:v61+s14+$0x0] =	vst.idx.msk $0xffff, v10  }
0x1c8: {  	[tilespmem:v62+s14+$0x0] =	vst.idx.msk $0xffff, v9  }
.Ltmp11:
0x1c9: {  	[tilespmem:v63+s14+$0x0] =	vst.idx.msk $0xffff, v8;
	(pc) =	sbr.rel .LBB2_15-.Ltmp11, $4  }
0x1ca: {  	[hbm4b:s8+s2] =	stream.linear.scatter [tilespmem:s14], [sflag:$0x5], $0x2000, $0x38;
	[tilespmem:$0xE000] =	vst v63  }
0x1cb: {  	_ =	swait.ge [sflag:s20], $0x2000  }
0x1cc: {  	[sflag:s20] =	ssyncset.done $0x0  }
0x1cd: {  	[sflag:s20] =	ssyncadd.s32 $0xFFFFE000  }
.LBB2_16:
0x1ce: {  	_ =	sfence.sel $0x180000  }
0x1cf: {  	[bflag:$0x0] =	sbarrier.arrive $0xFFFF  }
0x1d0: {  	p0 =	sne.s32 s1, $0x0;
	_ =	strace $0x90000047  }
0x1d1: {  	s0 =	sadd.s32 @!p0 $0x100000, s0;
	[bflag:$0x2] =	sbarrier.arrive $0xFFFF  }
0x1d2: {  	[sflag:s0] =	ssyncadd.tile.s32 @!p0 $0x1;
	_ =	shalt  }
.Lfunc_end2:
_tile_overlayer_lowered:
.L_overlay_start_2:
0x1d3: {  	(tag) =	ssettag $0x2  }
0x1d4: {  	s0 =	rddreg [dreg:$0x0];
	s2 =	stileid.u32  }
0x1d5: {  	s1 =	rddreg [dreg:$0x1];
	p0 =	sne.s32 s2, $0x0  }
0x1d6: {  	s3 =	rddreg [dreg:$0x2];
	[bflag:$0x3] =	sbarrier.arrive $0xFFFF;
	s2 =	simm.s32 @!p0 $0x1C05  }
0x1d7: {  	[timem:s3], [sflag:s2] =	dma.local @!p0 [hbm:s0], s1  }
0x1d8: {  	s0 =	simm.s32 @!p0 $0x5  }
0x1d9: {  	_ =	swait.ge @!p0 [sflag:s0], s1  }
0x1da: {  	s1 =	ssub.s32 @!p0 $0x0, s1;
	[sflag:s0] =	ssyncset.done @!p0 $0x0  }
0x1db: {  	[sflag:s0] =	ssyncadd.s32 @!p0 s1  }
0x1dc: {  	[bflag:$0x3] =	sbarrier.arrive $0xFFFF  }
0x1dd: {  	_ =	shalt  }

// kernel: kernel.7.cloned.1.call-start
scs
__scs_entry_jumppad:
0x0: {  	(pc) =	sbr.rel $0x88, $3  }
0x1: {  	(tag) =	ssettag $0x0;
	lr =	simm.s32 $0x1  }
0x2: {  	[smem:$0x3F9F] =	sst lr;
	_ =	strace $0xD0000000  }
0x3: {  	_ = 	snop  }
0x4: {  	_ = 	snop  }
0x5: {  	_ = 	snop  }
0x6: {  	_ = 	snop  }
0x7: {  	_ = 	snop  }
__scs_overlays_trampoline_lowered:
0x8: {  	[smem:$0x3FAE] =	sst s0  }
0x9: {  	[smem:$0x3FAF] =	sst s1  }
0xa: {  	[smem:$0x3FB0] =	sst s2  }
0xb: {  	[smem:$0x3FB1] =	sst s3  }
0xc: {  	[smem:$0x3FB2] =	sst s4  }
0xd: {  	[smem:$0x3FB3] =	sst s5  }
0xe: {  	[smem:$0x3FB4] =	sst s6  }
0xf: {  	[smem:$0x3FB5] =	sst s7  }
0x10: {  	[smem:$0x3FB6] =	sst s8  }
0x11: {  	[smem:$0x3FB7] =	sst s9;
	s0 =	simm.s32 @!p0 $0x0  }
0x12: {  	s1 =	sld [smem:$0x3F9D];
	s0 =	simm.s32 @p0 $0x1  }
0x13: {  	[smem:$0x3FB8] =	sst s0;
	s0 =	simm.s32 @!p1 $0x0  }
0x14: {  	s2 =	sld [smem:$0x3F9C];
	s0 =	simm.s32 @p1 $0x1  }
0x15: {  	[smem:$0x3FB9] =	sst s0;
	s0 =	simm.s32 @!p2 $0x0  }
0x16: {  	s3 =	sld [smem:$0x3FDB];
	s0 =	simm.s32 @p2 $0x1  }
0x17: {  	s4 =	simm.s32 $0x1BF5;
	[smem:$0x3FBB] =	sst s0  }
0x18: {  	s0 =	sld [smem:$0x3F9E];
	_ =	swait.ge [sflag:s4], $0x0  }
0x19: {  	s7 =	sld [smem:$0x3F9F]  }
0x1a: {  	s8 =	sadd.s32 $0xFFFFE003, lr  }
0x1b: {  	s9 =	sadd.s32 $0xFFFFFEF7, lr;
	s5 =	simm.s32 $0xFFFFFFFF;
	p2 =	slt.u32 s8, $0xFFFFF086  }
0x1c: {  	p1 =	slt.u32 s9, $0xF7A;
	s5 =	simm.s32 @!p2 $0x0  }
0x1d: {  	s5 =	simm.s32 @p1 $0x1;
	p0 =	seq.s32 s7, s2  }
0x1e: {  	s7 =	smul.u32 @!p0 $0xF7A, s2;
	p2 =	seq.s32 @!p0 s5, $0x0  }
0x1f: {  	s9 =	smul.u32 $0xF7A, s1;
	s8 =	simm.s32 @!p0 $0x1BF5;
	p2 =	por !p2, p0  }
0x20: {  	[sflag:s8] =	ssyncset.s32 @!p0 $0xFFFFF086;
	s6 =	sadd.s32 @!p0 s3, s7;
	s7 =	simm.s32 @!p0 $0x108  }
0x21: {  	s3 =	sadd.s32 s3, s9;
	s6 =	sadd.s32 @!p0 $0x88, s6;
	s7 =	simm.s32 @p2 $0x1082  }
0x22: {  	[simem:s7], [sflag:s8] =	dma.local @!p0 [hbm:s6], $0xF7A  }
0x23: {  	s9 =	sor.u32 $0xD0000000, s2;
	s6 =	simm.s32 $0x108;
	_ =	swait.ge @!p0 [sflag:s8], $0x0  }
0x24: {  	s3 =	sadd.s32 $0x88, s3;
	s6 =	simm.s32 @!p1 $0x1082;
	[sflag:s4] =	ssyncset.s32 $0xFFFFF086  }
0x25: {  	[simem:s6], [sflag:s4] =	dma.local [hbm:s3], $0xF7A  }
0x26: {  	[smem:$0x3F9F] =	sst s1;
	(tag) =	ssettag s2;
	_ =	strace s9  }
0x27: {  	s1 =	sld [smem:$0x3FAF]  }
0x28: {  	s2 =	sld [smem:$0x3FB0]  }
0x29: {  	s4 =	sld [smem:$0x3FB2]  }
0x2a: {  	p0 =	seq.s32 s5, $0x0;
	s5 =	sld [smem:$0x3FB3]  }
0x2b: {  	s6 =	sld [smem:$0x3FB4]  }
0x2c: {  	s7 =	sld [smem:$0x3FB5]  }
0x2d: {  	s3 =	simm.s32 $0x108;
	s8 =	sld [smem:$0x3FB6]  }
0x2e: {  	s3 =	simm.s32 @!p0 $0x1082;
	s9 =	sld [smem:$0x3FB7]  }
0x2f: {  	lr =	sadd.s32 s0, s3;
	s0 =	sld [smem:$0x3FAE]  }
0x30: {  	s3 =	sld [smem:$0x3FB1]  }
0x31: {  	[smem:$0x3FBA] =	sst s10  }
0x32: {  	s10 =	sld [smem:$0x3FB8];
	_ =	sdelay $0x3  }
0x33: {  	p0 =	seq.s32 s10, $0x1;
	s10 =	sld [smem:$0x3FBA];
	_ =	sdelay $0x3  }
0x34: {  	[smem:$0x3FBA] =	sst s10  }
0x35: {  	s10 =	sld [smem:$0x3FB9];
	_ =	sdelay $0x3  }
0x36: {  	p1 =	seq.s32 s10, $0x1;
	s10 =	sld [smem:$0x3FBA];
	_ =	sdelay $0x3  }
0x37: {  	[smem:$0x3FBA] =	sst s10  }
0x38: {  	s10 =	sld [smem:$0x3FBB]  }
0x39: {  	_ = 	snop;
	(pc) =	sbr.ind lr, $3  }
0x3a: {  	_ = 	snop  }
0x3b: {  	_ = 	snop  }
0x3c: {  	p2 =	seq.s32 s10, $0x1;
	s10 =	sld [smem:$0x3FBA]  }
0x3d: {  	_ =	shalt  }
0x3e: {  	_ =	shalt  }
0x3f: {  	_ =	shalt  }
0x40: {  	_ =	shalt  }
0x41: {  	_ =	shalt  }
0x42: {  	_ =	shalt  }
0x43: {  	_ =	shalt  }
0x44: {  	_ =	shalt  }
0x45: {  	_ =	shalt  }
0x46: {  	_ =	shalt  }
0x47: {  	_ =	shalt  }
0x48: {  	_ =	shalt  }
0x49: {  	_ =	shalt  }
0x4a: {  	_ =	shalt  }
0x4b: {  	_ =	shalt  }
0x4c: {  	_ =	shalt  }
0x4d: {  	_ =	shalt  }
0x4e: {  	_ =	shalt  }
0x4f: {  	_ =	shalt  }
0x50: {  	_ =	shalt  }
0x51: {  	_ =	shalt  }
0x52: {  	_ =	shalt  }
0x53: {  	_ =	shalt  }
0x54: {  	_ =	shalt  }
0x55: {  	_ =	shalt  }
0x56: {  	_ =	shalt  }
0x57: {  	_ =	shalt  }
0x58: {  	_ =	shalt  }
0x59: {  	_ =	shalt  }
0x5a: {  	_ =	shalt  }
0x5b: {  	_ =	shalt  }
0x5c: {  	_ =	shalt  }
0x5d: {  	_ =	shalt  }
0x5e: {  	_ =	shalt  }
0x5f: {  	_ =	shalt  }
0x60: {  	_ =	shalt  }
0x61: {  	_ =	shalt  }
0x62: {  	_ =	shalt  }
0x63: {  	_ =	shalt  }
0x64: {  	_ =	shalt  }
0x65: {  	_ =	shalt  }
0x66: {  	_ =	shalt  }
0x67: {  	_ =	shalt  }
0x68: {  	_ =	shalt  }
0x69: {  	_ =	shalt  }
0x6a: {  	_ =	shalt  }
0x6b: {  	_ =	shalt  }
0x6c: {  	_ =	shalt  }
0x6d: {  	_ =	shalt  }
0x6e: {  	_ =	shalt  }
0x6f: {  	_ =	shalt  }
0x70: {  	_ =	shalt  }
0x71: {  	_ =	shalt  }
0x72: {  	_ =	shalt  }
0x73: {  	_ =	shalt  }
0x74: {  	_ =	shalt  }
0x75: {  	_ =	shalt  }
0x76: {  	_ =	shalt  }
0x77: {  	_ =	shalt  }
0x78: {  	_ =	shalt  }
0x79: {  	_ =	shalt  }
0x7a: {  	_ =	shalt  }
0x7b: {  	_ =	shalt  }
0x7c: {  	_ =	shalt  }
0x7d: {  	_ =	shalt  }
0x7e: {  	_ =	shalt  }
0x7f: {  	_ =	shalt  }
0x80: {  	_ =	shalt  }
0x81: {  	_ =	shalt  }
0x82: {  	_ =	shalt  }
0x83: {  	_ =	shalt  }
0x84: {  	_ =	shalt  }
0x85: {  	_ =	shalt  }
0x86: {  	_ =	shalt  }
0x87: {  	_ =	shalt  }
.Lfunc_end0:
.L_simem_size_0:
called_computation.2_lowered:
.L_overlay_start_0:
0x88: {  	s2 =	sld [smem:$0x3FD9]  }
0x89: {  	s3 =	sld [smem:$0x3FFE];
	_ =	sdelay $0x1  }
0x8a: {  	s1 =	srdreg.scid  }
0x8b: {  	s0 =	sand.u32 $0x1, s1  }
0x8c: {  	s17 =	sshll.u32 s0, $0xA;
	s2 =	sadd.s32 s3, s2  }
0x8d: {  	s2 =	sadd.s32 s2, s17  }
0x8e: {  	[smem:$0x3FC6] =	sst s2  }
0x8f: {  	_ = 	snop  }
0x90: {  	s2 =	sld [smem:$0x3FD0];
	(tm) =	ssettm $0x1  }
0x91: {  	s18 =	sld [smem:$0x3FFB];
	_ =	sdelay $0x3  }
0x92: {  	_ =	strace s18  }
0x93: {  	s3 =	sld [smem:$0x3FFC];
	_ =	sdelay $0x3  }
0x94: {  	_ =	strace s3  }
0x95: {  	s3 =	sld [smem:$0x3FFD];
	_ =	sdelay $0x3  }
0x96: {  	_ =	strace s3  }
0x97: {  	_ =	strace $0x8FFFFFFF  }
0x98: {  	s19 =	sld [smem:$0x3FDB];
	_ =	sdelay $0x1  }
0x99: {  	s4 =	simm.s32 $_scs_section_size  }
0x9a: {  	s5 =	simm.s32 $_size__tile_overlayer_lowered;
	s6 =	simm.s32 $_tile_overlayer_lowered  }
0x9b: {  	s22 =	simm.s32 $0x1BFF;
	s21 =	sshll.u32 s6, $0x1;
	s3 =	sadd.s32 s4, s19  }
0x9c: {  	s7 =	simm.s32 $0x0;
	s20 =	sshll.u32 s5, $0x1;
	s5 =	sadd.s32 s21, s3  }
0x9d: {  	[timem:s7], [sflag:s22] =	dma.local [hbm:s5], s20  }
0x9e: {  	_ =	swait.ge [sflag:s22], s20  }
0x9f: {  	s4 =	ssub.s32 $0x0, s20;
	[sflag:s22] =	ssyncset.done $0x0  }
0xa0: {  	[sflag:s22] =	ssyncadd.s32 s4;
	_ =	sdelay $0x1  }
0xa1: {  	s23 =	simm.s32 $0x1B8B  }
0xa2: {  	_ =	swait.ge [sflag:s23], $0x1  }
0xa3: {  	[sflag:s23] =	ssyncset.done $0x0  }
0xa4: {  	s25 =	simm.s32 $0x1B8E;
	s24 =	sld [smem:$0x3FFE];
	[sflag:s23] =	ssyncadd.s32 $0xFFFFFFFF  }
0xa5: {  	s26 =	simm.s32 $execute0_lowered;
	[smem:$0x3FD2] =	sst s25  }
0xa6: {  	s5 =	sshll.u32 s26, $0x1;
	_ =	strace $0x80000049;
	[dreg:$0x1] =	wrdreg $0xFFFFFFFF  }
0xa7: {  	s28 =	simm.s32 $_size_execute0_lowered;
	s3 =	sadd.s32 s3, s5;
	[dreg:$0x0] =	wrdreg $0x0  }
0xa8: {  	s5 =	sshll.u32 s28, $0x1;
	[dreg:$0x2] =	wrdreg s3  }
0xa9: {  	[dreg:$0x3] =	wrdreg s5  }
0xaa: {  	[dreg:$0x4] =	wrdreg $0xC0  }
0xab: {  	_ =	task [dreg:s7], $0x5FFFF  }
0xac: {  	[dreg:$0x1] =	wrdreg $0xFFFFFFFF  }
0xad: {  	[dreg:$0x0] =	wrdreg $0x60  }
0xae: {  	[dreg:$0x2] =	wrdreg s2  }
0xaf: {  	[dreg:$0x3] =	wrdreg s24  }
0xb0: {  	[dreg:$0x4] =	wrdreg $0x9  }
0xb1: {  	_ =	task.clear_ibuf [dreg:s7], $0x5FFFF;
	_ =	strace $0x90000049  }
0xb2: {  	s29 =	simm.s32 $0x9;
	_ =	strace $0x8000004B  }
0xb3: {  	_ =	swait.ge [sflag:s29], $0x1  }
0xb4: {  	[sflag:s29] =	ssyncadd.s32 $0xFFFFFFFF  }
0xb5: {  	_ =	strace $0x9000004B  }
0xb6: {  	_ =	sfence  }
0xb7: {  	s30 =	sld [smem:$0x0];
	_ =	sdelay $0x2  }
0xb8: {  	s31 =	sshll.u32 s1, $0xD;
	s1 =	sshrl.u32 s1, $0x2  }
0xb9: {  	s3 =	sand.u32 $0x4000, s31;
	s1 =	sadd.s32 s1, s30  }
0xba: {  	s0 =	sor.u32 s3, s0;
	s1 =	sshll.u32 s1, $0x11  }
0xbb: {  	s0 =	sor.u32 s1, s0  }
0xbc: {  	s0 =	sadd.s32 $0x8F2B, s0  }
0xbd: {  	[sflag:s0] =	ssyncadd.remote.s32 $0x1  }
0xbe: {  	_ =	sfence.sel $0xFFFF  }
0xbf: {  	[dreg:$0x0] =	wrdreg $0xFFFFFFFF;
	(pc) =	sbr.abs _section_cstart, $3  }
0xc0: {  	[dreg:$0x1] =	wrdreg $0xFFFFFFFF  }
0xc1: {  	_ =	task.clear_ibuf [dreg:s7], $0x2FFFF;
	_ =	strace $0x9FFFFFFF  }
0xc2: {  	(tm) =	ssettm $0x7FFFFFFF  }
0xc3: {  	_ =	shalt  }
tec
execute0_lowered:
.L_overlay_start_1:
0x0: {  	(tag) =	ssettag $0x1  }
0x1: {  	s1 =	srdreg.scid;
	s4 =	rddreg [dreg:$0x0]  }
0x2: {  	s0 =	stileid.u32;
	s5 =	rddreg [dreg:$0x1]  }
0x3: {  	s2 =	simm.s32 $0x0;
	s12 =	simm.s32 $0x48;
	s13 =	simm.s32 $0x8400  }
0x4: {  	s15 =	simm.s32 $0x9600;
	s17 =	simm.s32 $0xB600;
	s18 =	simm.s32 $0x1  }
0x5: {  	s19 =	simm.s32 $0x40;
	s20 =	simm.s32 $0x2;
	s21 =	simm.s32 $0x3  }
0x6: {  	s22 =	simm.s32 $0x4;
	s28 =	simm.s32 $0x0;
	s1 =	sand.u32 $0x1, s1  }
0x7: {  	s3 =	sshll.u32 s0, $0x8;
	[smem:$0x7FF] =	sst s2;
	s7 =	smul.u32 $0xC8000, s0  }
0x8: {  	s9 =	smul.u32 $0x640000, s0;
	s10 =	sadd.s32 $0xF43600, s5;
	s6 =	sshll.u32 s1, $0x7  }
0x9: {  	_ =	strace $0x8000004A;
	s8 =	ssub.s32 $0x2, s1;
	s11 =	smul.u32 $0x320000, s1  }
0xa: {  	s1 =	smul.u32 $0x64000, s1;
	s3 =	sor.u32 s6, s3;
	s23 =	sshrl.u32 s8, $0x1  }
0xb: {  	s25 =	sadd.s32 s7, s10;
	s6 =	smul.u32 $0x19, s3;
	s3 =	sadd.s32 $0x1200, s5  }
0xc: {  	s5 =	ssub.s32 s8, s23;
	s26 =	sadd.s32 s11, s9;
	s1 =	sadd.s32 s1, s25  }
0xd: {  	s9 =	simm.s32 $0x9;
	s11 =	simm.s32 $0x6400;
	s23 =	simm.s32 $0x5  }
.Ltmp0:
0xe: {  	s25 =	simm.s32 $0x7;
	s5 =	smax.u32 s5, $0x1;
	(pc) =	sbr.rel .LBB2_1-.Ltmp0, $4  }
0xf: {  	s29 =	sor.u32 $0xA400, s26;
	s7 =	sor.u32 $0x4000, s26;
	s26 =	simm.s32 $0x8  }
0x10: {  	s24 =	sadd.s32 s4, s6;
	s6 =	sadd.s32 $0xC80, s1;
	s30 =	sshrl.u32 s29, $0x3  }
0x11: {  	s31 =	sshrl.u32 s7, $0x3;
	[dreg:$0x3] =	wrdreg s24;
	s7 =	sadd.s32 s30, s10  }
0x12: {  	s8 =	sadd.s32 s31, s10;
	s10 =	simm.s32 $0x80;
	s24 =	simm.s32 $0x6  }
.LBB2_4:
0x13: {  	_ =	swait.ge [sflag:s23], $0x2000  }
0x14: {  	[sflag:s23] =	ssyncset.done $0x0  }
0x15: {  	[sflag:s23] =	ssyncadd.s32 $0xFFFFE000  }
0x16: {  	_ =	swait.ge [sflag:s24], $0x1200  }
0x17: {  	[sflag:s24] =	ssyncset.done $0x0  }
0x18: {  	s28 =	sadd.s32 $0x1, s28;
	[sflag:s24] =	ssyncadd.s32 $0xFFFFEE00  }
0x19: {  	p0 =	sne.s32 s28, s5;
	_ =	swait.ge [sflag:s25], $0x2000  }
.Ltmp1:
0x1a: {  	[sflag:s25] =	ssyncset.done $0x0;
	(pc) =	sbr.rel @!p0 .LBB2_5-.Ltmp1, $4  }
0x1b: {  	[sflag:s25] =	ssyncadd.s32 $0xFFFFE000  }
0x1c: {  	_ =	swait.ge [sflag:s26], $0x1200  }
0x1d: {  	[sflag:s26] =	ssyncset.done $0x0  }
0x1e: {  	[sflag:s26] =	ssyncadd.s32 $0xFFFFEE00  }
.LBB2_1:
0x1f: {  	s0 =	simm.s32 $0x0;
	s1 =	rddreg [dreg:$0x3]  }
0x20: {  	[tilespmem:s0], [sflag:$0x9] =	stream.linear.gather [hbm4b:s1+s0], $0x6400, $0x38;
	[tilespmem:$0xC800] =	vst v63  }
0x21: {  	_ =	swait.ge [sflag:s9], $0x6400  }
0x22: {  	[sflag:s9] =	ssyncset.done $0x0  }
0x23: {  	[sflag:s9] =	ssyncadd.s32 $0xFFFF9C00  }
0x24: {  	[tilespmem:s11], [sflag:$0x1] =	stream.indirect.gather [hbm4b:s3+s10], $0x40, s0, s10, $0xb8;
	[tilespmem:$0xC800] =	vst v63  }
0x25: {  	_ = 	snop  }
0x26: {  	[tilespmem:s13], [sflag:$0x2] =	stream.indirect.gather [hbm4b:s3+s12], $0x40, s10, s12, $0xb8;
	[tilespmem:$0xC800] =	vst v63  }
0x27: {  	s14 =	simm.s32 $0xC8;
	s16 =	simm.s32 $0x148;
	s29 =	smov.u32 s8  }
0x28: {  	[tilespmem:s15], [sflag:$0x3] =	stream.indirect.gather [hbm4b:s3+s10], $0x40, s14, s10, $0xb8;
	[tilespmem:$0xC800] =	vst v63  }
0x29: {  	s30 =	smov.u32 s7;
	s31 =	smov.u32 s6;
	s1 =	simm.s32 $0x0  }
0x2a: {  	[tilespmem:s17], [sflag:$0x4] =	stream.indirect.gather [hbm4b:s3+s12], $0x40, s16, s12, $0xb8;
	[tilespmem:$0xC800] =	vst v63  }
.LBB2_2:
0x2b: {  	_ =	swait.ge [sflag:s18], $0x2000  }
0x2c: {  	[sflag:s18] =	ssyncset.done $0x0  }
0x2d: {  	s0 =	sadd.s32 $0xFFFFF380, s31;
	p0 =	seq.s32 s1, $0x189C0;
	[sflag:s18] =	ssyncadd.s32 $0xFFFFE000  }
0x2e: {  	[hbm4b:s0+s19] =	stream.strided.scatter [tilespmem:s11], [sflag:$0x5], $0x2000, s10, s19, $0x38;
	[tilespmem:$0xC800] =	vst v63  }
0x2f: {  	s0 =	simm.s32 @!p0 $0x5  }
0x30: {  	_ =	swait.ge @!p0 [sflag:s0], $0x2000  }
0x31: {  	[sflag:s0] =	ssyncset.done @!p0 $0x0  }
0x32: {  	[sflag:s0] =	ssyncadd.s32 @!p0 $0xFFFFE000;
	s0 =	sshra.s32 @!p0 s1, $0x2  }
0x33: {  	s16 =	simm.s32 @!p0 $0x80;
	s2 =	simm.s32 @!p0 $0x6400;
	s14 =	sadd.s32 @!p0 $0x190, s0  }
0x34: {  	[tilespmem:s2], [sflag:$0x1] =	stream.indirect.gather @!p0 [hbm4b:s3+s16], $0x40, s14, s16, $0xb8;
	[tilespmem:$0xC800] =	vst v63  }
0x35: {  	_ =	swait.ge [sflag:s20], $0x1200  }
0x36: {  	[sflag:s20] =	ssyncset.done $0x0  }
0x37: {  	s2 =	simm.s32 @!p0 $0x6;
	[sflag:s20] =	ssyncadd.s32 $0xFFFFEE00  }
0x38: {  	[hbm4b:s29+s19] =	stream.strided.scatter [tilespmem:s13], [sflag:$0x6], $0x1200, s10, s19, $0x38;
	[tilespmem:$0xC800] =	vst v63  }
0x39: {  	_ =	swait.ge @!p0 [sflag:s2], $0x1200  }
0x3a: {  	s4 =	simm.s32 @!p0 $0x8400;
	[sflag:s2] =	ssyncset.done @!p0 $0x0  }
0x3b: {  	s14 =	simm.s32 @!p0 $0x48;
	[sflag:s2] =	ssyncadd.s32 @!p0 $0xFFFFEE00;
	s2 =	sadd.s32 @!p0 $0x210, s0  }
0x3c: {  	[tilespmem:s4], [sflag:$0x2] =	stream.indirect.gather @!p0 [hbm4b:s3+s14], $0x40, s2, s14, $0xb8;
	[tilespmem:$0xC800] =	vst v63  }
0x3d: {  	_ =	swait.ge [sflag:s21], $0x2000  }
0x3e: {  	[sflag:s21] =	ssyncset.done $0x0  }
0x3f: {  	s2 =	simm.s32 @!p0 $0x7;
	[sflag:s21] =	ssyncadd.s32 $0xFFFFE000  }
0x40: {  	[hbm4b:s31+s19] =	stream.strided.scatter [tilespmem:s15], [sflag:$0x7], $0x2000, s10, s19, $0x38;
	[tilespmem:$0xC800] =	vst v63  }
0x41: {  	_ =	swait.ge @!p0 [sflag:s2], $0x2000  }
0x42: {  	[sflag:s2] =	ssyncset.done @!p0 $0x0  }
0x43: {  	s0 =	sadd.s32 @!p0 $0x258, s0;
	[sflag:s2] =	ssyncadd.s32 @!p0 $0xFFFFE000;
	s2 =	simm.s32 @!p0 $0x9600  }
0x44: {  	[tilespmem:s2], [sflag:$0x3] =	stream.indirect.gather @!p0 [hbm4b:s3+s16], $0x40, s0, s16, $0xb8;
	[tilespmem:$0xC800] =	vst v63  }
.Ltmp2:
0x45: {  	_ = 	snop;
	(pc) =	sbr.rel @p0 .LBB2_4-.Ltmp2, $4  }
0x46: {  	_ =	swait.ge [sflag:s22], $0x1200  }
0x47: {  	[sflag:s22] =	ssyncset.done $0x0  }
0x48: {  	[sflag:s22] =	ssyncadd.s32 $0xFFFFEE00  }
0x49: {  	[hbm4b:s30+s19] =	stream.strided.scatter [tilespmem:s17], [sflag:$0x8], $0x1200, s10, s19, $0x38;
	[tilespmem:$0xC800] =	vst v63  }
.Ltmp3:
0x4a: {  	(pc) =	sbr.rel .LBB2_2-.Ltmp3, $4  }
0x4b: {  	_ =	swait.ge [sflag:s26], $0x1200;
	s0 =	sshra.s32 s1, $0x2;
	s1 =	sadd.s32 $0x640, s1  }
0x4c: {  	s31 =	sadd.s32 $0x1900, s31;
	s30 =	sadd.s32 $0x1900, s30;
	[sflag:s26] =	ssyncset.done $0x0  }
0x4d: {  	s29 =	sadd.s32 $0x1900, s29;
	s0 =	sadd.s32 $0x2D8, s0;
	[sflag:s26] =	ssyncadd.s32 $0xFFFFEE00  }
0x4e: {  	[tilespmem:s17], [sflag:$0x4] =	stream.indirect.gather [hbm4b:s3+s12], $0x40, s0, s12, $0xb8;
	[tilespmem:$0xC800] =	vst v63  }
.LBB2_5:
0x4f: {  	_ =	sfence.sel $0x180000  }
0x50: {  	[bflag:$0x0] =	sbarrier.arrive $0xFFFF  }
0x51: {  	_ =	strace $0x9000004A  }
0x52: {  	s0 =	stileid.u32;
	[bflag:$0x2] =	sbarrier.arrive $0xFFFF  }
0x53: {  	p0 =	sne.s32 s0, $0x0;
	s0 =	rddreg [dreg:$0x2]  }
0x54: {  	s0 =	sadd.s32 @!p0 $0x100000, s0  }
0x55: {  	[sflag:s0] =	ssyncadd.tile.s32 @!p0 $0x1;
	_ =	shalt  }
.Lfunc_end2:
_tile_overlayer_lowered:
.L_overlay_start_2:
0x56: {  	(tag) =	ssettag $0x2  }
0x57: {  	s0 =	rddreg [dreg:$0x0];
	s2 =	stileid.u32  }
0x58: {  	s1 =	rddreg [dreg:$0x1];
	p0 =	sne.s32 s2, $0x0  }
0x59: {  	s3 =	rddreg [dreg:$0x2];
	[bflag:$0x3] =	sbarrier.arrive $0xFFFF;
	s2 =	simm.s32 @!p0 $0x1C09  }
0x5a: {  	[timem:s3], [sflag:s2] =	dma.local @!p0 [hbm:s0], s1  }
0x5b: {  	s0 =	simm.s32 @!p0 $0x9  }
0x5c: {  	_ =	swait.ge @!p0 [sflag:s0], s1  }
0x5d: {  	s1 =	ssub.s32 @!p0 $0x0, s1;
	[sflag:s0] =	ssyncset.done @!p0 $0x0  }
0x5e: {  	[sflag:s0] =	ssyncadd.s32 @!p0 s1  }
0x5f: {  	[bflag:$0x3] =	sbarrier.arrive $0xFFFF  }
0x60: {  	_ =	shalt  }

// kernel: sparse-core-data-format-call.cloned.1.call-start
scs
called_computation_lowered:
.L_overlay_start_0:
0x0: {  	s2 =	sld [smem:$0x3FD9]  }
0x1: {  	s3 =	sld [smem:$0x3FFE];
	_ =	sdelay $0x1  }
0x2: {  	s1 =	srdreg.scid  }
0x3: {  	s0 =	sand.u32 $0x1, s1  }
0x4: {  	s18 =	sshll.u32 s0, $0xA;
	s2 =	sadd.s32 s3, s2  }
0x5: {  	s2 =	sadd.s32 s2, s18  }
0x6: {  	[smem:$0x3FC6] =	sst s2  }
0x7: {  	_ = 	snop  }
0x8: {  	s2 =	sld [smem:$0x3FD0];
	(tm) =	ssettm $0x1  }
0x9: {  	s19 =	sld [smem:$0x3FFB];
	_ =	sdelay $0x3  }
0xa: {  	_ =	strace s19  }
0xb: {  	s3 =	sld [smem:$0x3FFC];
	_ =	sdelay $0x3  }
0xc: {  	_ =	strace s3  }
0xd: {  	s3 =	sld [smem:$0x3FFD];
	_ =	sdelay $0x3  }
0xe: {  	_ =	strace s3  }
0xf: {  	_ =	strace $0x8FFFFFFF  }
0x10: {  	s20 =	sld [smem:$0x3FDB];
	_ =	sdelay $0x1  }
0x11: {  	s4 =	simm.s32 $_scs_section_size  }
0x12: {  	s5 =	simm.s32 $_size__tile_overlayer_lowered;
	s6 =	simm.s32 $_tile_overlayer_lowered  }
0x13: {  	s23 =	simm.s32 $0x1BFF;
	s22 =	sshll.u32 s6, $0x1;
	s3 =	sadd.s32 s4, s20  }
0x14: {  	s7 =	simm.s32 $0x0;
	s21 =	sshll.u32 s5, $0x1;
	s5 =	sadd.s32 s22, s3  }
0x15: {  	[timem:s7], [sflag:s23] =	dma.local [hbm:s5], s21  }
0x16: {  	_ =	swait.ge [sflag:s23], s21  }
0x17: {  	s4 =	ssub.s32 $0x0, s21;
	[sflag:s23] =	ssyncset.done $0x0  }
0x18: {  	[sflag:s23] =	ssyncadd.s32 s4;
	_ =	sdelay $0x1  }
0x19: {  	s24 =	simm.s32 $0x1B8B  }
0x1a: {  	_ =	swait.ge [sflag:s24], $0x1  }
0x1b: {  	[sflag:s24] =	ssyncset.done $0x0  }
0x1c: {  	s26 =	simm.s32 $0x1B8E;
	s25 =	sld [smem:$0x3FFE];
	[sflag:s24] =	ssyncadd.s32 $0xFFFFFFFF  }
0x1d: {  	s27 =	simm.s32 $execute0_lowered;
	[smem:$0x3FD2] =	sst s26  }
0x1e: {  	s5 =	sshll.u32 s27, $0x1;
	_ =	strace $0x8000004C;
	[dreg:$0x1] =	wrdreg $0xFFFFFFFF  }
0x1f: {  	s28 =	simm.s32 $_size_execute0_lowered;
	s3 =	sadd.s32 s3, s5;
	[dreg:$0x0] =	wrdreg $0x0  }
0x20: {  	s5 =	sshll.u32 s28, $0x1;
	[dreg:$0x2] =	wrdreg s3  }
0x21: {  	[dreg:$0x3] =	wrdreg s5  }
0x22: {  	[dreg:$0x4] =	wrdreg $0xC0  }
0x23: {  	_ =	task [dreg:s7], $0x5FFFF  }
0x24: {  	[dreg:$0x1] =	wrdreg $0xFFFFFFFF  }
0x25: {  	[dreg:$0x0] =	wrdreg $0x60  }
0x26: {  	[dreg:$0x2] =	wrdreg s25  }
0x27: {  	[dreg:$0x3] =	wrdreg s2  }
0x28: {  	[dreg:$0x4] =	wrdreg $0x9  }
0x29: {  	_ =	task.clear_ibuf [dreg:s7], $0x5FFFF;
	_ =	strace $0x9000004C  }
0x2a: {  	s29 =	simm.s32 $0x9;
	_ =	strace $0x8000004E  }
0x2b: {  	_ =	swait.ge [sflag:s29], $0x1  }
0x2c: {  	[sflag:s29] =	ssyncadd.s32 $0xFFFFFFFF  }
0x2d: {  	_ =	strace $0x9000004E  }
0x2e: {  	_ =	sfence  }
0x2f: {  	s30 =	sld [smem:$0x0];
	_ =	sdelay $0x2  }
0x30: {  	s31 =	sshll.u32 s1, $0xD;
	s1 =	sshrl.u32 s1, $0x2  }
0x31: {  	s3 =	sand.u32 $0x4000, s31;
	s1 =	sadd.s32 s1, s30  }
0x32: {  	s0 =	sor.u32 s3, s0;
	s1 =	sshll.u32 s1, $0x11  }
0x33: {  	s0 =	sor.u32 s1, s0  }
0x34: {  	s0 =	sadd.s32 $0x8F2B, s0  }
0x35: {  	[sflag:s0] =	ssyncadd.remote.s32 $0x1  }
0x36: {  	_ =	sfence.sel $0xFFFF  }
0x37: {  	[dreg:$0x0] =	wrdreg $0xFFFFFFFF;
	(pc) =	sbr.abs _section_cstart, $3  }
0x38: {  	[dreg:$0x1] =	wrdreg $0xFFFFFFFF  }
0x39: {  	_ =	task.clear_ibuf [dreg:s7], $0x2FFFF;
	_ =	strace $0x9FFFFFFF  }
0x3a: {  	(tm) =	ssettm $0x7FFFFFFF  }
0x3b: {  	_ =	shalt  }
tec
execute0_lowered:
.L_overlay_start_1:
0x0: {  	(tag) =	ssettag $0x1  }
0x1: {  	s0 =	srdreg.scid  }
0x2: {  	s1 =	sshll.u32 s0, $0x4  }
0x3: {  	s0 =	stileid.u32;
	s1 =	sand.u32 $0x10, s1  }
0x4: {  	s1 =	sor.u32 s0, s1  }
0x5: {  	s6 =	rddreg [dreg:$0x0];
	s4 =	simm.s32 $0x1;
	s2 =	sshll.u32 s1, $0x7  }
0x6: {  	s7 =	simm.s32 $0x2;
	s12 =	simm.s32 $0x0;
	s1 =	ssub.s32 $0x1000, s2  }
0x7: {  	s8 =	simm.s32 $0x8000;
	s13 =	simm.s32 $0x0;
	s3 =	sand.u32 $0xF80, s1  }
0x8: {  	s9 =	simm.s32 $0x0;
	s5 =	sshrl.u32 s1, $0xC;
	p0 =	sne.s32 s3, $0x0  }
.Ltmp0:
0x9: {  	s1 =	rddreg [dreg:$0x2];
	s4 =	simm.s32 @!p0 $0x0;
	(pc) =	sbr.rel .LBB1_1-.Ltmp0, $4  }
0xa: {  	s11 =	simm.s32 $0x0;
	s3 =	rddreg [dreg:$0x1];
	s5 =	sadd.s32 s4, s5  }
0xb: {  	_ =	strace $0x8000004D;
	s4 =	simm.s32 $0x1;
	s5 =	smul.u32 $0xC8, s5  }
0xc: {  	s6 =	sadd.s32 $0xF43600, s6;
	s10 =	smov.u32 s2;
	[sflag:s4] =	ssyncpa.u1 $0x0  }
0xd: {  	p0 =	por $0x0, $0x0;
	[sflag:s7] =	ssyncpa.u1 $0x0;
	s7 =	sor.u32 $0x1, s5  }
.LBB1_4:
0xe: {  	s16 =	sshll.u32 s13, $0x3;
	s17 =	sand.u32 $0x78, s13  }
0xf: {  	s30 =	sand.u32 $0x7E00, s13;
	s12 =	sshll.u32 s12, $0xF;
	s16 =	sand.u32 $0xC00, s16  }
0x10: {  	[tilespmem:s15+$0x810 ss:$0x81] =	vst.msk $0xffff, v2;
	s31 =	sand.u32 $0x7, s13;
	s16 =	sor.u32 s17, s16;
	s17 =	sadd.s32 s3, s30  }
0x11: {  	[tilespmem:s15+$0x1020 ss:$0x81] =	vst.msk $0xffff, v0;
	s13 =	sshll.u32 s31, $0x12;
	s12 =	sadd.s32 s12, s17;
	s16 =	sshrl.u32 s16, $0x3  }
0x12: {  	[tilespmem:s15+$0x0 ss:$0x81] =	vst.msk $0xffff, v1;
	s13 =	sor.u32 $0x400, s13;
	s12 =	sadd.s32 s16, s12  }
0x13: {  	[hbm4b:s12+s13] =	stream.strided.scatter [tilespmem:s14], [sflag:$0x2], $0x2000, s8, s13, $0x20;
	[tilespmem:$0x8080] =	vst v63  }
.LBB1_5:
0x14: {  	s14 =	sadd.s32 $0x1, s9  }
0x15: {  	s12 =	sadd.s32 $0x1000, s10;
	s16 =	smov.u32 s10;
	p2 =	sgt.s32 s14, $0xC7  }
0x16: {  	s16 =	smov.u32 @p2 s12  }
0x17: {  	s14 =	simm.s32 @p2 $0x0;
	p2 =	sgt.s32 s16, $0xFFF  }
0x18: {  	s16 =	smov.u32 @p2 s2;
	p2 =	sne.s32 s11, s7  }
.Ltmp1:
0x19: {  	p1 =	slt.u32 s11, $0x2;
	(pc) =	sbr.rel @!p2 .LBB1_6-.Ltmp1, $4  }
0x1a: {  	s15 =	simm.s32 @!p1 $0x2  }
0x1b: {  	s13 =	smov.u32 s10;
	p0 =	por !p0, !p0;
	_ =	swait.ge @!p1 [sflag:s15], $0x2000  }
0x1c: {  	s12 =	smov.u32 s9;
	[sflag:s15] =	ssyncset.done @!p1 $0x0;
	s9 =	smov.u32 s14  }
0x1d: {  	s11 =	sadd.s32 $0x1, s11;
	[sflag:s15] =	ssyncadd.s32 @!p1 $0xFFFFE000;
	s10 =	smov.u32 s16  }
.LBB1_1:
0x1e: {  	p1 =	sge.u32 s11, s5  }
0x1f: {  	s14 =	sand.u32 @!p1 $0x1FFFFFF, s9  }
0x20: {  	s15 =	smulhi.u32 @!p1 $0x147AE15, s14;
	_ =	sdelay $0x1  }
0x21: {  	s15 =	smul.u32 @!p1 $0xC8, s15  }
0x22: {  	s16 =	sxor.u32 @!p1 $0xFFFFFFFF, s11;
	s17 =	smul.u32 @!p1 $0xC80, s10  }
0x23: {  	s31 =	sadd.s32 $0xFFFFFFFF, s11;
	s16 =	sshll.u32 @!p1 s16, $0xD;
	s14 =	ssub.s32 @!p1 s14, s15  }
0x24: {  	s15 =	sand.u32 @!p1 $0x2000, s16;
	s16 =	sadd.s32 @!p1 s6, s17;
	s14 =	sshll.u32 @!p1 s14, $0x4  }
0x25: {  	s17 =	simm.s32 @!p1 $0x6400;
	s14 =	sadd.s32 @!p1 s14, s16;
	s16 =	simm.s32 @!p1 $0x40  }
0x26: {  	[tilespmem:s15], [sflag:$0x1] =	stream.strided.gather @!p1 [hbm4b:s14+s16], $0x2000, s17, s16, $0x38;
	[tilespmem:$0x8080] =	vst v63  }
0x27: {  	p1 =	sge.u32 s31, s5  }
.Ltmp2:
0x28: {  	_ = 	snop;
	(pc) =	sbr.rel @p1 .LBB1_5-.Ltmp2, $1  }
0x29: {  	_ =	sdelay $0x3  }
0x2a: {  	s14 =	simm.s32 $0x1  }
0x2b: {  	_ =	swait.ge [sflag:s4], $0x2000;
	s14 =	simm.s32 @!p0 $0x0  }
0x2c: {  	[sflag:s4] =	ssyncset.done $0x0;
	s15 =	sshll.u32 s14, $0xD  }
0x2d: {  	[sflag:s4] =	ssyncadd.s32 $0xFFFFE000;
	s18 =	sor.u32 $0x20, s15  }
0x2e: {  	s14 =	smul.u32 $0x8100, s14;
	v3 =	vld [tilespmem:s18+$0x10]  }
0x2f: {  	s30 =	sand.u32 $0x1, s11;
	v2 =	vld [tilespmem:s18+$0xFFFFFFF0]  }
0x30: {  	s15 =	smul.u32 $0x8100, s30;
	s14 =	sshrl.u32 s14, $0x2;
	v0 =	vld [tilespmem:s18+$0x0]  }
0x31: {  	v1 =	vld [tilespmem:s18+$0xFFFFFFE0];
	s16 =	sor.u32 $0x4000, s14  }
0x32: {  	s31 =	sshrl.u32 s15, $0x2;
	s15 =	sadd.s32 $0x0, s16  }
0x33: {  	s17 =	simm.s32 $0x4;
	s18 =	sadd.s32 $0x40, s18;
	s14 =	sor.u32 $0x4000, s31;
	[tilespmem:s15+$0x1830 ss:$0x81] =	vst.msk $0xffff, v3  }
.LBB1_3:
0x34: {  	v3 =	vld [tilespmem:s18+$0x10];
	p1 =	sne.s32 s17, $0x1FC;
	[tilespmem:s15+$0x810 ss:$0x81] =	vst.msk $0xffff, v2;
	s19 =	smov.u32 s17;
	s17 =	sadd.s32 $0x4, s17  }
.Ltmp3:
0x35: {  	v2 =	vld [tilespmem:s18+$0xFFFFFFF0];
	[tilespmem:s15+$0x1020 ss:$0x81] =	vst.msk $0xffff, v0;
	(pc) =	sbr.rel @p1 .LBB1_3-.Ltmp3, $4  }
0x36: {  	v0 =	vld [tilespmem:s18+$0x0];
	[tilespmem:s15+$0x0 ss:$0x81] =	vst.msk $0xffff, v1  }
0x37: {  	s15 =	sshra.s32 s19, $0x2;
	v1 =	vld [tilespmem:s18+$0xFFFFFFE0]  }
0x38: {  	s15 =	sadd.s32 s15, s16  }
0x39: {  	s18 =	sadd.s32 $0x40, s18;
	[tilespmem:s15+$0x1830 ss:$0x81] =	vst.msk $0xffff, v3  }
.Ltmp4:
0x3a: {  	_ = 	snop;
	(pc) =	sbr.rel .LBB1_4-.Ltmp4, $1  }
0x3b: {  	_ =	sdelay $0x3  }
.LBB1_6:
0x3c: {  	_ =	sfence.sel $0x180000  }
0x3d: {  	s2 =	simm.s32 $0x1;
	[bflag:$0x0] =	sbarrier.arrive $0xFFFF  }
0x3e: {  	s31 =	simm.s32 $0x2;
	[sflag:s2] =	ssyncpa.u1 $0x1  }
0x3f: {  	[sflag:s31] =	ssyncpa.u1 $0x1  }
0x40: {  	p0 =	sne.s32 s0, $0x0;
	_ =	strace $0x9000004D  }
0x41: {  	s0 =	sadd.s32 @!p0 $0x100000, s1;
	[bflag:$0x2] =	sbarrier.arrive $0xFFFF  }
0x42: {  	[sflag:s0] =	ssyncadd.tile.s32 @!p0 $0x1;
	_ =	shalt  }
.Lfunc_end1:
_tile_overlayer_lowered:
.L_overlay_start_2:
0x43: {  	(tag) =	ssettag $0x2  }
0x44: {  	s0 =	rddreg [dreg:$0x0];
	s2 =	stileid.u32  }
0x45: {  	s1 =	rddreg [dreg:$0x1];
	p0 =	sne.s32 s2, $0x0  }
0x46: {  	s3 =	rddreg [dreg:$0x2];
	[bflag:$0x3] =	sbarrier.arrive $0xFFFF;
	s2 =	simm.s32 @!p0 $0x1C01  }
0x47: {  	[timem:s3], [sflag:s2] =	dma.local @!p0 [hbm:s0], s1  }
0x48: {  	s0 =	simm.s32 @!p0 $0x1  }
0x49: {  	_ =	swait.ge @!p0 [sflag:s0], s1  }
0x4a: {  	s1 =	ssub.s32 @!p0 $0x0, s1;
	[sflag:s0] =	ssyncset.done @!p0 $0x0  }
0x4b: {  	[sflag:s0] =	ssyncadd.s32 @!p0 s1  }
0x4c: {  	[bflag:$0x3] =	sbarrier.arrive $0xFFFF  }
0x4d: {  	_ =	shalt  }

</sc_bundles>
